<compile_context>
chip_gen: v7x
topology: tpu7x:2x2x1
jax: 0.10.2.dev20260603
libtpu: 0.0.44.dev20260713+nightly
codegen_flags: <defaults>
</compile_context>

<pallas_src>
import functools

import jax
import jax.numpy as jnp
from jax import lax
from jax.experimental import pallas as pl
from jax.experimental.pallas import tpu as pltpu, tpu_sc as plsc

W = 128
NW = 32
L = 16


_MB = 2048


def _from_body(o_ref):
    mb, _ = o_ref.shape
    pid = pl.program_id(0)
    rowf = jax.lax.broadcasted_iota(jnp.int32, (mb, 128), 0).astype(jnp.float32)
    colf = jax.lax.broadcasted_iota(jnp.int32, (mb, 128), 1).astype(jnp.float32)
    q0 = (pid * (mb * 128)).astype(jnp.float32)
    qf = rowf * 128.0 + colf + (q0 + 0.5)
    o_ref[...] = (qf * (1.0 / 63.0)).astype(jnp.int32)


def _from_idx(e):
    ntile = (e + 127) // 128
    grid = (ntile + _MB - 1) // _MB
    out = pl.pallas_call(
        _from_body,
        grid=(grid,),
        out_specs=pl.BlockSpec((_MB, 128), lambda i: (i, 0)),
        out_shape=jax.ShapeDtypeStruct((ntile, 128), jnp.int32),
    )()
    return out.reshape(ntile * 128)[:e]


def kernel(neighbours, cell_indices):
    n, m = neighbours.shape
    mm = m - 1
    e = n * mm
    nchunks = (n + W - 1) // W
    wt = n - (nchunks - 1) * W
    tail_wid = (nchunks - 1) % NW
    ntile = (e + 127) // 128
    ep = ntile * 512
    cl = mm * W
    ctile = cl // 128

    nbT = neighbours.T
    cellT = cell_indices.transpose(2, 1, 0)

    mesh = plsc.VectorSubcoreMesh(core_axis_name="c", subcore_axis_name="s")

    @functools.partial(
        pl.kernel,
        mesh=mesh,
        compiler_params=pltpu.CompilerParams(needs_layout_passes=False),
        out_type=(
            jax.ShapeDtypeStruct((e,), jnp.int32),
            jax.ShapeDtypeStruct((ep,), jnp.float32),
        ),
        scratch_types=[
            pltpu.VMEM((m, W), jnp.int32),
            pltpu.VMEM((m, W), jnp.int32),
            pltpu.VMEM((3, m, W), jnp.float32),
            pltpu.VMEM((3, m, W), jnp.float32),
            pltpu.VMEM((mm * W,), jnp.int32),
            pltpu.VMEM((4 * mm * W,), jnp.float32),
            pltpu.SemaphoreType.DMA,
            pltpu.SemaphoreType.DMA,
            pltpu.SemaphoreType.DMA,
        ],
    )
    def k(nbT_h, cellT_h, to_h, cc_h,
          nbuf0, nbuf1, cb30, cb31, tobuf, cob,
          semin0, semin1, semout):
        nbufs = (nbuf0, nbuf1)
        cb3s = (cb30, cb31)
        semins = (semin0, semin1)
        cid = lax.axis_index("c")
        sid = lax.axis_index("s")
        wid = sid * 2 + cid
        iota = lax.iota(jnp.int32, L)
        iota63 = iota * mm

        def out_pairs(cidx, cw):
            cle = mm * cw
            clc = ((cle + 127) // 128) * 512
            return (
                (tobuf.at[pl.ds(0, cle)],
                 to_h.at[pl.ds(cidx * cl, cle)]),
                (cob.at[pl.ds(0, clc)],
                 cc_h.at[pl.ds(cidx * ctile * 512, clc)]),
            )

        nw = (nchunks - wid + NW - 1) // NW

        def issue_ins(cidx, s):
            pltpu.async_copy(nbT_h.at[:, pl.ds(cidx * W, W)], nbufs[s],
                             semins[s])
            pltpu.async_copy(cellT_h.at[:, :, pl.ds(cidx * W, W)], cb3s[s],
                             semins[s])

        def wait_ins(cidx, s):
            pltpu.make_async_copy(nbT_h.at[:, pl.ds(cidx * W, W)], nbufs[s],
                                  semins[s]).wait()
            pltpu.make_async_copy(cellT_h.at[:, :, pl.ds(cidx * W, W)],
                                  cb3s[s], semins[s]).wait()

        def half(t, cur):
            cidx = wid + t * NW
            r0 = cidx * W
            nbuf = nbufs[cur]
            cb3 = cb3s[cur]

            @pl.when(t + 1 < nw)
            def _():
                issue_ins(cidx + NW, cur ^ 1)

            @pl.when(t > 0)
            def _():
                for src, dst in out_pairs(cidx, W):
                    pltpu.make_async_copy(src, dst, semout).wait()

            wait_ins(cidx, cur)

            def body(jj, c2):
                j = jj + 1
                loads = [(nbuf[j, pl.ds(c * L, L)],
                          cb3[0, j, pl.ds(c * L, L)],
                          cb3[1, j, pl.ds(c * L, L)],
                          cb3[2, j, pl.ds(c * L, L)])
                         for c in range(W // L)]
                for c in range(W // L):
                    nv, k0, k1, k2 = loads[c]
                    qv = iota63 + (mm * (c * L) + jj)
                    plsc.store_scatter(tobuf, [qv], nv)
                    cidx0 = ((qv >> 7) << 9) + (qv & 127)
                    plsc.store_scatter(cob, [cidx0], k0)
                    plsc.store_scatter(cob, [cidx0 + 128], k1)
                    plsc.store_scatter(cob, [cidx0 + 256], k2)
                return c2

            lax.fori_loop(0, mm, body, 0)

            if wt == W:
                for src, dst in out_pairs(cidx, W):
                    pltpu.async_copy(src, dst, semout)
            else:
                @pl.when(cidx < nchunks - 1)
                def _():
                    for src, dst in out_pairs(cidx, W):
                        pltpu.async_copy(src, dst, semout)

                @pl.when(cidx == nchunks - 1)
                def _():
                    for src, dst in out_pairs(cidx, wt):
                        pltpu.async_copy(src, dst, semout).wait()

        issue_ins(wid, 0)

        def pair_body(tp, carry):
            half(2 * tp, 0)
            half(2 * tp + 1, 1)
            return carry

        lax.fori_loop(0, nw // 2, pair_body, 0)

        if True:
            @pl.when(lax.rem(nw, 2) == 1)
            def _():
                half(nw - 1, 0)

        if wt == W:
            for src, dst in out_pairs(0, W):
                pltpu.make_async_copy(src, dst, semout).wait()
        else:
            @pl.when(wid != tail_wid)
            def _():
                for src, dst in out_pairs(0, W):
                    pltpu.make_async_copy(src, dst, semout).wait()

    t, cc = k(nbT, cellT)
    f = _from_idx(e)
    cell = cc.reshape(ntile, 4, 128).transpose(0, 2, 1).reshape(ntile * 128, 4)
    return (f, t, cell[:e, :3])

# --- scband reference (transcript-rebuilt; emitter-appended) ---
"""Pipeline reference for scband-neighbour-list-13176959664670 (READ-ONLY COPY).

The authoritative reference and input builder live on the scoring server;
editing this copy changes nothing except your own understanding.
"""

import jax, jax.numpy as jnp
import numpy as np

MASK_VALUE = -1

N_PARTICLES = 50000
MAX_NEIGHBOURS = 64


def setup_inputs(seed: int = 0) -> dict:
    key = jax.random.key(seed)
    k1, k2 = jax.random.split(key)
    # neighbour indices in [0, N); no MASK_VALUE entries so edge count is deterministic
    neighbours = jax.random.randint(k1, (N_PARTICLES, MAX_NEIGHBOURS), 0, N_PARTICLES)
    # per-neighbour periodic cell shift vectors (float, 3D)
    cell_indices = jax.random.normal(k2, (N_PARTICLES, MAX_NEIGHBOURS, 3), dtype=jnp.float32)
    return {"neighbours": neighbours, "cell_indices": cell_indices}


def reference(neighbours, cell_indices):
    # Faithful translation of NeighbourList.get_edges(self_interaction=False)
    num_particles, max_neighbours = neighbours.shape
    mask = neighbours != MASK_VALUE
    mask = mask.at[:, 0].set(False)  # drop self-interaction column
    from_idx = jnp.repeat(jnp.arange(0, num_particles)[:, None], max_neighbours, axis=1)
    # Mask is False only in column 0 (setup_inputs draws neighbours in [0, N)),
    # so boolean selection in row-major order equals slicing columns 1: and flattening.
    m = mask[:, 1:].reshape(-1)
    from_sel = jnp.where(m, from_idx[:, 1:].reshape(-1), MASK_VALUE)
    to_sel = jnp.where(m, neighbours[:, 1:].reshape(-1), MASK_VALUE)
    cell_sel = jnp.where(m[:, None], cell_indices[:, 1:, :].reshape(-1, 3), MASK_VALUE)
    # Edges namedtuple fields: from_idx, to_idx, cell_shift
    return (from_sel, to_sel, cell_sel)

if __name__ == "__main__":
    import jax
    _d = setup_inputs()
    print(jax.jit(kernel)(*tuple(_d.values())))

</pallas_src>

<mosaic_0001>
#map = affine_map<(d0, d1) -> (0, 0)>
#map1 = affine_map<(d0, d1) -> (0, 0, 0)>
#map2 = affine_map<(d0, d1) -> (0)>
module attributes {stable_mosaic.version = 14 : i64} {
  func.func @k(%arg0: i32, %arg1: i32, %arg2: memref<64x50000xi32, #tpu.memory_space<hbm>>, %arg3: memref<3x64x50000xf32, #tpu.memory_space<hbm>>, %arg4: memref<3150000xi32, #tpu.memory_space<hbm>>, %arg5: memref<12600320xf32, #tpu.memory_space<hbm>>, %arg6: memref<64x128xi32, #tpu.memory_space<vmem>>, %arg7: memref<64x128xi32, #tpu.memory_space<vmem>>, %arg8: memref<3x64x128xf32, #tpu.memory_space<vmem>>, %arg9: memref<3x64x128xf32, #tpu.memory_space<vmem>>, %arg10: memref<8064xi32, #tpu.memory_space<vmem>>, %arg11: memref<32256xf32, #tpu.memory_space<vmem>>, %arg12: memref<!tpu.dma_semaphore, #tpu.memory_space<semaphore_mem>>, %arg13: memref<!tpu.dma_semaphore, #tpu.memory_space<semaphore_mem>>, %arg14: memref<!tpu.dma_semaphore, #tpu.memory_space<semaphore_mem>>) attributes {dimension_semantics = [#tpu.dimension_semantics<core_parallel>, #tpu.dimension_semantics<subcore_parallel>], iteration_bounds = array<i64: 2, 16>, scalar_prefetch = 0 : i64, scratch_operands = 9 : i64, tpu.core_type = #tpu.core_type<sc_vector_subcore>, window_params = [{transform_indices = #map}, {transform_indices = #map1}, {transform_indices = #map2}, {transform_indices = #map2}]} {
    %mul3A = arith.constant 2 : i32
    %mul3A_0 = arith.muli %arg1, %mul3A : i32
    %add3A = arith.addi %mul3A_0, %arg0 : i32
    %iota3A = tpu.iota {dimensions = array<i32: 0>} : vector<16xi32>
    %mul3A_1 = arith.constant 63 : i32
    %mul3A_2 = vector.broadcast %mul3A_1 : i32 to vector<16xi32>
    %mul3A_3 = arith.muli %iota3A, %mul3A_2 : vector<16xi32>
    %sub3A = arith.constant 391 : i32
    %sub3A_4 = arith.subi %sub3A, %add3A : i32
    %add3A_5 = arith.constant 32 : i32
    %add3A_6 = arith.addi %sub3A_4, %add3A_5 : i32
    %sub3A_7 = arith.constant 1 : i32
    %sub3A_8 = arith.subi %add3A_6, %sub3A_7 : i32
    %jit3A = arith.constant 32 : i32
    %div3A = arith.divsi %sub3A_8, %jit3A : i32
    %sign3A = arith.constant 0 : i32
    %sign3A_9 = arith.cmpi sgt, %sub3A_8, %sign3A : i32
    %sign3A_10 = arith.extui %sign3A_9 : i1 to i32
    %sign3A_11 = arith.constant 0 : i32
    %sign3A_12 = arith.cmpi slt, %sub3A_8, %sign3A_11 : i32
    %sign3A_13 = arith.extui %sign3A_12 : i1 to i32
    %sign3A_14 = arith.subi %sign3A_10, %sign3A_13 : i32
    %sign3A_15 = arith.constant 0 : i32
    %sign3A_16 = arith.cmpi sgt, %jit3A, %sign3A_15 : i32
    %sign3A_17 = arith.extui %sign3A_16 : i1 to i32
    %sign3A_18 = arith.constant 0 : i32
    %sign3A_19 = arith.cmpi slt, %jit3A, %sign3A_18 : i32
    %sign3A_20 = arith.extui %sign3A_19 : i1 to i32
    %sign3A_21 = arith.subi %sign3A_17, %sign3A_20 : i32
    %ne3A = arith.cmpi ne, %sign3A_14, %sign3A_21 : i32
    %rem3A = arith.remsi %sub3A_8, %jit3A : i32
    %ne3A_22 = arith.constant 0 : i32
    %ne3A_23 = arith.cmpi ne, %rem3A, %ne3A_22 : i32
    %and3A = arith.andi %ne3A, %ne3A_23 : i1
    %sub3A_24 = arith.constant 1 : i32
    %sub3A_25 = arith.subi %div3A, %sub3A_24 : i32
    %select_n3A = arith.select %and3A, %sub3A_25, %div3A : i32
    %mul3A_26 = arith.constant 128 : i32
    %mul3A_27 = arith.muli %add3A, %mul3A_26 : i32
    %dma_start3A = arith.constant 0 : i32
    %dma_start3A_28 = tpu.memref_slice %arg2[%dma_start3A, %mul3A_27] : memref<64x50000xi32, #tpu.memory_space<hbm>> -> memref<64x128xi32, #tpu.memory_space<hbm>>
    %dma_start3A_29 = arith.constant 0 : i32
    %dma_start3A_30 = tpu.memref_slice %arg2[%dma_start3A_29, %mul3A_27] : memref<64x50000xi32, #tpu.memory_space<hbm>> -> memref<64x128xi32, #tpu.memory_space<hbm>>
    tpu.enqueue_dma source(%dma_start3A_30 : memref<64x128xi32, #tpu.memory_space<hbm>>) target(%arg6 : memref<64x128xi32, #tpu.memory_space<vmem>>) target_semaphore(%arg12 : memref<!tpu.dma_semaphore, #tpu.memory_space<semaphore_mem>>)
    %mul3A_31 = arith.constant 128 : i32
    %mul3A_32 = arith.muli %add3A, %mul3A_31 : i32
    %dma_start3A_33 = arith.constant 0 : i32
    %dma_start3A_34 = arith.constant 0 : i32
    %dma_start3A_35 = tpu.memref_slice %arg3[%dma_start3A_33, %dma_start3A_34, %mul3A_32] : memref<3x64x50000xf32, #tpu.memory_space<hbm>> -> memref<3x64x128xf32, #tpu.memory_space<hbm>>
    %dma_start3A_36 = arith.constant 0 : i32
    %dma_start3A_37 = arith.constant 0 : i32
    %dma_start3A_38 = tpu.memref_slice %arg3[%dma_start3A_36, %dma_start3A_37, %mul3A_32] : memref<3x64x50000xf32, #tpu.memory_space<hbm>> -> memref<3x64x128xf32, #tpu.memory_space<hbm>>
    tpu.enqueue_dma source(%dma_start3A_38 : memref<3x64x128xf32, #tpu.memory_space<hbm>>) target(%arg8 : memref<3x64x128xf32, #tpu.memory_space<vmem>>) target_semaphore(%arg12 : memref<!tpu.dma_semaphore, #tpu.memory_space<semaphore_mem>>)
    %jit3A_39 = arith.constant 2 : i32
    %div3A_40 = arith.divsi %select_n3A, %jit3A_39 : i32
    %sign3A_41 = arith.constant 0 : i32
    %sign3A_42 = arith.cmpi sgt, %select_n3A, %sign3A_41 : i32
    %sign3A_43 = arith.extui %sign3A_42 : i1 to i32
    %sign3A_44 = arith.constant 0 : i32
    %sign3A_45 = arith.cmpi slt, %select_n3A, %sign3A_44 : i32
    %sign3A_46 = arith.extui %sign3A_45 : i1 to i32
    %sign3A_47 = arith.subi %sign3A_43, %sign3A_46 : i32
    %sign3A_48 = arith.constant 0 : i32
    %sign3A_49 = arith.cmpi sgt, %jit3A_39, %sign3A_48 : i32
    %sign3A_50 = arith.extui %sign3A_49 : i1 to i32
    %sign3A_51 = arith.constant 0 : i32
    %sign3A_52 = arith.cmpi slt, %jit3A_39, %sign3A_51 : i32
    %sign3A_53 = arith.extui %sign3A_52 : i1 to i32
    %sign3A_54 = arith.subi %sign3A_50, %sign3A_53 : i32
    %ne3A_55 = arith.cmpi ne, %sign3A_47, %sign3A_54 : i32
    %rem3A_56 = arith.remsi %select_n3A, %jit3A_39 : i32
    %ne3A_57 = arith.constant 0 : i32
    %ne3A_58 = arith.cmpi ne, %rem3A_56, %ne3A_57 : i32
    %and3A_59 = arith.andi %ne3A_55, %ne3A_58 : i1
    %sub3A_60 = arith.constant 1 : i32
    %sub3A_61 = arith.subi %div3A_40, %sub3A_60 : i32
    %select_n3A_62 = arith.select %and3A_59, %sub3A_61, %div3A_40 : i32
    %while3A = arith.constant 0 : i32
    %while3A_63 = arith.constant 0 : i32
    %while3A_64 = arith.subi %select_n3A_62, %while3A_63 : i32
    %while3A_65 = arith.addi %while3A_63, %while3A_64 : i32
    %while3A_66 = arith.constant 1 : i32
    %while3A_67 = arith.divsi %while3A_64, %while3A_66 : i32
    %while3A_68 = arith.muli %while3A_67, %while3A_66 : i32
    %while3A_69 = arith.addi %while3A_63, %while3A_68 : i32
    %while3A_70 = arith.constant 1 : i32
    scf.for %while3A_81 = %while3A_63 to %while3A_69 step %while3A_70  : i32 {
      %mul3A_82 = arith.constant 2 : i32
      %mul3A_83 = arith.muli %mul3A_82, %while3A_81 : i32
      %mul3A_84 = arith.constant 32 : i32
      %mul3A_85 = arith.muli %mul3A_83, %mul3A_84 : i32
      %add3A_86 = arith.addi %add3A, %mul3A_85 : i32
      %mul3A_87 = arith.constant 128 : i32
      %mul3A_88 = arith.muli %add3A_86, %mul3A_87 : i32
      %add3A_89 = arith.constant 1 : i32
      %add3A_90 = arith.addi %mul3A_83, %add3A_89 : i32
      %lt3A = arith.cmpi slt, %add3A_90, %select_n3A : i32
      %convert_element_type3A_91 = arith.extui %lt3A : i1 to i32
      %cond3A_92 = arith.constant 0 : i32
      %cond3A_93 = arith.cmpi ne, %convert_element_type3A_91, %cond3A_92 : i32
      scf.if %cond3A_93 {
        %add3A_176 = arith.constant 32 : i32
        %add3A_177 = arith.addi %add3A_86, %add3A_176 : i32
        %mul3A_178 = arith.constant 128 : i32
        %mul3A_179 = arith.muli %add3A_177, %mul3A_178 : i32
        %dma_start3A_180 = arith.constant 0 : i32
        %dma_start3A_181 = tpu.memref_slice %arg2[%dma_start3A_180, %mul3A_179] : memref<64x50000xi32, #tpu.memory_space<hbm>> -> memref<64x128xi32, #tpu.memory_space<hbm>>
        %dma_start3A_182 = arith.constant 0 : i32
        %dma_start3A_183 = tpu.memref_slice %arg2[%dma_start3A_182, %mul3A_179] : memref<64x50000xi32, #tpu.memory_space<hbm>> -> memref<64x128xi32, #tpu.memory_space<hbm>>
        tpu.enqueue_dma source(%dma_start3A_183 : memref<64x128xi32, #tpu.memory_space<hbm>>) target(%arg7 : memref<64x128xi32, #tpu.memory_space<vmem>>) target_semaphore(%arg13 : memref<!tpu.dma_semaphore, #tpu.memory_space<semaphore_mem>>)
        %mul3A_184 = arith.constant 128 : i32
        %mul3A_185 = arith.muli %add3A_177, %mul3A_184 : i32
        %dma_start3A_186 = arith.constant 0 : i32
        %dma_start3A_187 = arith.constant 0 : i32
        %dma_start3A_188 = tpu.memref_slice %arg3[%dma_start3A_186, %dma_start3A_187, %mul3A_185] : memref<3x64x50000xf32, #tpu.memory_space<hbm>> -> memref<3x64x128xf32, #tpu.memory_space<hbm>>
        %dma_start3A_189 = arith.constant 0 : i32
        %dma_start3A_190 = arith.constant 0 : i32
        %dma_start3A_191 = tpu.memref_slice %arg3[%dma_start3A_189, %dma_start3A_190, %mul3A_185] : memref<3x64x50000xf32, #tpu.memory_space<hbm>> -> memref<3x64x128xf32, #tpu.memory_space<hbm>>
        tpu.enqueue_dma source(%dma_start3A_191 : memref<3x64x128xf32, #tpu.memory_space<hbm>>) target(%arg9 : memref<3x64x128xf32, #tpu.memory_space<vmem>>) target_semaphore(%arg13 : memref<!tpu.dma_semaphore, #tpu.memory_space<semaphore_mem>>)
      } else {
      }
      %gt3A = arith.constant 0 : i32
      %gt3A_94 = arith.cmpi sgt, %mul3A_83, %gt3A : i32
      %convert_element_type3A_95 = arith.extui %gt3A_94 : i1 to i32
      %cond3A_96 = arith.constant 0 : i32
      %cond3A_97 = arith.cmpi ne, %convert_element_type3A_95, %cond3A_96 : i32
      scf.if %cond3A_97 {
        %mul3A_176 = arith.constant 8064 : i32
        %mul3A_177 = arith.muli %add3A_86, %mul3A_176 : i32
        %mul3A_178 = arith.constant 63 : i32
        %mul3A_179 = arith.muli %add3A_86, %mul3A_178 : i32
        %mul3A_180 = arith.constant 512 : i32
        %mul3A_181 = arith.muli %mul3A_179, %mul3A_180 : i32
        %dma_wait3A_182 = arith.constant 0 : i32
        %dma_wait3A_183 = tpu.memref_slice %arg10[%dma_wait3A_182] : memref<8064xi32, #tpu.memory_space<vmem>> -> memref<8064xi32, #tpu.memory_space<vmem>>
        %dma_wait3A_184 = tpu.memref_slice %arg4[%mul3A_177] : memref<3150000xi32, #tpu.memory_space<hbm>> -> memref<8064xi32, #tpu.memory_space<hbm>>
        %dma_wait3A_185 = tpu.memref_slice %arg4[%mul3A_177] : memref<3150000xi32, #tpu.memory_space<hbm>> -> memref<8064xi32, #tpu.memory_space<hbm>>
        %dma_wait3A_186 = arith.constant 0 : i32
        %dma_wait3A_187 = tpu.memref_slice %arg10[%dma_wait3A_186] : memref<8064xi32, #tpu.memory_space<vmem>> -> memref<8064xi32, #tpu.memory_space<vmem>>
        tpu.wait_dma2 semaphore(%arg14 : memref<!tpu.dma_semaphore, #tpu.memory_space<semaphore_mem>>) src(%dma_wait3A_187 : memref<8064xi32, #tpu.memory_space<vmem>>) dst(%dma_wait3A_185 : memref<8064xi32, #tpu.memory_space<hbm>>)
        %dma_wait3A_188 = arith.constant 0 : i32
        %dma_wait3A_189 = tpu.memref_slice %arg11[%dma_wait3A_188] : memref<32256xf32, #tpu.memory_space<vmem>> -> memref<32256xf32, #tpu.memory_space<vmem>>
        %dma_wait3A_190 = tpu.memref_slice %arg5[%mul3A_181] : memref<12600320xf32, #tpu.memory_space<hbm>> -> memref<32256xf32, #tpu.memory_space<hbm>>
        %dma_wait3A_191 = tpu.memref_slice %arg5[%mul3A_181] : memref<12600320xf32, #tpu.memory_space<hbm>> -> memref<32256xf32, #tpu.memory_space<hbm>>
        %dma_wait3A_192 = arith.constant 0 : i32
        %dma_wait3A_193 = tpu.memref_slice %arg11[%dma_wait3A_192] : memref<32256xf32, #tpu.memory_space<vmem>> -> memref<32256xf32, #tpu.memory_space<vmem>>
        tpu.wait_dma2 semaphore(%arg14 : memref<!tpu.dma_semaphore, #tpu.memory_space<semaphore_mem>>) src(%dma_wait3A_193 : memref<32256xf32, #tpu.memory_space<vmem>>) dst(%dma_wait3A_191 : memref<32256xf32, #tpu.memory_space<hbm>>)
      } else {
      }
      %mul3A_98 = arith.constant 128 : i32
      %mul3A_99 = arith.muli %add3A_86, %mul3A_98 : i32
      %dma_wait3A = arith.constant 0 : i32
      %dma_wait3A_100 = tpu.memref_slice %arg2[%dma_wait3A, %mul3A_99] : memref<64x50000xi32, #tpu.memory_space<hbm>> -> memref<64x128xi32, #tpu.memory_space<hbm>>
      %dma_wait3A_101 = arith.constant 0 : i32
      %dma_wait3A_102 = tpu.memref_slice %arg2[%dma_wait3A_101, %mul3A_99] : memref<64x50000xi32, #tpu.memory_space<hbm>> -> memref<64x128xi32, #tpu.memory_space<hbm>>
      tpu.wait_dma2 semaphore(%arg12 : memref<!tpu.dma_semaphore, #tpu.memory_space<semaphore_mem>>) src(%dma_wait3A_102 : memref<64x128xi32, #tpu.memory_space<hbm>>) dst(%arg6 : memref<64x128xi32, #tpu.memory_space<vmem>>)
      %mul3A_103 = arith.constant 128 : i32
      %mul3A_104 = arith.muli %add3A_86, %mul3A_103 : i32
      %dma_wait3A_105 = arith.constant 0 : i32
      %dma_wait3A_106 = arith.constant 0 : i32
      %dma_wait3A_107 = tpu.memref_slice %arg3[%dma_wait3A_105, %dma_wait3A_106, %mul3A_104] : memref<3x64x50000xf32, #tpu.memory_space<hbm>> -> memref<3x64x128xf32, #tpu.memory_space<hbm>>
      %dma_wait3A_108 = arith.constant 0 : i32
      %dma_wait3A_109 = arith.constant 0 : i32
      %dma_wait3A_110 = tpu.memref_slice %arg3[%dma_wait3A_108, %dma_wait3A_109, %mul3A_104] : memref<3x64x50000xf32, #tpu.memory_space<hbm>> -> memref<3x64x128xf32, #tpu.memory_space<hbm>>
      tpu.wait_dma2 semaphore(%arg12 : memref<!tpu.dma_semaphore, #tpu.memory_space<semaphore_mem>>) src(%dma_wait3A_110 : memref<3x64x128xf32, #tpu.memory_space<hbm>>) dst(%arg8 : memref<3x64x128xf32, #tpu.memory_space<vmem>>)
      %scan3A = arith.constant 0 : i32
      %scan3A_111 = arith.constant 0 : i32
      %scan3A_112 = arith.constant 63 : i32
      %scan3A_113 = arith.addi %scan3A_111, %scan3A_112 : i32
      %scan3A_114 = arith.constant 1 : i32
      scf.for %scan3A_176 = %scan3A_111 to %scan3A_113 step %scan3A_114  : i32 {
        %add3A_177 = arith.constant 1 : i32
        %add3A_178 = arith.addi %scan3A_176, %add3A_177 : i32
        %get3A = arith.index_cast %add3A_178 : i32 to index
        %get3A_179 = arith.constant 0 : index
        %get3A_180 = tpu.vector_load %arg6[%get3A, %get3A_179] {strides = array<i32>} : memref<64x128xi32, #tpu.memory_space<vmem>>, vector<16xi32>,
        %get3A_181 = arith.constant 0 : i32
        %get3A_182 = arith.index_cast %get3A_181 : i32 to index
        %get3A_183 = arith.index_cast %add3A_178 : i32 to index
        %get3A_184 = arith.constant 0 : index
        %get3A_185 = tpu.vector_load %arg8[%get3A_182, %get3A_183, %get3A_184] {strides = array<i32>} : memref<3x64x128xf32, #tpu.memory_space<vmem>>, vector<16xf32>,
        %get3A_186 = arith.constant 1 : i32
        %get3A_187 = arith.index_cast %get3A_186 : i32 to index
        %get3A_188 = arith.index_cast %add3A_178 : i32 to index
        %get3A_189 = arith.constant 0 : index
        %get3A_190 = tpu.vector_load %arg8[%get3A_187, %get3A_188, %get3A_189] {strides = array<i32>} : memref<3x64x128xf32, #tpu.memory_space<vmem>>, vector<16xf32>,
        %get3A_191 = arith.constant 2 : i32
        %get3A_192 = arith.index_cast %get3A_191 : i32 to index
        %get3A_193 = arith.index_cast %add3A_178 : i32 to index
        %get3A_194 = arith.constant 0 : index
        %get3A_195 = tpu.vector_load %arg8[%get3A_192, %get3A_193, %get3A_194] {strides = array<i32>} : memref<3x64x128xf32, #tpu.memory_space<vmem>>, vector<16xf32>,
        %get3A_196 = arith.index_cast %add3A_178 : i32 to index
        %get3A_197 = arith.constant 16 : index
        %get3A_198 = tpu.vector_load %arg6[%get3A_196, %get3A_197] {strides = array<i32>} : memref<64x128xi32, #tpu.memory_space<vmem>>, vector<16xi32>,
        %get3A_199 = arith.constant 0 : i32
        %get3A_200 = arith.index_cast %get3A_199 : i32 to index
        %get3A_201 = arith.index_cast %add3A_178 : i32 to index
        %get3A_202 = arith.constant 16 : index
        %get3A_203 = tpu.vector_load %arg8[%get3A_200, %get3A_201, %get3A_202] {strides = array<i32>} : memref<3x64x128xf32, #tpu.memory_space<vmem>>, vector<16xf32>,
        %get3A_204 = arith.constant 1 : i32
        %get3A_205 = arith.index_cast %get3A_204 : i32 to index
        %get3A_206 = arith.index_cast %add3A_178 : i32 to index
        %get3A_207 = arith.constant 16 : index
        %get3A_208 = tpu.vector_load %arg8[%get3A_205, %get3A_206, %get3A_207] {strides = array<i32>} : memref<3x64x128xf32, #tpu.memory_space<vmem>>, vector<16xf32>,
        %get3A_209 = arith.constant 2 : i32
        %get3A_210 = arith.index_cast %get3A_209 : i32 to index
        %get3A_211 = arith.index_cast %add3A_178 : i32 to index
        %get3A_212 = arith.constant 16 : index
        %get3A_213 = tpu.vector_load %arg8[%get3A_210, %get3A_211, %get3A_212] {strides = array<i32>} : memref<3x64x128xf32, #tpu.memory_space<vmem>>, vector<16xf32>,
        %get3A_214 = arith.index_cast %add3A_178 : i32 to index
        %get3A_215 = arith.constant 32 : index
        %get3A_216 = tpu.vector_load %arg6[%get3A_214, %get3A_215] {strides = array<i32>} : memref<64x128xi32, #tpu.memory_space<vmem>>, vector<16xi32>,
        %get3A_217 = arith.constant 0 : i32
        %get3A_218 = arith.index_cast %get3A_217 : i32 to index
        %get3A_219 = arith.index_cast %add3A_178 : i32 to index
        %get3A_220 = arith.constant 32 : index
        %get3A_221 = tpu.vector_load %arg8[%get3A_218, %get3A_219, %get3A_220] {strides = array<i32>} : memref<3x64x128xf32, #tpu.memory_space<vmem>>, vector<16xf32>,
        %get3A_222 = arith.constant 1 : i32
        %get3A_223 = arith.index_cast %get3A_222 : i32 to index
        %get3A_224 = arith.index_cast %add3A_178 : i32 to index
        %get3A_225 = arith.constant 32 : index
        %get3A_226 = tpu.vector_load %arg8[%get3A_223, %get3A_224, %get3A_225] {strides = array<i32>} : memref<3x64x128xf32, #tpu.memory_space<vmem>>, vector<16xf32>,
        %get3A_227 = arith.constant 2 : i32
        %get3A_228 = arith.index_cast %get3A_227 : i32 to index
        %get3A_229 = arith.index_cast %add3A_178 : i32 to index
        %get3A_230 = arith.constant 32 : index
        %get3A_231 = tpu.vector_load %arg8[%get3A_228, %get3A_229, %get3A_230] {strides = array<i32>} : memref<3x64x128xf32, #tpu.memory_space<vmem>>, vector<16xf32>,
        %get3A_232 = arith.index_cast %add3A_178 : i32 to index
        %get3A_233 = arith.constant 48 : index
        %get3A_234 = tpu.vector_load %arg6[%get3A_232, %get3A_233] {strides = array<i32>} : memref<64x128xi32, #tpu.memory_space<vmem>>, vector<16xi32>,
        %get3A_235 = arith.constant 0 : i32
        %get3A_236 = arith.index_cast %get3A_235 : i32 to index
        %get3A_237 = arith.index_cast %add3A_178 : i32 to index
        %get3A_238 = arith.constant 48 : index
        %get3A_239 = tpu.vector_load %arg8[%get3A_236, %get3A_237, %get3A_238] {strides = array<i32>} : memref<3x64x128xf32, #tpu.memory_space<vmem>>, vector<16xf32>,
        %get3A_240 = arith.constant 1 : i32
        %get3A_241 = arith.index_cast %get3A_240 : i32 to index
        %get3A_242 = arith.index_cast %add3A_178 : i32 to index
        %get3A_243 = arith.constant 48 : index
        %get3A_244 = tpu.vector_load %arg8[%get3A_241, %get3A_242, %get3A_243] {strides = array<i32>} : memref<3x64x128xf32, #tpu.memory_space<vmem>>, vector<16xf32>,
        %get3A_245 = arith.constant 2 : i32
        %get3A_246 = arith.index_cast %get3A_245 : i32 to index
        %get3A_247 = arith.index_cast %add3A_178 : i32 to index
        %get3A_248 = arith.constant 48 : index
        %get3A_249 = tpu.vector_load %arg8[%get3A_246, %get3A_247, %get3A_248] {strides = array<i32>} : memref<3x64x128xf32, #tpu.memory_space<vmem>>, vector<16xf32>,
        %get3A_250 = arith.index_cast %add3A_178 : i32 to index
        %get3A_251 = arith.constant 64 : index
        %get3A_252 = tpu.vector_load %arg6[%get3A_250, %get3A_251] {strides = array<i32>} : memref<64x128xi32, #tpu.memory_space<vmem>>, vector<16xi32>,
        %get3A_253 = arith.constant 0 : i32
        %get3A_254 = arith.index_cast %get3A_253 : i32 to index
        %get3A_255 = arith.index_cast %add3A_178 : i32 to index
        %get3A_256 = arith.constant 64 : index
        %get3A_257 = tpu.vector_load %arg8[%get3A_254, %get3A_255, %get3A_256] {strides = array<i32>} : memref<3x64x128xf32, #tpu.memory_space<vmem>>, vector<16xf32>,
        %get3A_258 = arith.constant 1 : i32
        %get3A_259 = arith.index_cast %get3A_258 : i32 to index
        %get3A_260 = arith.index_cast %add3A_178 : i32 to index
        %get3A_261 = arith.constant 64 : index
        %get3A_262 = tpu.vector_load %arg8[%get3A_259, %get3A_260, %get3A_261] {strides = array<i32>} : memref<3x64x128xf32, #tpu.memory_space<vmem>>, vector<16xf32>,
        %get3A_263 = arith.constant 2 : i32
        %get3A_264 = arith.index_cast %get3A_263 : i32 to index
        %get3A_265 = arith.index_cast %add3A_178 : i32 to index
        %get3A_266 = arith.constant 64 : index
        %get3A_267 = tpu.vector_load %arg8[%get3A_264, %get3A_265, %get3A_266] {strides = array<i32>} : memref<3x64x128xf32, #tpu.memory_space<vmem>>, vector<16xf32>,
        %get3A_268 = arith.index_cast %add3A_178 : i32 to index
        %get3A_269 = arith.constant 80 : index
        %get3A_270 = tpu.vector_load %arg6[%get3A_268, %get3A_269] {strides = array<i32>} : memref<64x128xi32, #tpu.memory_space<vmem>>, vector<16xi32>,
        %get3A_271 = arith.constant 0 : i32
        %get3A_272 = arith.index_cast %get3A_271 : i32 to index
        %get3A_273 = arith.index_cast %add3A_178 : i32 to index
        %get3A_274 = arith.constant 80 : index
        %get3A_275 = tpu.vector_load %arg8[%get3A_272, %get3A_273, %get3A_274] {strides = array<i32>} : memref<3x64x128xf32, #tpu.memory_space<vmem>>, vector<16xf32>,
        %get3A_276 = arith.constant 1 : i32
        %get3A_277 = arith.index_cast %get3A_276 : i32 to index
        %get3A_278 = arith.index_cast %add3A_178 : i32 to index
        %get3A_279 = arith.constant 80 : index
        %get3A_280 = tpu.vector_load %arg8[%get3A_277, %get3A_278, %get3A_279] {strides = array<i32>} : memref<3x64x128xf32, #tpu.memory_space<vmem>>, vector<16xf32>,
        %get3A_281 = arith.constant 2 : i32
        %get3A_282 = arith.index_cast %get3A_281 : i32 to index
        %get3A_283 = arith.index_cast %add3A_178 : i32 to index
        %get3A_284 = arith.constant 80 : index
        %get3A_285 = tpu.vector_load %arg8[%get3A_282, %get3A_283, %get3A_284] {strides = array<i32>} : memref<3x64x128xf32, #tpu.memory_space<vmem>>, vector<16xf32>,
        %get3A_286 = arith.index_cast %add3A_178 : i32 to index
        %get3A_287 = arith.constant 96 : index
        %get3A_288 = tpu.vector_load %arg6[%get3A_286, %get3A_287] {strides = array<i32>} : memref<64x128xi32, #tpu.memory_space<vmem>>, vector<16xi32>,
        %get3A_289 = arith.constant 0 : i32
        %get3A_290 = arith.index_cast %get3A_289 : i32 to index
        %get3A_291 = arith.index_cast %add3A_178 : i32 to index
        %get3A_292 = arith.constant 96 : index
        %get3A_293 = tpu.vector_load %arg8[%get3A_290, %get3A_291, %get3A_292] {strides = array<i32>} : memref<3x64x128xf32, #tpu.memory_space<vmem>>, vector<16xf32>,
        %get3A_294 = arith.constant 1 : i32
        %get3A_295 = arith.index_cast %get3A_294 : i32 to index
        %get3A_296 = arith.index_cast %add3A_178 : i32 to index
        %get3A_297 = arith.constant 96 : index
        %get3A_298 = tpu.vector_load %arg8[%get3A_295, %get3A_296, %get3A_297] {strides = array<i32>} : memref<3x64x128xf32, #tpu.memory_space<vmem>>, vector<16xf32>,
        %get3A_299 = arith.constant 2 : i32
        %get3A_300 = arith.index_cast %get3A_299 : i32 to index
        %get3A_301 = arith.index_cast %add3A_178 : i32 to index
        %get3A_302 = arith.constant 96 : index
        %get3A_303 = tpu.vector_load %arg8[%get3A_300, %get3A_301, %get3A_302] {strides = array<i32>} : memref<3x64x128xf32, #tpu.memory_space<vmem>>, vector<16xf32>,
        %get3A_304 = arith.index_cast %add3A_178 : i32 to index
        %get3A_305 = arith.constant 112 : index
        %get3A_306 = tpu.vector_load %arg6[%get3A_304, %get3A_305] {strides = array<i32>} : memref<64x128xi32, #tpu.memory_space<vmem>>, vector<16xi32>,
        %get3A_307 = arith.constant 0 : i32
        %get3A_308 = arith.index_cast %get3A_307 : i32 to index
        %get3A_309 = arith.index_cast %add3A_178 : i32 to index
        %get3A_310 = arith.constant 112 : index
        %get3A_311 = tpu.vector_load %arg8[%get3A_308, %get3A_309, %get3A_310] {strides = array<i32>} : memref<3x64x128xf32, #tpu.memory_space<vmem>>, vector<16xf32>,
        %get3A_312 = arith.constant 1 : i32
        %get3A_313 = arith.index_cast %get3A_312 : i32 to index
        %get3A_314 = arith.index_cast %add3A_178 : i32 to index
        %get3A_315 = arith.constant 112 : index
        %get3A_316 = tpu.vector_load %arg8[%get3A_313, %get3A_314, %get3A_315] {strides = array<i32>} : memref<3x64x128xf32, #tpu.memory_space<vmem>>, vector<16xf32>,
        %get3A_317 = arith.constant 2 : i32
        %get3A_318 = arith.index_cast %get3A_317 : i32 to index
        %get3A_319 = arith.index_cast %add3A_178 : i32 to index
        %get3A_320 = arith.constant 112 : index
        %get3A_321 = tpu.vector_load %arg8[%get3A_318, %get3A_319, %get3A_320] {strides = array<i32>} : memref<3x64x128xf32, #tpu.memory_space<vmem>>, vector<16xf32>,
        %add3A_322 = arith.constant 0 : i32
        %add3A_323 = arith.addi %add3A_322, %scan3A_176 : i32
        %add3A_324 = vector.broadcast %add3A_323 : i32 to vector<16xi32>
        %add3A_325 = arith.addi %mul3A_3, %add3A_324 : vector<16xi32>
        tpu.vector_store_idx %arg10[%add3A_325], %get3A_180 : memref<8064xi32, #tpu.memory_space<vmem>>[vector<16xi32>], vector<16xi32>,
        %shift_right_arithmetic3A = arith.constant 7 : i32
        %shift_right_arithmetic3A_326 = vector.broadcast %shift_right_arithmetic3A : i32 to vector<16xi32>
        %shift_right_arithmetic3A_327 = arith.shrsi %add3A_325, %shift_right_arithmetic3A_326 : vector<16xi32>
        %shift_left3A = arith.constant 9 : i32
        %shift_left3A_328 = vector.broadcast %shift_left3A : i32 to vector<16xi32>
        %shift_left3A_329 = arith.shli %shift_right_arithmetic3A_327, %shift_left3A_328 : vector<16xi32>
        %and3A_330 = arith.constant 127 : i32
        %and3A_331 = vector.broadcast %and3A_330 : i32 to vector<16xi32>
        %and3A_332 = arith.andi %add3A_325, %and3A_331 : vector<16xi32>
        %add3A_333 = arith.addi %shift_left3A_329, %and3A_332 : vector<16xi32>
        tpu.vector_store_idx %arg11[%add3A_333], %get3A_185 : memref<32256xf32, #tpu.memory_space<vmem>>[vector<16xi32>], vector<16xf32>,
        %add3A_334 = arith.constant 128 : i32
        %add3A_335 = vector.broadcast %add3A_334 : i32 to vector<16xi32>
        %add3A_336 = arith.addi %add3A_333, %add3A_335 : vector<16xi32>
        tpu.vector_store_idx %arg11[%add3A_336], %get3A_190 : memref<32256xf32, #tpu.memory_space<vmem>>[vector<16xi32>], vector<16xf32>,
        %add3A_337 = arith.constant 256 : i32
        %add3A_338 = vector.broadcast %add3A_337 : i32 to vector<16xi32>
        %add3A_339 = arith.addi %add3A_333, %add3A_338 : vector<16xi32>
        tpu.vector_store_idx %arg11[%add3A_339], %get3A_195 : memref<32256xf32, #tpu.memory_space<vmem>>[vector<16xi32>], vector<16xf32>,
        %add3A_340 = arith.constant 1008 : i32
        %add3A_341 = arith.addi %add3A_340, %scan3A_176 : i32
        %add3A_342 = vector.broadcast %add3A_341 : i32 to vector<16xi32>
        %add3A_343 = arith.addi %mul3A_3, %add3A_342 : vector<16xi32>
        tpu.vector_store_idx %arg10[%add3A_343], %get3A_198 : memref<8064xi32, #tpu.memory_space<vmem>>[vector<16xi32>], vector<16xi32>,
        %shift_right_arithmetic3A_344 = arith.constant 7 : i32
        %shift_right_arithmetic3A_345 = vector.broadcast %shift_right_arithmetic3A_344 : i32 to vector<16xi32>
        %shift_right_arithmetic3A_346 = arith.shrsi %add3A_343, %shift_right_arithmetic3A_345 : vector<16xi32>
        %shift_left3A_347 = arith.constant 9 : i32
        %shift_left3A_348 = vector.broadcast %shift_left3A_347 : i32 to vector<16xi32>
        %shift_left3A_349 = arith.shli %shift_right_arithmetic3A_346, %shift_left3A_348 : vector<16xi32>
        %and3A_350 = arith.constant 127 : i32
        %and3A_351 = vector.broadcast %and3A_350 : i32 to vector<16xi32>
        %and3A_352 = arith.andi %add3A_343, %and3A_351 : vector<16xi32>
        %add3A_353 = arith.addi %shift_left3A_349, %and3A_352 : vector<16xi32>
        tpu.vector_store_idx %arg11[%add3A_353], %get3A_203 : memref<32256xf32, #tpu.memory_space<vmem>>[vector<16xi32>], vector<16xf32>,
        %add3A_354 = arith.constant 128 : i32
        %add3A_355 = vector.broadcast %add3A_354 : i32 to vector<16xi32>
        %add3A_356 = arith.addi %add3A_353, %add3A_355 : vector<16xi32>
        tpu.vector_store_idx %arg11[%add3A_356], %get3A_208 : memref<32256xf32, #tpu.memory_space<vmem>>[vector<16xi32>], vector<16xf32>,
        %add3A_357 = arith.constant 256 : i32
        %add3A_358 = vector.broadcast %add3A_357 : i32 to vector<16xi32>
        %add3A_359 = arith.addi %add3A_353, %add3A_358 : vector<16xi32>
        tpu.vector_store_idx %arg11[%add3A_359], %get3A_213 : memref<32256xf32, #tpu.memory_space<vmem>>[vector<16xi32>], vector<16xf32>,
        %add3A_360 = arith.constant 2016 : i32
        %add3A_361 = arith.addi %add3A_360, %scan3A_176 : i32
        %add3A_362 = vector.broadcast %add3A_361 : i32 to vector<16xi32>
        %add3A_363 = arith.addi %mul3A_3, %add3A_362 : vector<16xi32>
        tpu.vector_store_idx %arg10[%add3A_363], %get3A_216 : memref<8064xi32, #tpu.memory_space<vmem>>[vector<16xi32>], vector<16xi32>,
        %shift_right_arithmetic3A_364 = arith.constant 7 : i32
        %shift_right_arithmetic3A_365 = vector.broadcast %shift_right_arithmetic3A_364 : i32 to vector<16xi32>
        %shift_right_arithmetic3A_366 = arith.shrsi %add3A_363, %shift_right_arithmetic3A_365 : vector<16xi32>
        %shift_left3A_367 = arith.constant 9 : i32
        %shift_left3A_368 = vector.broadcast %shift_left3A_367 : i32 to vector<16xi32>
        %shift_left3A_369 = arith.shli %shift_right_arithmetic3A_366, %shift_left3A_368 : vector<16xi32>
        %and3A_370 = arith.constant 127 : i32
        %and3A_371 = vector.broadcast %and3A_370 : i32 to vector<16xi32>
        %and3A_372 = arith.andi %add3A_363, %and3A_371 : vector<16xi32>
        %add3A_373 = arith.addi %shift_left3A_369, %and3A_372 : vector<16xi32>
        tpu.vector_store_idx %arg11[%add3A_373], %get3A_221 : memref<32256xf32, #tpu.memory_space<vmem>>[vector<16xi32>], vector<16xf32>,
        %add3A_374 = arith.constant 128 : i32
        %add3A_375 = vector.broadcast %add3A_374 : i32 to vector<16xi32>
        %add3A_376 = arith.addi %add3A_373, %add3A_375 : vector<16xi32>
        tpu.vector_store_idx %arg11[%add3A_376], %get3A_226 : memref<32256xf32, #tpu.memory_space<vmem>>[vector<16xi32>], vector<16xf32>,
        %add3A_377 = arith.constant 256 : i32
        %add3A_378 = vector.broadcast %add3A_377 : i32 to vector<16xi32>
        %add3A_379 = arith.addi %add3A_373, %add3A_378 : vector<16xi32>
        tpu.vector_store_idx %arg11[%add3A_379], %get3A_231 : memref<32256xf32, #tpu.memory_space<vmem>>[vector<16xi32>], vector<16xf32>,
        %add3A_380 = arith.constant 3024 : i32
        %add3A_381 = arith.addi %add3A_380, %scan3A_176 : i32
        %add3A_382 = vector.broadcast %add3A_381 : i32 to vector<16xi32>
        %add3A_383 = arith.addi %mul3A_3, %add3A_382 : vector<16xi32>
        tpu.vector_store_idx %arg10[%add3A_383], %get3A_234 : memref<8064xi32, #tpu.memory_space<vmem>>[vector<16xi32>], vector<16xi32>,
        %shift_right_arithmetic3A_384 = arith.constant 7 : i32
        %shift_right_arithmetic3A_385 = vector.broadcast %shift_right_arithmetic3A_384 : i32 to vector<16xi32>
        %shift_right_arithmetic3A_386 = arith.shrsi %add3A_383, %shift_right_arithmetic3A_385 : vector<16xi32>
        %shift_left3A_387 = arith.constant 9 : i32
        %shift_left3A_388 = vector.broadcast %shift_left3A_387 : i32 to vector<16xi32>
        %shift_left3A_389 = arith.shli %shift_right_arithmetic3A_386, %shift_left3A_388 : vector<16xi32>
        %and3A_390 = arith.constant 127 : i32
        %and3A_391 = vector.broadcast %and3A_390 : i32 to vector<16xi32>
        %and3A_392 = arith.andi %add3A_383, %and3A_391 : vector<16xi32>
        %add3A_393 = arith.addi %shift_left3A_389, %and3A_392 : vector<16xi32>
        tpu.vector_store_idx %arg11[%add3A_393], %get3A_239 : memref<32256xf32, #tpu.memory_space<vmem>>[vector<16xi32>], vector<16xf32>,
        %add3A_394 = arith.constant 128 : i32
        %add3A_395 = vector.broadcast %add3A_394 : i32 to vector<16xi32>
        %add3A_396 = arith.addi %add3A_393, %add3A_395 : vector<16xi32>
        tpu.vector_store_idx %arg11[%add3A_396], %get3A_244 : memref<32256xf32, #tpu.memory_space<vmem>>[vector<16xi32>], vector<16xf32>,
        %add3A_397 = arith.constant 256 : i32
        %add3A_398 = vector.broadcast %add3A_397 : i32 to vector<16xi32>
        %add3A_399 = arith.addi %add3A_393, %add3A_398 : vector<16xi32>
        tpu.vector_store_idx %arg11[%add3A_399], %get3A_249 : memref<32256xf32, #tpu.memory_space<vmem>>[vector<16xi32>], vector<16xf32>,
        %add3A_400 = arith.constant 4032 : i32
        %add3A_401 = arith.addi %add3A_400, %scan3A_176 : i32
        %add3A_402 = vector.broadcast %add3A_401 : i32 to vector<16xi32>
        %add3A_403 = arith.addi %mul3A_3, %add3A_402 : vector<16xi32>
        tpu.vector_store_idx %arg10[%add3A_403], %get3A_252 : memref<8064xi32, #tpu.memory_space<vmem>>[vector<16xi32>], vector<16xi32>,
        %shift_right_arithmetic3A_404 = arith.constant 7 : i32
        %shift_right_arithmetic3A_405 = vector.broadcast %shift_right_arithmetic3A_404 : i32 to vector<16xi32>
        %shift_right_arithmetic3A_406 = arith.shrsi %add3A_403, %shift_right_arithmetic3A_405 : vector<16xi32>
        %shift_left3A_407 = arith.constant 9 : i32
        %shift_left3A_408 = vector.broadcast %shift_left3A_407 : i32 to vector<16xi32>
        %shift_left3A_409 = arith.shli %shift_right_arithmetic3A_406, %shift_left3A_408 : vector<16xi32>
        %and3A_410 = arith.constant 127 : i32
        %and3A_411 = vector.broadcast %and3A_410 : i32 to vector<16xi32>
        %and3A_412 = arith.andi %add3A_403, %and3A_411 : vector<16xi32>
        %add3A_413 = arith.addi %shift_left3A_409, %and3A_412 : vector<16xi32>
        tpu.vector_store_idx %arg11[%add3A_413], %get3A_257 : memref<32256xf32, #tpu.memory_space<vmem>>[vector<16xi32>], vector<16xf32>,
        %add3A_414 = arith.constant 128 : i32
        %add3A_415 = vector.broadcast %add3A_414 : i32 to vector<16xi32>
        %add3A_416 = arith.addi %add3A_413, %add3A_415 : vector<16xi32>
        tpu.vector_store_idx %arg11[%add3A_416], %get3A_262 : memref<32256xf32, #tpu.memory_space<vmem>>[vector<16xi32>], vector<16xf32>,
        %add3A_417 = arith.constant 256 : i32
        %add3A_418 = vector.broadcast %add3A_417 : i32 to vector<16xi32>
        %add3A_419 = arith.addi %add3A_413, %add3A_418 : vector<16xi32>
        tpu.vector_store_idx %arg11[%add3A_419], %get3A_267 : memref<32256xf32, #tpu.memory_space<vmem>>[vector<16xi32>], vector<16xf32>,
        %add3A_420 = arith.constant 5040 : i32
        %add3A_421 = arith.addi %add3A_420, %scan3A_176 : i32
        %add3A_422 = vector.broadcast %add3A_421 : i32 to vector<16xi32>
        %add3A_423 = arith.addi %mul3A_3, %add3A_422 : vector<16xi32>
        tpu.vector_store_idx %arg10[%add3A_423], %get3A_270 : memref<8064xi32, #tpu.memory_space<vmem>>[vector<16xi32>], vector<16xi32>,
        %shift_right_arithmetic3A_424 = arith.constant 7 : i32
        %shift_right_arithmetic3A_425 = vector.broadcast %shift_right_arithmetic3A_424 : i32 to vector<16xi32>
        %shift_right_arithmetic3A_426 = arith.shrsi %add3A_423, %shift_right_arithmetic3A_425 : vector<16xi32>
        %shift_left3A_427 = arith.constant 9 : i32
        %shift_left3A_428 = vector.broadcast %shift_left3A_427 : i32 to vector<16xi32>
        %shift_left3A_429 = arith.shli %shift_right_arithmetic3A_426, %shift_left3A_428 : vector<16xi32>
        %and3A_430 = arith.constant 127 : i32
        %and3A_431 = vector.broadcast %and3A_430 : i32 to vector<16xi32>
        %and3A_432 = arith.andi %add3A_423, %and3A_431 : vector<16xi32>
        %add3A_433 = arith.addi %shift_left3A_429, %and3A_432 : vector<16xi32>
        tpu.vector_store_idx %arg11[%add3A_433], %get3A_275 : memref<32256xf32, #tpu.memory_space<vmem>>[vector<16xi32>], vector<16xf32>,
        %add3A_434 = arith.constant 128 : i32
        %add3A_435 = vector.broadcast %add3A_434 : i32 to vector<16xi32>
        %add3A_436 = arith.addi %add3A_433, %add3A_435 : vector<16xi32>
        tpu.vector_store_idx %arg11[%add3A_436], %get3A_280 : memref<32256xf32, #tpu.memory_space<vmem>>[vector<16xi32>], vector<16xf32>,
        %add3A_437 = arith.constant 256 : i32
        %add3A_438 = vector.broadcast %add3A_437 : i32 to vector<16xi32>
        %add3A_439 = arith.addi %add3A_433, %add3A_438 : vector<16xi32>
        tpu.vector_store_idx %arg11[%add3A_439], %get3A_285 : memref<32256xf32, #tpu.memory_space<vmem>>[vector<16xi32>], vector<16xf32>,
        %add3A_440 = arith.constant 6048 : i32
        %add3A_441 = arith.addi %add3A_440, %scan3A_176 : i32
        %add3A_442 = vector.broadcast %add3A_441 : i32 to vector<16xi32>
        %add3A_443 = arith.addi %mul3A_3, %add3A_442 : vector<16xi32>
        tpu.vector_store_idx %arg10[%add3A_443], %get3A_288 : memref<8064xi32, #tpu.memory_space<vmem>>[vector<16xi32>], vector<16xi32>,
        %shift_right_arithmetic3A_444 = arith.constant 7 : i32
        %shift_right_arithmetic3A_445 = vector.broadcast %shift_right_arithmetic3A_444 : i32 to vector<16xi32>
        %shift_right_arithmetic3A_446 = arith.shrsi %add3A_443, %shift_right_arithmetic3A_445 : vector<16xi32>
        %shift_left3A_447 = arith.constant 9 : i32
        %shift_left3A_448 = vector.broadcast %shift_left3A_447 : i32 to vector<16xi32>
        %shift_left3A_449 = arith.shli %shift_right_arithmetic3A_446, %shift_left3A_448 : vector<16xi32>
        %and3A_450 = arith.constant 127 : i32
        %and3A_451 = vector.broadcast %and3A_450 : i32 to vector<16xi32>
        %and3A_452 = arith.andi %add3A_443, %and3A_451 : vector<16xi32>
        %add3A_453 = arith.addi %shift_left3A_449, %and3A_452 : vector<16xi32>
        tpu.vector_store_idx %arg11[%add3A_453], %get3A_293 : memref<32256xf32, #tpu.memory_space<vmem>>[vector<16xi32>], vector<16xf32>,
        %add3A_454 = arith.constant 128 : i32
        %add3A_455 = vector.broadcast %add3A_454 : i32 to vector<16xi32>
        %add3A_456 = arith.addi %add3A_453, %add3A_455 : vector<16xi32>
        tpu.vector_store_idx %arg11[%add3A_456], %get3A_298 : memref<32256xf32, #tpu.memory_space<vmem>>[vector<16xi32>], vector<16xf32>,
        %add3A_457 = arith.constant 256 : i32
        %add3A_458 = vector.broadcast %add3A_457 : i32 to vector<16xi32>
        %add3A_459 = arith.addi %add3A_453, %add3A_458 : vector<16xi32>
        tpu.vector_store_idx %arg11[%add3A_459], %get3A_303 : memref<32256xf32, #tpu.memory_space<vmem>>[vector<16xi32>], vector<16xf32>,
        %add3A_460 = arith.constant 7056 : i32
        %add3A_461 = arith.addi %add3A_460, %scan3A_176 : i32
        %add3A_462 = vector.broadcast %add3A_461 : i32 to vector<16xi32>
        %add3A_463 = arith.addi %mul3A_3, %add3A_462 : vector<16xi32>
        tpu.vector_store_idx %arg10[%add3A_463], %get3A_306 : memref<8064xi32, #tpu.memory_space<vmem>>[vector<16xi32>], vector<16xi32>,
        %shift_right_arithmetic3A_464 = arith.constant 7 : i32
        %shift_right_arithmetic3A_465 = vector.broadcast %shift_right_arithmetic3A_464 : i32 to vector<16xi32>
        %shift_right_arithmetic3A_466 = arith.shrsi %add3A_463, %shift_right_arithmetic3A_465 : vector<16xi32>
        %shift_left3A_467 = arith.constant 9 : i32
        %shift_left3A_468 = vector.broadcast %shift_left3A_467 : i32 to vector<16xi32>
        %shift_left3A_469 = arith.shli %shift_right_arithmetic3A_466, %shift_left3A_468 : vector<16xi32>
        %and3A_470 = arith.constant 127 : i32
        %and3A_471 = vector.broadcast %and3A_470 : i32 to vector<16xi32>
        %and3A_472 = arith.andi %add3A_463, %and3A_471 : vector<16xi32>
        %add3A_473 = arith.addi %shift_left3A_469, %and3A_472 : vector<16xi32>
        tpu.vector_store_idx %arg11[%add3A_473], %get3A_311 : memref<32256xf32, #tpu.memory_space<vmem>>[vector<16xi32>], vector<16xf32>,
        %add3A_474 = arith.constant 128 : i32
        %add3A_475 = vector.broadcast %add3A_474 : i32 to vector<16xi32>
        %add3A_476 = arith.addi %add3A_473, %add3A_475 : vector<16xi32>
        tpu.vector_store_idx %arg11[%add3A_476], %get3A_316 : memref<32256xf32, #tpu.memory_space<vmem>>[vector<16xi32>], vector<16xf32>,
        %add3A_477 = arith.constant 256 : i32
        %add3A_478 = vector.broadcast %add3A_477 : i32 to vector<16xi32>
        %add3A_479 = arith.addi %add3A_473, %add3A_478 : vector<16xi32>
        tpu.vector_store_idx %arg11[%add3A_479], %get3A_321 : memref<32256xf32, #tpu.memory_space<vmem>>[vector<16xi32>], vector<16xf32>,
      }
      %scan3A_115 = arith.constant 63 : i32
      %lt3A_116 = arith.constant 390 : i32
      %lt3A_117 = arith.cmpi slt, %add3A_86, %lt3A_116 : i32
      %convert_element_type3A_118 = arith.extui %lt3A_117 : i1 to i32
      %cond3A_119 = arith.constant 0 : i32
      %cond3A_120 = arith.cmpi ne, %convert_element_type3A_118, %cond3A_119 : i32
      scf.if %cond3A_120 {
        %mul3A_176 = arith.constant 8064 : i32
        %mul3A_177 = arith.muli %add3A_86, %mul3A_176 : i32
        %mul3A_178 = arith.constant 63 : i32
        %mul3A_179 = arith.muli %add3A_86, %mul3A_178 : i32
        %mul3A_180 = arith.constant 512 : i32
        %mul3A_181 = arith.muli %mul3A_179, %mul3A_180 : i32
        %dma_start3A_182 = arith.constant 0 : i32
        %dma_start3A_183 = tpu.memref_slice %arg10[%dma_start3A_182] : memref<8064xi32, #tpu.memory_space<vmem>> -> memref<8064xi32, #tpu.memory_space<vmem>>
        %dma_start3A_184 = tpu.memref_slice %arg4[%mul3A_177] : memref<3150000xi32, #tpu.memory_space<hbm>> -> memref<8064xi32, #tpu.memory_space<hbm>>
        %dma_start3A_185 = tpu.memref_slice %arg4[%mul3A_177] : memref<3150000xi32, #tpu.memory_space<hbm>> -> memref<8064xi32, #tpu.memory_space<hbm>>
        %dma_start3A_186 = arith.constant 0 : i32
        %dma_start3A_187 = tpu.memref_slice %arg10[%dma_start3A_186] : memref<8064xi32, #tpu.memory_space<vmem>> -> memref<8064xi32, #tpu.memory_space<vmem>>
        tpu.enqueue_dma source(%dma_start3A_187 : memref<8064xi32, #tpu.memory_space<vmem>>) target(%dma_start3A_185 : memref<8064xi32, #tpu.memory_space<hbm>>) target_semaphore(%arg14 : memref<!tpu.dma_semaphore, #tpu.memory_space<semaphore_mem>>)
        %dma_start3A_188 = arith.constant 0 : i32
        %dma_start3A_189 = tpu.memref_slice %arg11[%dma_start3A_188] : memref<32256xf32, #tpu.memory_space<vmem>> -> memref<32256xf32, #tpu.memory_space<vmem>>
        %dma_start3A_190 = tpu.memref_slice %arg5[%mul3A_181] : memref<12600320xf32, #tpu.memory_space<hbm>> -> memref<32256xf32, #tpu.memory_space<hbm>>
        %dma_start3A_191 = tpu.memref_slice %arg5[%mul3A_181] : memref<12600320xf32, #tpu.memory_space<hbm>> -> memref<32256xf32, #tpu.memory_space<hbm>>
        %dma_start3A_192 = arith.constant 0 : i32
        %dma_start3A_193 = tpu.memref_slice %arg11[%dma_start3A_192] : memref<32256xf32, #tpu.memory_space<vmem>> -> memref<32256xf32, #tpu.memory_space<vmem>>
        tpu.enqueue_dma source(%dma_start3A_193 : memref<32256xf32, #tpu.memory_space<vmem>>) target(%dma_start3A_191 : memref<32256xf32, #tpu.memory_space<hbm>>) target_semaphore(%arg14 : memref<!tpu.dma_semaphore, #tpu.memory_space<semaphore_mem>>)
      } else {
      }
      %eq3A_121 = arith.constant 390 : i32
      %eq3A_122 = arith.cmpi eq, %add3A_86, %eq3A_121 : i32
      %convert_element_type3A_123 = arith.extui %eq3A_122 : i1 to i32
      %cond3A_124 = arith.constant 0 : i32
      %cond3A_125 = arith.cmpi ne, %convert_element_type3A_123, %cond3A_124 : i32
      scf.if %cond3A_125 {
        %mul3A_176 = arith.constant 8064 : i32
        %mul3A_177 = arith.muli %add3A_86, %mul3A_176 : i32
        %mul3A_178 = arith.constant 63 : i32
        %mul3A_179 = arith.muli %add3A_86, %mul3A_178 : i32
        %mul3A_180 = arith.constant 512 : i32
        %mul3A_181 = arith.muli %mul3A_179, %mul3A_180 : i32
        %dma_start3A_182 = arith.constant 0 : i32
        %dma_start3A_183 = tpu.memref_slice %arg10[%dma_start3A_182] : memref<8064xi32, #tpu.memory_space<vmem>> -> memref<5040xi32, #tpu.memory_space<vmem>>
        %dma_start3A_184 = tpu.memref_slice %arg4[%mul3A_177] : memref<3150000xi32, #tpu.memory_space<hbm>> -> memref<5040xi32, #tpu.memory_space<hbm>>
        %dma_start3A_185 = tpu.memref_slice %arg4[%mul3A_177] : memref<3150000xi32, #tpu.memory_space<hbm>> -> memref<5040xi32, #tpu.memory_space<hbm>>
        %dma_start3A_186 = arith.constant 0 : i32
        %dma_start3A_187 = tpu.memref_slice %arg10[%dma_start3A_186] : memref<8064xi32, #tpu.memory_space<vmem>> -> memref<5040xi32, #tpu.memory_space<vmem>>
        tpu.enqueue_dma source(%dma_start3A_187 : memref<5040xi32, #tpu.memory_space<vmem>>) target(%dma_start3A_185 : memref<5040xi32, #tpu.memory_space<hbm>>) target_semaphore(%arg14 : memref<!tpu.dma_semaphore, #tpu.memory_space<semaphore_mem>>)
        %dma_wait3A_188 = arith.constant 0 : i32
        %dma_wait3A_189 = tpu.memref_slice %arg10[%dma_wait3A_188] : memref<8064xi32, #tpu.memory_space<vmem>> -> memref<5040xi32, #tpu.memory_space<vmem>>
        %dma_wait3A_190 = tpu.memref_slice %arg4[%mul3A_177] : memref<3150000xi32, #tpu.memory_space<hbm>> -> memref<5040xi32, #tpu.memory_space<hbm>>
        %dma_wait3A_191 = tpu.memref_slice %arg4[%mul3A_177] : memref<3150000xi32, #tpu.memory_space<hbm>> -> memref<5040xi32, #tpu.memory_space<hbm>>
        %dma_wait3A_192 = arith.constant 0 : i32
        %dma_wait3A_193 = tpu.memref_slice %arg10[%dma_wait3A_192] : memref<8064xi32, #tpu.memory_space<vmem>> -> memref<5040xi32, #tpu.memory_space<vmem>>
        tpu.wait_dma2 semaphore(%arg14 : memref<!tpu.dma_semaphore, #tpu.memory_space<semaphore_mem>>) src(%dma_wait3A_193 : memref<5040xi32, #tpu.memory_space<vmem>>) dst(%dma_wait3A_191 : memref<5040xi32, #tpu.memory_space<hbm>>)
        %dma_start3A_194 = arith.constant 0 : i32
        %dma_start3A_195 = tpu.memref_slice %arg11[%dma_start3A_194] : memref<32256xf32, #tpu.memory_space<vmem>> -> memref<20480xf32, #tpu.memory_space<vmem>>
        %dma_start3A_196 = tpu.memref_slice %arg5[%mul3A_181] : memref<12600320xf32, #tpu.memory_space<hbm>> -> memref<20480xf32, #tpu.memory_space<hbm>>
        %dma_start3A_197 = tpu.memref_slice %arg5[%mul3A_181] : memref<12600320xf32, #tpu.memory_space<hbm>> -> memref<20480xf32, #tpu.memory_space<hbm>>
        %dma_start3A_198 = arith.constant 0 : i32
        %dma_start3A_199 = tpu.memref_slice %arg11[%dma_start3A_198] : memref<32256xf32, #tpu.memory_space<vmem>> -> memref<20480xf32, #tpu.memory_space<vmem>>
        tpu.enqueue_dma source(%dma_start3A_199 : memref<20480xf32, #tpu.memory_space<vmem>>) target(%dma_start3A_197 : memref<20480xf32, #tpu.memory_space<hbm>>) target_semaphore(%arg14 : memref<!tpu.dma_semaphore, #tpu.memory_space<semaphore_mem>>)
        %dma_wait3A_200 = arith.constant 0 : i32
        %dma_wait3A_201 = tpu.memref_slice %arg11[%dma_wait3A_200] : memref<32256xf32, #tpu.memory_space<vmem>> -> memref<20480xf32, #tpu.memory_space<vmem>>
        %dma_wait3A_202 = tpu.memref_slice %arg5[%mul3A_181] : memref<12600320xf32, #tpu.memory_space<hbm>> -> memref<20480xf32, #tpu.memory_space<hbm>>
        %dma_wait3A_203 = tpu.memref_slice %arg5[%mul3A_181] : memref<12600320xf32, #tpu.memory_space<hbm>> -> memref<20480xf32, #tpu.memory_space<hbm>>
        %dma_wait3A_204 = arith.constant 0 : i32
        %dma_wait3A_205 = tpu.memref_slice %arg11[%dma_wait3A_204] : memref<32256xf32, #tpu.memory_space<vmem>> -> memref<20480xf32, #tpu.memory_space<vmem>>
        tpu.wait_dma2 semaphore(%arg14 : memref<!tpu.dma_semaphore, #tpu.memory_space<semaphore_mem>>) src(%dma_wait3A_205 : memref<20480xf32, #tpu.memory_space<vmem>>) dst(%dma_wait3A_203 : memref<20480xf32, #tpu.memory_space<hbm>>)
      } else {
      }
      %mul3A_126 = arith.constant 2 : i32
      %mul3A_127 = arith.muli %mul3A_126, %while3A_81 : i32
      %add3A_128 = arith.constant 1 : i32
      %add3A_129 = arith.addi %mul3A_127, %add3A_128 : i32
      %mul3A_130 = arith.constant 32 : i32
      %mul3A_131 = arith.muli %add3A_129, %mul3A_130 : i32
      %add3A_132 = arith.addi %add3A, %mul3A_131 : i32
      %mul3A_133 = arith.constant 128 : i32
      %mul3A_134 = arith.muli %add3A_132, %mul3A_133 : i32
      %add3A_135 = arith.constant 1 : i32
      %add3A_136 = arith.addi %add3A_129, %add3A_135 : i32
      %lt3A_137 = arith.cmpi slt, %add3A_136, %select_n3A : i32
      %convert_element_type3A_138 = arith.extui %lt3A_137 : i1 to i32
      %cond3A_139 = arith.constant 0 : i32
      %cond3A_140 = arith.cmpi ne, %convert_element_type3A_138, %cond3A_139 : i32
      scf.if %cond3A_140 {
        %add3A_176 = arith.constant 32 : i32
        %add3A_177 = arith.addi %add3A_132, %add3A_176 : i32
        %mul3A_178 = arith.constant 128 : i32
        %mul3A_179 = arith.muli %add3A_177, %mul3A_178 : i32
        %dma_start3A_180 = arith.constant 0 : i32
        %dma_start3A_181 = tpu.memref_slice %arg2[%dma_start3A_180, %mul3A_179] : memref<64x50000xi32, #tpu.memory_space<hbm>> -> memref<64x128xi32, #tpu.memory_space<hbm>>
        %dma_start3A_182 = arith.constant 0 : i32
        %dma_start3A_183 = tpu.memref_slice %arg2[%dma_start3A_182, %mul3A_179] : memref<64x50000xi32, #tpu.memory_space<hbm>> -> memref<64x128xi32, #tpu.memory_space<hbm>>
        tpu.enqueue_dma source(%dma_start3A_183 : memref<64x128xi32, #tpu.memory_space<hbm>>) target(%arg6 : memref<64x128xi32, #tpu.memory_space<vmem>>) target_semaphore(%arg12 : memref<!tpu.dma_semaphore, #tpu.memory_space<semaphore_mem>>)
        %mul3A_184 = arith.constant 128 : i32
        %mul3A_185 = arith.muli %add3A_177, %mul3A_184 : i32
        %dma_start3A_186 = arith.constant 0 : i32
        %dma_start3A_187 = arith.constant 0 : i32
        %dma_start3A_188 = tpu.memref_slice %arg3[%dma_start3A_186, %dma_start3A_187, %mul3A_185] : memref<3x64x50000xf32, #tpu.memory_space<hbm>> -> memref<3x64x128xf32, #tpu.memory_space<hbm>>
        %dma_start3A_189 = arith.constant 0 : i32
        %dma_start3A_190 = arith.constant 0 : i32
        %dma_start3A_191 = tpu.memref_slice %arg3[%dma_start3A_189, %dma_start3A_190, %mul3A_185] : memref<3x64x50000xf32, #tpu.memory_space<hbm>> -> memref<3x64x128xf32, #tpu.memory_space<hbm>>
        tpu.enqueue_dma source(%dma_start3A_191 : memref<3x64x128xf32, #tpu.memory_space<hbm>>) target(%arg8 : memref<3x64x128xf32, #tpu.memory_space<vmem>>) target_semaphore(%arg12 : memref<!tpu.dma_semaphore, #tpu.memory_space<semaphore_mem>>)
      } else {
      }
      %gt3A_141 = arith.constant 0 : i32
      %gt3A_142 = arith.cmpi sgt, %add3A_129, %gt3A_141 : i32
      %convert_element_type3A_143 = arith.extui %gt3A_142 : i1 to i32
      %cond3A_144 = arith.constant 0 : i32
      %cond3A_145 = arith.cmpi ne, %convert_element_type3A_143, %cond3A_144 : i32
      scf.if %cond3A_145 {
        %mul3A_176 = arith.constant 8064 : i32
        %mul3A_177 = arith.muli %add3A_132, %mul3A_176 : i32
        %mul3A_178 = arith.constant 63 : i32
        %mul3A_179 = arith.muli %add3A_132, %mul3A_178 : i32
        %mul3A_180 = arith.constant 512 : i32
        %mul3A_181 = arith.muli %mul3A_179, %mul3A_180 : i32
        %dma_wait3A_182 = arith.constant 0 : i32
        %dma_wait3A_183 = tpu.memref_slice %arg10[%dma_wait3A_182] : memref<8064xi32, #tpu.memory_space<vmem>> -> memref<8064xi32, #tpu.memory_space<vmem>>
        %dma_wait3A_184 = tpu.memref_slice %arg4[%mul3A_177] : memref<3150000xi32, #tpu.memory_space<hbm>> -> memref<8064xi32, #tpu.memory_space<hbm>>
        %dma_wait3A_185 = tpu.memref_slice %arg4[%mul3A_177] : memref<3150000xi32, #tpu.memory_space<hbm>> -> memref<8064xi32, #tpu.memory_space<hbm>>
        %dma_wait3A_186 = arith.constant 0 : i32
        %dma_wait3A_187 = tpu.memref_slice %arg10[%dma_wait3A_186] : memref<8064xi32, #tpu.memory_space<vmem>> -> memref<8064xi32, #tpu.memory_space<vmem>>
        tpu.wait_dma2 semaphore(%arg14 : memref<!tpu.dma_semaphore, #tpu.memory_space<semaphore_mem>>) src(%dma_wait3A_187 : memref<8064xi32, #tpu.memory_space<vmem>>) dst(%dma_wait3A_185 : memref<8064xi32, #tpu.memory_space<hbm>>)
        %dma_wait3A_188 = arith.constant 0 : i32
        %dma_wait3A_189 = tpu.memref_slice %arg11[%dma_wait3A_188] : memref<32256xf32, #tpu.memory_space<vmem>> -> memref<32256xf32, #tpu.memory_space<vmem>>
        %dma_wait3A_190 = tpu.memref_slice %arg5[%mul3A_181] : memref<12600320xf32, #tpu.memory_space<hbm>> -> memref<32256xf32, #tpu.memory_space<hbm>>
        %dma_wait3A_191 = tpu.memref_slice %arg5[%mul3A_181] : memref<12600320xf32, #tpu.memory_space<hbm>> -> memref<32256xf32, #tpu.memory_space<hbm>>
        %dma_wait3A_192 = arith.constant 0 : i32
        %dma_wait3A_193 = tpu.memref_slice %arg11[%dma_wait3A_192] : memref<32256xf32, #tpu.memory_space<vmem>> -> memref<32256xf32, #tpu.memory_space<vmem>>
        tpu.wait_dma2 semaphore(%arg14 : memref<!tpu.dma_semaphore, #tpu.memory_space<semaphore_mem>>) src(%dma_wait3A_193 : memref<32256xf32, #tpu.memory_space<vmem>>) dst(%dma_wait3A_191 : memref<32256xf32, #tpu.memory_space<hbm>>)
      } else {
      }
      %mul3A_146 = arith.constant 128 : i32
      %mul3A_147 = arith.muli %add3A_132, %mul3A_146 : i32
      %dma_wait3A_148 = arith.constant 0 : i32
      %dma_wait3A_149 = tpu.memref_slice %arg2[%dma_wait3A_148, %mul3A_147] : memref<64x50000xi32, #tpu.memory_space<hbm>> -> memref<64x128xi32, #tpu.memory_space<hbm>>
      %dma_wait3A_150 = arith.constant 0 : i32
      %dma_wait3A_151 = tpu.memref_slice %arg2[%dma_wait3A_150, %mul3A_147] : memref<64x50000xi32, #tpu.memory_space<hbm>> -> memref<64x128xi32, #tpu.memory_space<hbm>>
      tpu.wait_dma2 semaphore(%arg13 : memref<!tpu.dma_semaphore, #tpu.memory_space<semaphore_mem>>) src(%dma_wait3A_151 : memref<64x128xi32, #tpu.memory_space<hbm>>) dst(%arg7 : memref<64x128xi32, #tpu.memory_space<vmem>>)
      %mul3A_152 = arith.constant 128 : i32
      %mul3A_153 = arith.muli %add3A_132, %mul3A_152 : i32
      %dma_wait3A_154 = arith.constant 0 : i32
      %dma_wait3A_155 = arith.constant 0 : i32
      %dma_wait3A_156 = tpu.memref_slice %arg3[%dma_wait3A_154, %dma_wait3A_155, %mul3A_153] : memref<3x64x50000xf32, #tpu.memory_space<hbm>> -> memref<3x64x128xf32, #tpu.memory_space<hbm>>
      %dma_wait3A_157 = arith.constant 0 : i32
      %dma_wait3A_158 = arith.constant 0 : i32
      %dma_wait3A_159 = tpu.memref_slice %arg3[%dma_wait3A_157, %dma_wait3A_158, %mul3A_153] : memref<3x64x50000xf32, #tpu.memory_space<hbm>> -> memref<3x64x128xf32, #tpu.memory_space<hbm>>
      tpu.wait_dma2 semaphore(%arg13 : memref<!tpu.dma_semaphore, #tpu.memory_space<semaphore_mem>>) src(%dma_wait3A_159 : memref<3x64x128xf32, #tpu.memory_space<hbm>>) dst(%arg9 : memref<3x64x128xf32, #tpu.memory_space<vmem>>)
      %scan3A_160 = arith.constant 0 : i32
      %scan3A_161 = arith.constant 0 : i32
      %scan3A_162 = arith.constant 63 : i32
      %scan3A_163 = arith.addi %scan3A_161, %scan3A_162 : i32
      %scan3A_164 = arith.constant 1 : i32
      scf.for %scan3A_176 = %scan3A_161 to %scan3A_163 step %scan3A_164  : i32 {
        %add3A_177 = arith.constant 1 : i32
        %add3A_178 = arith.addi %scan3A_176, %add3A_177 : i32
        %get3A = arith.index_cast %add3A_178 : i32 to index
        %get3A_179 = arith.constant 0 : index
        %get3A_180 = tpu.vector_load %arg7[%get3A, %get3A_179] {strides = array<i32>} : memref<64x128xi32, #tpu.memory_space<vmem>>, vector<16xi32>,
        %get3A_181 = arith.constant 0 : i32
        %get3A_182 = arith.index_cast %get3A_181 : i32 to index
        %get3A_183 = arith.index_cast %add3A_178 : i32 to index
        %get3A_184 = arith.constant 0 : index
        %get3A_185 = tpu.vector_load %arg9[%get3A_182, %get3A_183, %get3A_184] {strides = array<i32>} : memref<3x64x128xf32, #tpu.memory_space<vmem>>, vector<16xf32>,
        %get3A_186 = arith.constant 1 : i32
        %get3A_187 = arith.index_cast %get3A_186 : i32 to index
        %get3A_188 = arith.index_cast %add3A_178 : i32 to index
        %get3A_189 = arith.constant 0 : index
        %get3A_190 = tpu.vector_load %arg9[%get3A_187, %get3A_188, %get3A_189] {strides = array<i32>} : memref<3x64x128xf32, #tpu.memory_space<vmem>>, vector<16xf32>,
        %get3A_191 = arith.constant 2 : i32
        %get3A_192 = arith.index_cast %get3A_191 : i32 to index
        %get3A_193 = arith.index_cast %add3A_178 : i32 to index
        %get3A_194 = arith.constant 0 : index
        %get3A_195 = tpu.vector_load %arg9[%get3A_192, %get3A_193, %get3A_194] {strides = array<i32>} : memref<3x64x128xf32, #tpu.memory_space<vmem>>, vector<16xf32>,
        %get3A_196 = arith.index_cast %add3A_178 : i32 to index
        %get3A_197 = arith.constant 16 : index
        %get3A_198 = tpu.vector_load %arg7[%get3A_196, %get3A_197] {strides = array<i32>} : memref<64x128xi32, #tpu.memory_space<vmem>>, vector<16xi32>,
        %get3A_199 = arith.constant 0 : i32
        %get3A_200 = arith.index_cast %get3A_199 : i32 to index
        %get3A_201 = arith.index_cast %add3A_178 : i32 to index
        %get3A_202 = arith.constant 16 : index
        %get3A_203 = tpu.vector_load %arg9[%get3A_200, %get3A_201, %get3A_202] {strides = array<i32>} : memref<3x64x128xf32, #tpu.memory_space<vmem>>, vector<16xf32>,
        %get3A_204 = arith.constant 1 : i32
        %get3A_205 = arith.index_cast %get3A_204 : i32 to index
        %get3A_206 = arith.index_cast %add3A_178 : i32 to index
        %get3A_207 = arith.constant 16 : index
        %get3A_208 = tpu.vector_load %arg9[%get3A_205, %get3A_206, %get3A_207] {strides = array<i32>} : memref<3x64x128xf32, #tpu.memory_space<vmem>>, vector<16xf32>,
        %get3A_209 = arith.constant 2 : i32
        %get3A_210 = arith.index_cast %get3A_209 : i32 to index
        %get3A_211 = arith.index_cast %add3A_178 : i32 to index
        %get3A_212 = arith.constant 16 : index
        %get3A_213 = tpu.vector_load %arg9[%get3A_210, %get3A_211, %get3A_212] {strides = array<i32>} : memref<3x64x128xf32, #tpu.memory_space<vmem>>, vector<16xf32>,
        %get3A_214 = arith.index_cast %add3A_178 : i32 to index
        %get3A_215 = arith.constant 32 : index
        %get3A_216 = tpu.vector_load %arg7[%get3A_214, %get3A_215] {strides = array<i32>} : memref<64x128xi32, #tpu.memory_space<vmem>>, vector<16xi32>,
        %get3A_217 = arith.constant 0 : i32
        %get3A_218 = arith.index_cast %get3A_217 : i32 to index
        %get3A_219 = arith.index_cast %add3A_178 : i32 to index
        %get3A_220 = arith.constant 32 : index
        %get3A_221 = tpu.vector_load %arg9[%get3A_218, %get3A_219, %get3A_220] {strides = array<i32>} : memref<3x64x128xf32, #tpu.memory_space<vmem>>, vector<16xf32>,
        %get3A_222 = arith.constant 1 : i32
        %get3A_223 = arith.index_cast %get3A_222 : i32 to index
        %get3A_224 = arith.index_cast %add3A_178 : i32 to index
        %get3A_225 = arith.constant 32 : index
        %get3A_226 = tpu.vector_load %arg9[%get3A_223, %get3A_224, %get3A_225] {strides = array<i32>} : memref<3x64x128xf32, #tpu.memory_space<vmem>>, vector<16xf32>,
        %get3A_227 = arith.constant 2 : i32
        %get3A_228 = arith.index_cast %get3A_227 : i32 to index
        %get3A_229 = arith.index_cast %add3A_178 : i32 to index
        %get3A_230 = arith.constant 32 : index
        %get3A_231 = tpu.vector_load %arg9[%get3A_228, %get3A_229, %get3A_230] {strides = array<i32>} : memref<3x64x128xf32, #tpu.memory_space<vmem>>, vector<16xf32>,
        %get3A_232 = arith.index_cast %add3A_178 : i32 to index
        %get3A_233 = arith.constant 48 : index
        %get3A_234 = tpu.vector_load %arg7[%get3A_232, %get3A_233] {strides = array<i32>} : memref<64x128xi32, #tpu.memory_space<vmem>>, vector<16xi32>,
        %get3A_235 = arith.constant 0 : i32
        %get3A_236 = arith.index_cast %get3A_235 : i32 to index
        %get3A_237 = arith.index_cast %add3A_178 : i32 to index
        %get3A_238 = arith.constant 48 : index
        %get3A_239 = tpu.vector_load %arg9[%get3A_236, %get3A_237, %get3A_238] {strides = array<i32>} : memref<3x64x128xf32, #tpu.memory_space<vmem>>, vector<16xf32>,
        %get3A_240 = arith.constant 1 : i32
        %get3A_241 = arith.index_cast %get3A_240 : i32 to index
        %get3A_242 = arith.index_cast %add3A_178 : i32 to index
        %get3A_243 = arith.constant 48 : index
        %get3A_244 = tpu.vector_load %arg9[%get3A_241, %get3A_242, %get3A_243] {strides = array<i32>} : memref<3x64x128xf32, #tpu.memory_space<vmem>>, vector<16xf32>,
        %get3A_245 = arith.constant 2 : i32
        %get3A_246 = arith.index_cast %get3A_245 : i32 to index
        %get3A_247 = arith.index_cast %add3A_178 : i32 to index
        %get3A_248 = arith.constant 48 : index
        %get3A_249 = tpu.vector_load %arg9[%get3A_246, %get3A_247, %get3A_248] {strides = array<i32>} : memref<3x64x128xf32, #tpu.memory_space<vmem>>, vector<16xf32>,
        %get3A_250 = arith.index_cast %add3A_178 : i32 to index
        %get3A_251 = arith.constant 64 : index
        %get3A_252 = tpu.vector_load %arg7[%get3A_250, %get3A_251] {strides = array<i32>} : memref<64x128xi32, #tpu.memory_space<vmem>>, vector<16xi32>,
        %get3A_253 = arith.constant 0 : i32
        %get3A_254 = arith.index_cast %get3A_253 : i32 to index
        %get3A_255 = arith.index_cast %add3A_178 : i32 to index
        %get3A_256 = arith.constant 64 : index
        %get3A_257 = tpu.vector_load %arg9[%get3A_254, %get3A_255, %get3A_256] {strides = array<i32>} : memref<3x64x128xf32, #tpu.memory_space<vmem>>, vector<16xf32>,
        %get3A_258 = arith.constant 1 : i32
        %get3A_259 = arith.index_cast %get3A_258 : i32 to index
        %get3A_260 = arith.index_cast %add3A_178 : i32 to index
        %get3A_261 = arith.constant 64 : index
        %get3A_262 = tpu.vector_load %arg9[%get3A_259, %get3A_260, %get3A_261] {strides = array<i32>} : memref<3x64x128xf32, #tpu.memory_space<vmem>>, vector<16xf32>,
        %get3A_263 = arith.constant 2 : i32
        %get3A_264 = arith.index_cast %get3A_263 : i32 to index
        %get3A_265 = arith.index_cast %add3A_178 : i32 to index
        %get3A_266 = arith.constant 64 : index
        %get3A_267 = tpu.vector_load %arg9[%get3A_264, %get3A_265, %get3A_266] {strides = array<i32>} : memref<3x64x128xf32, #tpu.memory_space<vmem>>, vector<16xf32>,
        %get3A_268 = arith.index_cast %add3A_178 : i32 to index
        %get3A_269 = arith.constant 80 : index
        %get3A_270 = tpu.vector_load %arg7[%get3A_268, %get3A_269] {strides = array<i32>} : memref<64x128xi32, #tpu.memory_space<vmem>>, vector<16xi32>,
        %get3A_271 = arith.constant 0 : i32
        %get3A_272 = arith.index_cast %get3A_271 : i32 to index
        %get3A_273 = arith.index_cast %add3A_178 : i32 to index
        %get3A_274 = arith.constant 80 : index
        %get3A_275 = tpu.vector_load %arg9[%get3A_272, %get3A_273, %get3A_274] {strides = array<i32>} : memref<3x64x128xf32, #tpu.memory_space<vmem>>, vector<16xf32>,
        %get3A_276 = arith.constant 1 : i32
        %get3A_277 = arith.index_cast %get3A_276 : i32 to index
        %get3A_278 = arith.index_cast %add3A_178 : i32 to index
        %get3A_279 = arith.constant 80 : index
        %get3A_280 = tpu.vector_load %arg9[%get3A_277, %get3A_278, %get3A_279] {strides = array<i32>} : memref<3x64x128xf32, #tpu.memory_space<vmem>>, vector<16xf32>,
        %get3A_281 = arith.constant 2 : i32
        %get3A_282 = arith.index_cast %get3A_281 : i32 to index
        %get3A_283 = arith.index_cast %add3A_178 : i32 to index
        %get3A_284 = arith.constant 80 : index
        %get3A_285 = tpu.vector_load %arg9[%get3A_282, %get3A_283, %get3A_284] {strides = array<i32>} : memref<3x64x128xf32, #tpu.memory_space<vmem>>, vector<16xf32>,
        %get3A_286 = arith.index_cast %add3A_178 : i32 to index
        %get3A_287 = arith.constant 96 : index
        %get3A_288 = tpu.vector_load %arg7[%get3A_286, %get3A_287] {strides = array<i32>} : memref<64x128xi32, #tpu.memory_space<vmem>>, vector<16xi32>,
        %get3A_289 = arith.constant 0 : i32
        %get3A_290 = arith.index_cast %get3A_289 : i32 to index
        %get3A_291 = arith.index_cast %add3A_178 : i32 to index
        %get3A_292 = arith.constant 96 : index
        %get3A_293 = tpu.vector_load %arg9[%get3A_290, %get3A_291, %get3A_292] {strides = array<i32>} : memref<3x64x128xf32, #tpu.memory_space<vmem>>, vector<16xf32>,
        %get3A_294 = arith.constant 1 : i32
        %get3A_295 = arith.index_cast %get3A_294 : i32 to index
        %get3A_296 = arith.index_cast %add3A_178 : i32 to index
        %get3A_297 = arith.constant 96 : index
        %get3A_298 = tpu.vector_load %arg9[%get3A_295, %get3A_296, %get3A_297] {strides = array<i32>} : memref<3x64x128xf32, #tpu.memory_space<vmem>>, vector<16xf32>,
        %get3A_299 = arith.constant 2 : i32
        %get3A_300 = arith.index_cast %get3A_299 : i32 to index
        %get3A_301 = arith.index_cast %add3A_178 : i32 to index
        %get3A_302 = arith.constant 96 : index
        %get3A_303 = tpu.vector_load %arg9[%get3A_300, %get3A_301, %get3A_302] {strides = array<i32>} : memref<3x64x128xf32, #tpu.memory_space<vmem>>, vector<16xf32>,
        %get3A_304 = arith.index_cast %add3A_178 : i32 to index
        %get3A_305 = arith.constant 112 : index
        %get3A_306 = tpu.vector_load %arg7[%get3A_304, %get3A_305] {strides = array<i32>} : memref<64x128xi32, #tpu.memory_space<vmem>>, vector<16xi32>,
        %get3A_307 = arith.constant 0 : i32
        %get3A_308 = arith.index_cast %get3A_307 : i32 to index
        %get3A_309 = arith.index_cast %add3A_178 : i32 to index
        %get3A_310 = arith.constant 112 : index
        %get3A_311 = tpu.vector_load %arg9[%get3A_308, %get3A_309, %get3A_310] {strides = array<i32>} : memref<3x64x128xf32, #tpu.memory_space<vmem>>, vector<16xf32>,
        %get3A_312 = arith.constant 1 : i32
        %get3A_313 = arith.index_cast %get3A_312 : i32 to index
        %get3A_314 = arith.index_cast %add3A_178 : i32 to index
        %get3A_315 = arith.constant 112 : index
        %get3A_316 = tpu.vector_load %arg9[%get3A_313, %get3A_314, %get3A_315] {strides = array<i32>} : memref<3x64x128xf32, #tpu.memory_space<vmem>>, vector<16xf32>,
        %get3A_317 = arith.constant 2 : i32
        %get3A_318 = arith.index_cast %get3A_317 : i32 to index
        %get3A_319 = arith.index_cast %add3A_178 : i32 to index
        %get3A_320 = arith.constant 112 : index
        %get3A_321 = tpu.vector_load %arg9[%get3A_318, %get3A_319, %get3A_320] {strides = array<i32>} : memref<3x64x128xf32, #tpu.memory_space<vmem>>, vector<16xf32>,
        %add3A_322 = arith.constant 0 : i32
        %add3A_323 = arith.addi %add3A_322, %scan3A_176 : i32
        %add3A_324 = vector.broadcast %add3A_323 : i32 to vector<16xi32>
        %add3A_325 = arith.addi %mul3A_3, %add3A_324 : vector<16xi32>
        tpu.vector_store_idx %arg10[%add3A_325], %get3A_180 : memref<8064xi32, #tpu.memory_space<vmem>>[vector<16xi32>], vector<16xi32>,
        %shift_right_arithmetic3A = arith.constant 7 : i32
        %shift_right_arithmetic3A_326 = vector.broadcast %shift_right_arithmetic3A : i32 to vector<16xi32>
        %shift_right_arithmetic3A_327 = arith.shrsi %add3A_325, %shift_right_arithmetic3A_326 : vector<16xi32>
        %shift_left3A = arith.constant 9 : i32
        %shift_left3A_328 = vector.broadcast %shift_left3A : i32 to vector<16xi32>
        %shift_left3A_329 = arith.shli %shift_right_arithmetic3A_327, %shift_left3A_328 : vector<16xi32>
        %and3A_330 = arith.constant 127 : i32
        %and3A_331 = vector.broadcast %and3A_330 : i32 to vector<16xi32>
        %and3A_332 = arith.andi %add3A_325, %and3A_331 : vector<16xi32>
        %add3A_333 = arith.addi %shift_left3A_329, %and3A_332 : vector<16xi32>
        tpu.vector_store_idx %arg11[%add3A_333], %get3A_185 : memref<32256xf32, #tpu.memory_space<vmem>>[vector<16xi32>], vector<16xf32>,
        %add3A_334 = arith.constant 128 : i32
        %add3A_335 = vector.broadcast %add3A_334 : i32 to vector<16xi32>
        %add3A_336 = arith.addi %add3A_333, %add3A_335 : vector<16xi32>
        tpu.vector_store_idx %arg11[%add3A_336], %get3A_190 : memref<32256xf32, #tpu.memory_space<vmem>>[vector<16xi32>], vector<16xf32>,
        %add3A_337 = arith.constant 256 : i32
        %add3A_338 = vector.broadcast %add3A_337 : i32 to vector<16xi32>
        %add3A_339 = arith.addi %add3A_333, %add3A_338 : vector<16xi32>
        tpu.vector_store_idx %arg11[%add3A_339], %get3A_195 : memref<32256xf32, #tpu.memory_space<vmem>>[vector<16xi32>], vector<16xf32>,
        %add3A_340 = arith.constant 1008 : i32
        %add3A_341 = arith.addi %add3A_340, %scan3A_176 : i32
        %add3A_342 = vector.broadcast %add3A_341 : i32 to vector<16xi32>
        %add3A_343 = arith.addi %mul3A_3, %add3A_342 : vector<16xi32>
        tpu.vector_store_idx %arg10[%add3A_343], %get3A_198 : memref<8064xi32, #tpu.memory_space<vmem>>[vector<16xi32>], vector<16xi32>,
        %shift_right_arithmetic3A_344 = arith.constant 7 : i32
        %shift_right_arithmetic3A_345 = vector.broadcast %shift_right_arithmetic3A_344 : i32 to vector<16xi32>
        %shift_right_arithmetic3A_346 = arith.shrsi %add3A_343, %shift_right_arithmetic3A_345 : vector<16xi32>
        %shift_left3A_347 = arith.constant 9 : i32
        %shift_left3A_348 = vector.broadcast %shift_left3A_347 : i32 to vector<16xi32>
        %shift_left3A_349 = arith.shli %shift_right_arithmetic3A_346, %shift_left3A_348 : vector<16xi32>
        %and3A_350 = arith.constant 127 : i32
        %and3A_351 = vector.broadcast %and3A_350 : i32 to vector<16xi32>
        %and3A_352 = arith.andi %add3A_343, %and3A_351 : vector<16xi32>
        %add3A_353 = arith.addi %shift_left3A_349, %and3A_352 : vector<16xi32>
        tpu.vector_store_idx %arg11[%add3A_353], %get3A_203 : memref<32256xf32, #tpu.memory_space<vmem>>[vector<16xi32>], vector<16xf32>,
        %add3A_354 = arith.constant 128 : i32
        %add3A_355 = vector.broadcast %add3A_354 : i32 to vector<16xi32>
        %add3A_356 = arith.addi %add3A_353, %add3A_355 : vector<16xi32>
        tpu.vector_store_idx %arg11[%add3A_356], %get3A_208 : memref<32256xf32, #tpu.memory_space<vmem>>[vector<16xi32>], vector<16xf32>,
        %add3A_357 = arith.constant 256 : i32
        %add3A_358 = vector.broadcast %add3A_357 : i32 to vector<16xi32>
        %add3A_359 = arith.addi %add3A_353, %add3A_358 : vector<16xi32>
        tpu.vector_store_idx %arg11[%add3A_359], %get3A_213 : memref<32256xf32, #tpu.memory_space<vmem>>[vector<16xi32>], vector<16xf32>,
        %add3A_360 = arith.constant 2016 : i32
        %add3A_361 = arith.addi %add3A_360, %scan3A_176 : i32
        %add3A_362 = vector.broadcast %add3A_361 : i32 to vector<16xi32>
        %add3A_363 = arith.addi %mul3A_3, %add3A_362 : vector<16xi32>
        tpu.vector_store_idx %arg10[%add3A_363], %get3A_216 : memref<8064xi32, #tpu.memory_space<vmem>>[vector<16xi32>], vector<16xi32>,
        %shift_right_arithmetic3A_364 = arith.constant 7 : i32
        %shift_right_arithmetic3A_365 = vector.broadcast %shift_right_arithmetic3A_364 : i32 to vector<16xi32>
        %shift_right_arithmetic3A_366 = arith.shrsi %add3A_363, %shift_right_arithmetic3A_365 : vector<16xi32>
        %shift_left3A_367 = arith.constant 9 : i32
        %shift_left3A_368 = vector.broadcast %shift_left3A_367 : i32 to vector<16xi32>
        %shift_left3A_369 = arith.shli %shift_right_arithmetic3A_366, %shift_left3A_368 : vector<16xi32>
        %and3A_370 = arith.constant 127 : i32
        %and3A_371 = vector.broadcast %and3A_370 : i32 to vector<16xi32>
        %and3A_372 = arith.andi %add3A_363, %and3A_371 : vector<16xi32>
        %add3A_373 = arith.addi %shift_left3A_369, %and3A_372 : vector<16xi32>
        tpu.vector_store_idx %arg11[%add3A_373], %get3A_221 : memref<32256xf32, #tpu.memory_space<vmem>>[vector<16xi32>], vector<16xf32>,
        %add3A_374 = arith.constant 128 : i32
        %add3A_375 = vector.broadcast %add3A_374 : i32 to vector<16xi32>
        %add3A_376 = arith.addi %add3A_373, %add3A_375 : vector<16xi32>
        tpu.vector_store_idx %arg11[%add3A_376], %get3A_226 : memref<32256xf32, #tpu.memory_space<vmem>>[vector<16xi32>], vector<16xf32>,
        %add3A_377 = arith.constant 256 : i32
        %add3A_378 = vector.broadcast %add3A_377 : i32 to vector<16xi32>
        %add3A_379 = arith.addi %add3A_373, %add3A_378 : vector<16xi32>
        tpu.vector_store_idx %arg11[%add3A_379], %get3A_231 : memref<32256xf32, #tpu.memory_space<vmem>>[vector<16xi32>], vector<16xf32>,
        %add3A_380 = arith.constant 3024 : i32
        %add3A_381 = arith.addi %add3A_380, %scan3A_176 : i32
        %add3A_382 = vector.broadcast %add3A_381 : i32 to vector<16xi32>
        %add3A_383 = arith.addi %mul3A_3, %add3A_382 : vector<16xi32>
        tpu.vector_store_idx %arg10[%add3A_383], %get3A_234 : memref<8064xi32, #tpu.memory_space<vmem>>[vector<16xi32>], vector<16xi32>,
        %shift_right_arithmetic3A_384 = arith.constant 7 : i32
        %shift_right_arithmetic3A_385 = vector.broadcast %shift_right_arithmetic3A_384 : i32 to vector<16xi32>
        %shift_right_arithmetic3A_386 = arith.shrsi %add3A_383, %shift_right_arithmetic3A_385 : vector<16xi32>
        %shift_left3A_387 = arith.constant 9 : i32
        %shift_left3A_388 = vector.broadcast %shift_left3A_387 : i32 to vector<16xi32>
        %shift_left3A_389 = arith.shli %shift_right_arithmetic3A_386, %shift_left3A_388 : vector<16xi32>
        %and3A_390 = arith.constant 127 : i32
        %and3A_391 = vector.broadcast %and3A_390 : i32 to vector<16xi32>
        %and3A_392 = arith.andi %add3A_383, %and3A_391 : vector<16xi32>
        %add3A_393 = arith.addi %shift_left3A_389, %and3A_392 : vector<16xi32>
        tpu.vector_store_idx %arg11[%add3A_393], %get3A_239 : memref<32256xf32, #tpu.memory_space<vmem>>[vector<16xi32>], vector<16xf32>,
        %add3A_394 = arith.constant 128 : i32
        %add3A_395 = vector.broadcast %add3A_394 : i32 to vector<16xi32>
        %add3A_396 = arith.addi %add3A_393, %add3A_395 : vector<16xi32>
        tpu.vector_store_idx %arg11[%add3A_396], %get3A_244 : memref<32256xf32, #tpu.memory_space<vmem>>[vector<16xi32>], vector<16xf32>,
        %add3A_397 = arith.constant 256 : i32
        %add3A_398 = vector.broadcast %add3A_397 : i32 to vector<16xi32>
        %add3A_399 = arith.addi %add3A_393, %add3A_398 : vector<16xi32>
        tpu.vector_store_idx %arg11[%add3A_399], %get3A_249 : memref<32256xf32, #tpu.memory_space<vmem>>[vector<16xi32>], vector<16xf32>,
        %add3A_400 = arith.constant 4032 : i32
        %add3A_401 = arith.addi %add3A_400, %scan3A_176 : i32
        %add3A_402 = vector.broadcast %add3A_401 : i32 to vector<16xi32>
        %add3A_403 = arith.addi %mul3A_3, %add3A_402 : vector<16xi32>
        tpu.vector_store_idx %arg10[%add3A_403], %get3A_252 : memref<8064xi32, #tpu.memory_space<vmem>>[vector<16xi32>], vector<16xi32>,
        %shift_right_arithmetic3A_404 = arith.constant 7 : i32
        %shift_right_arithmetic3A_405 = vector.broadcast %shift_right_arithmetic3A_404 : i32 to vector<16xi32>
        %shift_right_arithmetic3A_406 = arith.shrsi %add3A_403, %shift_right_arithmetic3A_405 : vector<16xi32>
        %shift_left3A_407 = arith.constant 9 : i32
        %shift_left3A_408 = vector.broadcast %shift_left3A_407 : i32 to vector<16xi32>
        %shift_left3A_409 = arith.shli %shift_right_arithmetic3A_406, %shift_left3A_408 : vector<16xi32>
        %and3A_410 = arith.constant 127 : i32
        %and3A_411 = vector.broadcast %and3A_410 : i32 to vector<16xi32>
        %and3A_412 = arith.andi %add3A_403, %and3A_411 : vector<16xi32>
        %add3A_413 = arith.addi %shift_left3A_409, %and3A_412 : vector<16xi32>
        tpu.vector_store_idx %arg11[%add3A_413], %get3A_257 : memref<32256xf32, #tpu.memory_space<vmem>>[vector<16xi32>], vector<16xf32>,
        %add3A_414 = arith.constant 128 : i32
        %add3A_415 = vector.broadcast %add3A_414 : i32 to vector<16xi32>
        %add3A_416 = arith.addi %add3A_413, %add3A_415 : vector<16xi32>
        tpu.vector_store_idx %arg11[%add3A_416], %get3A_262 : memref<32256xf32, #tpu.memory_space<vmem>>[vector<16xi32>], vector<16xf32>,
        %add3A_417 = arith.constant 256 : i32
        %add3A_418 = vector.broadcast %add3A_417 : i32 to vector<16xi32>
        %add3A_419 = arith.addi %add3A_413, %add3A_418 : vector<16xi32>
        tpu.vector_store_idx %arg11[%add3A_419], %get3A_267 : memref<32256xf32, #tpu.memory_space<vmem>>[vector<16xi32>], vector<16xf32>,
        %add3A_420 = arith.constant 5040 : i32
        %add3A_421 = arith.addi %add3A_420, %scan3A_176 : i32
        %add3A_422 = vector.broadcast %add3A_421 : i32 to vector<16xi32>
        %add3A_423 = arith.addi %mul3A_3, %add3A_422 : vector<16xi32>
        tpu.vector_store_idx %arg10[%add3A_423], %get3A_270 : memref<8064xi32, #tpu.memory_space<vmem>>[vector<16xi32>], vector<16xi32>,
        %shift_right_arithmetic3A_424 = arith.constant 7 : i32
        %shift_right_arithmetic3A_425 = vector.broadcast %shift_right_arithmetic3A_424 : i32 to vector<16xi32>
        %shift_right_arithmetic3A_426 = arith.shrsi %add3A_423, %shift_right_arithmetic3A_425 : vector<16xi32>
        %shift_left3A_427 = arith.constant 9 : i32
        %shift_left3A_428 = vector.broadcast %shift_left3A_427 : i32 to vector<16xi32>
        %shift_left3A_429 = arith.shli %shift_right_arithmetic3A_426, %shift_left3A_428 : vector<16xi32>
        %and3A_430 = arith.constant 127 : i32
        %and3A_431 = vector.broadcast %and3A_430 : i32 to vector<16xi32>
        %and3A_432 = arith.andi %add3A_423, %and3A_431 : vector<16xi32>
        %add3A_433 = arith.addi %shift_left3A_429, %and3A_432 : vector<16xi32>
        tpu.vector_store_idx %arg11[%add3A_433], %get3A_275 : memref<32256xf32, #tpu.memory_space<vmem>>[vector<16xi32>], vector<16xf32>,
        %add3A_434 = arith.constant 128 : i32
        %add3A_435 = vector.broadcast %add3A_434 : i32 to vector<16xi32>
        %add3A_436 = arith.addi %add3A_433, %add3A_435 : vector<16xi32>
        tpu.vector_store_idx %arg11[%add3A_436], %get3A_280 : memref<32256xf32, #tpu.memory_space<vmem>>[vector<16xi32>], vector<16xf32>,
        %add3A_437 = arith.constant 256 : i32
        %add3A_438 = vector.broadcast %add3A_437 : i32 to vector<16xi32>
        %add3A_439 = arith.addi %add3A_433, %add3A_438 : vector<16xi32>
        tpu.vector_store_idx %arg11[%add3A_439], %get3A_285 : memref<32256xf32, #tpu.memory_space<vmem>>[vector<16xi32>], vector<16xf32>,
        %add3A_440 = arith.constant 6048 : i32
        %add3A_441 = arith.addi %add3A_440, %scan3A_176 : i32
        %add3A_442 = vector.broadcast %add3A_441 : i32 to vector<16xi32>
        %add3A_443 = arith.addi %mul3A_3, %add3A_442 : vector<16xi32>
        tpu.vector_store_idx %arg10[%add3A_443], %get3A_288 : memref<8064xi32, #tpu.memory_space<vmem>>[vector<16xi32>], vector<16xi32>,
        %shift_right_arithmetic3A_444 = arith.constant 7 : i32
        %shift_right_arithmetic3A_445 = vector.broadcast %shift_right_arithmetic3A_444 : i32 to vector<16xi32>
        %shift_right_arithmetic3A_446 = arith.shrsi %add3A_443, %shift_right_arithmetic3A_445 : vector<16xi32>
        %shift_left3A_447 = arith.constant 9 : i32
        %shift_left3A_448 = vector.broadcast %shift_left3A_447 : i32 to vector<16xi32>
        %shift_left3A_449 = arith.shli %shift_right_arithmetic3A_446, %shift_left3A_448 : vector<16xi32>
        %and3A_450 = arith.constant 127 : i32
        %and3A_451 = vector.broadcast %and3A_450 : i32 to vector<16xi32>
        %and3A_452 = arith.andi %add3A_443, %and3A_451 : vector<16xi32>
        %add3A_453 = arith.addi %shift_left3A_449, %and3A_452 : vector<16xi32>
        tpu.vector_store_idx %arg11[%add3A_453], %get3A_293 : memref<32256xf32, #tpu.memory_space<vmem>>[vector<16xi32>], vector<16xf32>,
        %add3A_454 = arith.constant 128 : i32
        %add3A_455 = vector.broadcast %add3A_454 : i32 to vector<16xi32>
        %add3A_456 = arith.addi %add3A_453, %add3A_455 : vector<16xi32>
        tpu.vector_store_idx %arg11[%add3A_456], %get3A_298 : memref<32256xf32, #tpu.memory_space<vmem>>[vector<16xi32>], vector<16xf32>,
        %add3A_457 = arith.constant 256 : i32
        %add3A_458 = vector.broadcast %add3A_457 : i32 to vector<16xi32>
        %add3A_459 = arith.addi %add3A_453, %add3A_458 : vector<16xi32>
        tpu.vector_store_idx %arg11[%add3A_459], %get3A_303 : memref<32256xf32, #tpu.memory_space<vmem>>[vector<16xi32>], vector<16xf32>,
        %add3A_460 = arith.constant 7056 : i32
        %add3A_461 = arith.addi %add3A_460, %scan3A_176 : i32
        %add3A_462 = vector.broadcast %add3A_461 : i32 to vector<16xi32>
        %add3A_463 = arith.addi %mul3A_3, %add3A_462 : vector<16xi32>
        tpu.vector_store_idx %arg10[%add3A_463], %get3A_306 : memref<8064xi32, #tpu.memory_space<vmem>>[vector<16xi32>], vector<16xi32>,
        %shift_right_arithmetic3A_464 = arith.constant 7 : i32
        %shift_right_arithmetic3A_465 = vector.broadcast %shift_right_arithmetic3A_464 : i32 to vector<16xi32>
        %shift_right_arithmetic3A_466 = arith.shrsi %add3A_463, %shift_right_arithmetic3A_465 : vector<16xi32>
        %shift_left3A_467 = arith.constant 9 : i32
        %shift_left3A_468 = vector.broadcast %shift_left3A_467 : i32 to vector<16xi32>
        %shift_left3A_469 = arith.shli %shift_right_arithmetic3A_466, %shift_left3A_468 : vector<16xi32>
        %and3A_470 = arith.constant 127 : i32
        %and3A_471 = vector.broadcast %and3A_470 : i32 to vector<16xi32>
        %and3A_472 = arith.andi %add3A_463, %and3A_471 : vector<16xi32>
        %add3A_473 = arith.addi %shift_left3A_469, %and3A_472 : vector<16xi32>
        tpu.vector_store_idx %arg11[%add3A_473], %get3A_311 : memref<32256xf32, #tpu.memory_space<vmem>>[vector<16xi32>], vector<16xf32>,
        %add3A_474 = arith.constant 128 : i32
        %add3A_475 = vector.broadcast %add3A_474 : i32 to vector<16xi32>
        %add3A_476 = arith.addi %add3A_473, %add3A_475 : vector<16xi32>
        tpu.vector_store_idx %arg11[%add3A_476], %get3A_316 : memref<32256xf32, #tpu.memory_space<vmem>>[vector<16xi32>], vector<16xf32>,
        %add3A_477 = arith.constant 256 : i32
        %add3A_478 = vector.broadcast %add3A_477 : i32 to vector<16xi32>
        %add3A_479 = arith.addi %add3A_473, %add3A_478 : vector<16xi32>
        tpu.vector_store_idx %arg11[%add3A_479], %get3A_321 : memref<32256xf32, #tpu.memory_space<vmem>>[vector<16xi32>], vector<16xf32>,
      }
      %scan3A_165 = arith.constant 63 : i32
      %lt3A_166 = arith.constant 390 : i32
      %lt3A_167 = arith.cmpi slt, %add3A_132, %lt3A_166 : i32
      %convert_element_type3A_168 = arith.extui %lt3A_167 : i1 to i32
      %cond3A_169 = arith.constant 0 : i32
      %cond3A_170 = arith.cmpi ne, %convert_element_type3A_168, %cond3A_169 : i32
      scf.if %cond3A_170 {
        %mul3A_176 = arith.constant 8064 : i32
        %mul3A_177 = arith.muli %add3A_132, %mul3A_176 : i32
        %mul3A_178 = arith.constant 63 : i32
        %mul3A_179 = arith.muli %add3A_132, %mul3A_178 : i32
        %mul3A_180 = arith.constant 512 : i32
        %mul3A_181 = arith.muli %mul3A_179, %mul3A_180 : i32
        %dma_start3A_182 = arith.constant 0 : i32
        %dma_start3A_183 = tpu.memref_slice %arg10[%dma_start3A_182] : memref<8064xi32, #tpu.memory_space<vmem>> -> memref<8064xi32, #tpu.memory_space<vmem>>
        %dma_start3A_184 = tpu.memref_slice %arg4[%mul3A_177] : memref<3150000xi32, #tpu.memory_space<hbm>> -> memref<8064xi32, #tpu.memory_space<hbm>>
        %dma_start3A_185 = tpu.memref_slice %arg4[%mul3A_177] : memref<3150000xi32, #tpu.memory_space<hbm>> -> memref<8064xi32, #tpu.memory_space<hbm>>
        %dma_start3A_186 = arith.constant 0 : i32
        %dma_start3A_187 = tpu.memref_slice %arg10[%dma_start3A_186] : memref<8064xi32, #tpu.memory_space<vmem>> -> memref<8064xi32, #tpu.memory_space<vmem>>
        tpu.enqueue_dma source(%dma_start3A_187 : memref<8064xi32, #tpu.memory_space<vmem>>) target(%dma_start3A_185 : memref<8064xi32, #tpu.memory_space<hbm>>) target_semaphore(%arg14 : memref<!tpu.dma_semaphore, #tpu.memory_space<semaphore_mem>>)
        %dma_start3A_188 = arith.constant 0 : i32
        %dma_start3A_189 = tpu.memref_slice %arg11[%dma_start3A_188] : memref<32256xf32, #tpu.memory_space<vmem>> -> memref<32256xf32, #tpu.memory_space<vmem>>
        %dma_start3A_190 = tpu.memref_slice %arg5[%mul3A_181] : memref<12600320xf32, #tpu.memory_space<hbm>> -> memref<32256xf32, #tpu.memory_space<hbm>>
        %dma_start3A_191 = tpu.memref_slice %arg5[%mul3A_181] : memref<12600320xf32, #tpu.memory_space<hbm>> -> memref<32256xf32, #tpu.memory_space<hbm>>
        %dma_start3A_192 = arith.constant 0 : i32
        %dma_start3A_193 = tpu.memref_slice %arg11[%dma_start3A_192] : memref<32256xf32, #tpu.memory_space<vmem>> -> memref<32256xf32, #tpu.memory_space<vmem>>
        tpu.enqueue_dma source(%dma_start3A_193 : memref<32256xf32, #tpu.memory_space<vmem>>) target(%dma_start3A_191 : memref<32256xf32, #tpu.memory_space<hbm>>) target_semaphore(%arg14 : memref<!tpu.dma_semaphore, #tpu.memory_space<semaphore_mem>>)
      } else {
      }
      %eq3A_171 = arith.constant 390 : i32
      %eq3A_172 = arith.cmpi eq, %add3A_132, %eq3A_171 : i32
      %convert_element_type3A_173 = arith.extui %eq3A_172 : i1 to i32
      %cond3A_174 = arith.constant 0 : i32
      %cond3A_175 = arith.cmpi ne, %convert_element_type3A_173, %cond3A_174 : i32
      scf.if %cond3A_175 {
        %mul3A_176 = arith.constant 8064 : i32
        %mul3A_177 = arith.muli %add3A_132, %mul3A_176 : i32
        %mul3A_178 = arith.constant 63 : i32
        %mul3A_179 = arith.muli %add3A_132, %mul3A_178 : i32
        %mul3A_180 = arith.constant 512 : i32
        %mul3A_181 = arith.muli %mul3A_179, %mul3A_180 : i32
        %dma_start3A_182 = arith.constant 0 : i32
        %dma_start3A_183 = tpu.memref_slice %arg10[%dma_start3A_182] : memref<8064xi32, #tpu.memory_space<vmem>> -> memref<5040xi32, #tpu.memory_space<vmem>>
        %dma_start3A_184 = tpu.memref_slice %arg4[%mul3A_177] : memref<3150000xi32, #tpu.memory_space<hbm>> -> memref<5040xi32, #tpu.memory_space<hbm>>
        %dma_start3A_185 = tpu.memref_slice %arg4[%mul3A_177] : memref<3150000xi32, #tpu.memory_space<hbm>> -> memref<5040xi32, #tpu.memory_space<hbm>>
        %dma_start3A_186 = arith.constant 0 : i32
        %dma_start3A_187 = tpu.memref_slice %arg10[%dma_start3A_186] : memref<8064xi32, #tpu.memory_space<vmem>> -> memref<5040xi32, #tpu.memory_space<vmem>>
        tpu.enqueue_dma source(%dma_start3A_187 : memref<5040xi32, #tpu.memory_space<vmem>>) target(%dma_start3A_185 : memref<5040xi32, #tpu.memory_space<hbm>>) target_semaphore(%arg14 : memref<!tpu.dma_semaphore, #tpu.memory_space<semaphore_mem>>)
        %dma_wait3A_188 = arith.constant 0 : i32
        %dma_wait3A_189 = tpu.memref_slice %arg10[%dma_wait3A_188] : memref<8064xi32, #tpu.memory_space<vmem>> -> memref<5040xi32, #tpu.memory_space<vmem>>
        %dma_wait3A_190 = tpu.memref_slice %arg4[%mul3A_177] : memref<3150000xi32, #tpu.memory_space<hbm>> -> memref<5040xi32, #tpu.memory_space<hbm>>
        %dma_wait3A_191 = tpu.memref_slice %arg4[%mul3A_177] : memref<3150000xi32, #tpu.memory_space<hbm>> -> memref<5040xi32, #tpu.memory_space<hbm>>
        %dma_wait3A_192 = arith.constant 0 : i32
        %dma_wait3A_193 = tpu.memref_slice %arg10[%dma_wait3A_192] : memref<8064xi32, #tpu.memory_space<vmem>> -> memref<5040xi32, #tpu.memory_space<vmem>>
        tpu.wait_dma2 semaphore(%arg14 : memref<!tpu.dma_semaphore, #tpu.memory_space<semaphore_mem>>) src(%dma_wait3A_193 : memref<5040xi32, #tpu.memory_space<vmem>>) dst(%dma_wait3A_191 : memref<5040xi32, #tpu.memory_space<hbm>>)
        %dma_start3A_194 = arith.constant 0 : i32
        %dma_start3A_195 = tpu.memref_slice %arg11[%dma_start3A_194] : memref<32256xf32, #tpu.memory_space<vmem>> -> memref<20480xf32, #tpu.memory_space<vmem>>
        %dma_start3A_196 = tpu.memref_slice %arg5[%mul3A_181] : memref<12600320xf32, #tpu.memory_space<hbm>> -> memref<20480xf32, #tpu.memory_space<hbm>>
        %dma_start3A_197 = tpu.memref_slice %arg5[%mul3A_181] : memref<12600320xf32, #tpu.memory_space<hbm>> -> memref<20480xf32, #tpu.memory_space<hbm>>
        %dma_start3A_198 = arith.constant 0 : i32
        %dma_start3A_199 = tpu.memref_slice %arg11[%dma_start3A_198] : memref<32256xf32, #tpu.memory_space<vmem>> -> memref<20480xf32, #tpu.memory_space<vmem>>
        tpu.enqueue_dma source(%dma_start3A_199 : memref<20480xf32, #tpu.memory_space<vmem>>) target(%dma_start3A_197 : memref<20480xf32, #tpu.memory_space<hbm>>) target_semaphore(%arg14 : memref<!tpu.dma_semaphore, #tpu.memory_space<semaphore_mem>>)
        %dma_wait3A_200 = arith.constant 0 : i32
        %dma_wait3A_201 = tpu.memref_slice %arg11[%dma_wait3A_200] : memref<32256xf32, #tpu.memory_space<vmem>> -> memref<20480xf32, #tpu.memory_space<vmem>>
        %dma_wait3A_202 = tpu.memref_slice %arg5[%mul3A_181] : memref<12600320xf32, #tpu.memory_space<hbm>> -> memref<20480xf32, #tpu.memory_space<hbm>>
        %dma_wait3A_203 = tpu.memref_slice %arg5[%mul3A_181] : memref<12600320xf32, #tpu.memory_space<hbm>> -> memref<20480xf32, #tpu.memory_space<hbm>>
        %dma_wait3A_204 = arith.constant 0 : i32
        %dma_wait3A_205 = tpu.memref_slice %arg11[%dma_wait3A_204] : memref<32256xf32, #tpu.memory_space<vmem>> -> memref<20480xf32, #tpu.memory_space<vmem>>
        tpu.wait_dma2 semaphore(%arg14 : memref<!tpu.dma_semaphore, #tpu.memory_space<semaphore_mem>>) src(%dma_wait3A_205 : memref<20480xf32, #tpu.memory_space<vmem>>) dst(%dma_wait3A_203 : memref<20480xf32, #tpu.memory_space<hbm>>)
      } else {
      }
    }
    %while3A_71 = arith.constant 1 : i32
    scf.for %while3A_81 = %while3A_69 to %while3A_65 step %while3A_71  : i32 {
      %mul3A_82 = arith.constant 2 : i32
      %mul3A_83 = arith.muli %mul3A_82, %while3A_81 : i32
      %mul3A_84 = arith.constant 32 : i32
      %mul3A_85 = arith.muli %mul3A_83, %mul3A_84 : i32
      %add3A_86 = arith.addi %add3A, %mul3A_85 : i32
      %mul3A_87 = arith.constant 128 : i32
      %mul3A_88 = arith.muli %add3A_86, %mul3A_87 : i32
      %add3A_89 = arith.constant 1 : i32
      %add3A_90 = arith.addi %mul3A_83, %add3A_89 : i32
      %lt3A = arith.cmpi slt, %add3A_90, %select_n3A : i32
      %convert_element_type3A_91 = arith.extui %lt3A : i1 to i32
      %cond3A_92 = arith.constant 0 : i32
      %cond3A_93 = arith.cmpi ne, %convert_element_type3A_91, %cond3A_92 : i32
      scf.if %cond3A_93 {
        %add3A_176 = arith.constant 32 : i32
        %add3A_177 = arith.addi %add3A_86, %add3A_176 : i32
        %mul3A_178 = arith.constant 128 : i32
        %mul3A_179 = arith.muli %add3A_177, %mul3A_178 : i32
        %dma_start3A_180 = arith.constant 0 : i32
        %dma_start3A_181 = tpu.memref_slice %arg2[%dma_start3A_180, %mul3A_179] : memref<64x50000xi32, #tpu.memory_space<hbm>> -> memref<64x128xi32, #tpu.memory_space<hbm>>
        %dma_start3A_182 = arith.constant 0 : i32
        %dma_start3A_183 = tpu.memref_slice %arg2[%dma_start3A_182, %mul3A_179] : memref<64x50000xi32, #tpu.memory_space<hbm>> -> memref<64x128xi32, #tpu.memory_space<hbm>>
        tpu.enqueue_dma source(%dma_start3A_183 : memref<64x128xi32, #tpu.memory_space<hbm>>) target(%arg7 : memref<64x128xi32, #tpu.memory_space<vmem>>) target_semaphore(%arg13 : memref<!tpu.dma_semaphore, #tpu.memory_space<semaphore_mem>>)
        %mul3A_184 = arith.constant 128 : i32
        %mul3A_185 = arith.muli %add3A_177, %mul3A_184 : i32
        %dma_start3A_186 = arith.constant 0 : i32
        %dma_start3A_187 = arith.constant 0 : i32
        %dma_start3A_188 = tpu.memref_slice %arg3[%dma_start3A_186, %dma_start3A_187, %mul3A_185] : memref<3x64x50000xf32, #tpu.memory_space<hbm>> -> memref<3x64x128xf32, #tpu.memory_space<hbm>>
        %dma_start3A_189 = arith.constant 0 : i32
        %dma_start3A_190 = arith.constant 0 : i32
        %dma_start3A_191 = tpu.memref_slice %arg3[%dma_start3A_189, %dma_start3A_190, %mul3A_185] : memref<3x64x50000xf32, #tpu.memory_space<hbm>> -> memref<3x64x128xf32, #tpu.memory_space<hbm>>
        tpu.enqueue_dma source(%dma_start3A_191 : memref<3x64x128xf32, #tpu.memory_space<hbm>>) target(%arg9 : memref<3x64x128xf32, #tpu.memory_space<vmem>>) target_semaphore(%arg13 : memref<!tpu.dma_semaphore, #tpu.memory_space<semaphore_mem>>)
      } else {
      }
      %gt3A = arith.constant 0 : i32
      %gt3A_94 = arith.cmpi sgt, %mul3A_83, %gt3A : i32
      %convert_element_type3A_95 = arith.extui %gt3A_94 : i1 to i32
      %cond3A_96 = arith.constant 0 : i32
      %cond3A_97 = arith.cmpi ne, %convert_element_type3A_95, %cond3A_96 : i32
      scf.if %cond3A_97 {
        %mul3A_176 = arith.constant 8064 : i32
        %mul3A_177 = arith.muli %add3A_86, %mul3A_176 : i32
        %mul3A_178 = arith.constant 63 : i32
        %mul3A_179 = arith.muli %add3A_86, %mul3A_178 : i32
        %mul3A_180 = arith.constant 512 : i32
        %mul3A_181 = arith.muli %mul3A_179, %mul3A_180 : i32
        %dma_wait3A_182 = arith.constant 0 : i32
        %dma_wait3A_183 = tpu.memref_slice %arg10[%dma_wait3A_182] : memref<8064xi32, #tpu.memory_space<vmem>> -> memref<8064xi32, #tpu.memory_space<vmem>>
        %dma_wait3A_184 = tpu.memref_slice %arg4[%mul3A_177] : memref<3150000xi32, #tpu.memory_space<hbm>> -> memref<8064xi32, #tpu.memory_space<hbm>>
        %dma_wait3A_185 = tpu.memref_slice %arg4[%mul3A_177] : memref<3150000xi32, #tpu.memory_space<hbm>> -> memref<8064xi32, #tpu.memory_space<hbm>>
        %dma_wait3A_186 = arith.constant 0 : i32
        %dma_wait3A_187 = tpu.memref_slice %arg10[%dma_wait3A_186] : memref<8064xi32, #tpu.memory_space<vmem>> -> memref<8064xi32, #tpu.memory_space<vmem>>
        tpu.wait_dma2 semaphore(%arg14 : memref<!tpu.dma_semaphore, #tpu.memory_space<semaphore_mem>>) src(%dma_wait3A_187 : memref<8064xi32, #tpu.memory_space<vmem>>) dst(%dma_wait3A_185 : memref<8064xi32, #tpu.memory_space<hbm>>)
        %dma_wait3A_188 = arith.constant 0 : i32
        %dma_wait3A_189 = tpu.memref_slice %arg11[%dma_wait3A_188] : memref<32256xf32, #tpu.memory_space<vmem>> -> memref<32256xf32, #tpu.memory_space<vmem>>
        %dma_wait3A_190 = tpu.memref_slice %arg5[%mul3A_181] : memref<12600320xf32, #tpu.memory_space<hbm>> -> memref<32256xf32, #tpu.memory_space<hbm>>
        %dma_wait3A_191 = tpu.memref_slice %arg5[%mul3A_181] : memref<12600320xf32, #tpu.memory_space<hbm>> -> memref<32256xf32, #tpu.memory_space<hbm>>
        %dma_wait3A_192 = arith.constant 0 : i32
        %dma_wait3A_193 = tpu.memref_slice %arg11[%dma_wait3A_192] : memref<32256xf32, #tpu.memory_space<vmem>> -> memref<32256xf32, #tpu.memory_space<vmem>>
        tpu.wait_dma2 semaphore(%arg14 : memref<!tpu.dma_semaphore, #tpu.memory_space<semaphore_mem>>) src(%dma_wait3A_193 : memref<32256xf32, #tpu.memory_space<vmem>>) dst(%dma_wait3A_191 : memref<32256xf32, #tpu.memory_space<hbm>>)
      } else {
      }
      %mul3A_98 = arith.constant 128 : i32
      %mul3A_99 = arith.muli %add3A_86, %mul3A_98 : i32
      %dma_wait3A = arith.constant 0 : i32
      %dma_wait3A_100 = tpu.memref_slice %arg2[%dma_wait3A, %mul3A_99] : memref<64x50000xi32, #tpu.memory_space<hbm>> -> memref<64x128xi32, #tpu.memory_space<hbm>>
      %dma_wait3A_101 = arith.constant 0 : i32
      %dma_wait3A_102 = tpu.memref_slice %arg2[%dma_wait3A_101, %mul3A_99] : memref<64x50000xi32, #tpu.memory_space<hbm>> -> memref<64x128xi32, #tpu.memory_space<hbm>>
      tpu.wait_dma2 semaphore(%arg12 : memref<!tpu.dma_semaphore, #tpu.memory_space<semaphore_mem>>) src(%dma_wait3A_102 : memref<64x128xi32, #tpu.memory_space<hbm>>) dst(%arg6 : memref<64x128xi32, #tpu.memory_space<vmem>>)
      %mul3A_103 = arith.constant 128 : i32
      %mul3A_104 = arith.muli %add3A_86, %mul3A_103 : i32
      %dma_wait3A_105 = arith.constant 0 : i32
      %dma_wait3A_106 = arith.constant 0 : i32
      %dma_wait3A_107 = tpu.memref_slice %arg3[%dma_wait3A_105, %dma_wait3A_106, %mul3A_104] : memref<3x64x50000xf32, #tpu.memory_space<hbm>> -> memref<3x64x128xf32, #tpu.memory_space<hbm>>
      %dma_wait3A_108 = arith.constant 0 : i32
      %dma_wait3A_109 = arith.constant 0 : i32
      %dma_wait3A_110 = tpu.memref_slice %arg3[%dma_wait3A_108, %dma_wait3A_109, %mul3A_104] : memref<3x64x50000xf32, #tpu.memory_space<hbm>> -> memref<3x64x128xf32, #tpu.memory_space<hbm>>
      tpu.wait_dma2 semaphore(%arg12 : memref<!tpu.dma_semaphore, #tpu.memory_space<semaphore_mem>>) src(%dma_wait3A_110 : memref<3x64x128xf32, #tpu.memory_space<hbm>>) dst(%arg8 : memref<3x64x128xf32, #tpu.memory_space<vmem>>)
      %scan3A = arith.constant 0 : i32
      %scan3A_111 = arith.constant 0 : i32
      %scan3A_112 = arith.constant 63 : i32
      %scan3A_113 = arith.addi %scan3A_111, %scan3A_112 : i32
      %scan3A_114 = arith.constant 1 : i32
      scf.for %scan3A_176 = %scan3A_111 to %scan3A_113 step %scan3A_114  : i32 {
        %add3A_177 = arith.constant 1 : i32
        %add3A_178 = arith.addi %scan3A_176, %add3A_177 : i32
        %get3A = arith.index_cast %add3A_178 : i32 to index
        %get3A_179 = arith.constant 0 : index
        %get3A_180 = tpu.vector_load %arg6[%get3A, %get3A_179] {strides = array<i32>} : memref<64x128xi32, #tpu.memory_space<vmem>>, vector<16xi32>,
        %get3A_181 = arith.constant 0 : i32
        %get3A_182 = arith.index_cast %get3A_181 : i32 to index
        %get3A_183 = arith.index_cast %add3A_178 : i32 to index
        %get3A_184 = arith.constant 0 : index
        %get3A_185 = tpu.vector_load %arg8[%get3A_182, %get3A_183, %get3A_184] {strides = array<i32>} : memref<3x64x128xf32, #tpu.memory_space<vmem>>, vector<16xf32>,
        %get3A_186 = arith.constant 1 : i32
        %get3A_187 = arith.index_cast %get3A_186 : i32 to index
        %get3A_188 = arith.index_cast %add3A_178 : i32 to index
        %get3A_189 = arith.constant 0 : index
        %get3A_190 = tpu.vector_load %arg8[%get3A_187, %get3A_188, %get3A_189] {strides = array<i32>} : memref<3x64x128xf32, #tpu.memory_space<vmem>>, vector<16xf32>,
        %get3A_191 = arith.constant 2 : i32
        %get3A_192 = arith.index_cast %get3A_191 : i32 to index
        %get3A_193 = arith.index_cast %add3A_178 : i32 to index
        %get3A_194 = arith.constant 0 : index
        %get3A_195 = tpu.vector_load %arg8[%get3A_192, %get3A_193, %get3A_194] {strides = array<i32>} : memref<3x64x128xf32, #tpu.memory_space<vmem>>, vector<16xf32>,
        %get3A_196 = arith.index_cast %add3A_178 : i32 to index
        %get3A_197 = arith.constant 16 : index
        %get3A_198 = tpu.vector_load %arg6[%get3A_196, %get3A_197] {strides = array<i32>} : memref<64x128xi32, #tpu.memory_space<vmem>>, vector<16xi32>,
        %get3A_199 = arith.constant 0 : i32
        %get3A_200 = arith.index_cast %get3A_199 : i32 to index
        %get3A_201 = arith.index_cast %add3A_178 : i32 to index
        %get3A_202 = arith.constant 16 : index
        %get3A_203 = tpu.vector_load %arg8[%get3A_200, %get3A_201, %get3A_202] {strides = array<i32>} : memref<3x64x128xf32, #tpu.memory_space<vmem>>, vector<16xf32>,
        %get3A_204 = arith.constant 1 : i32
        %get3A_205 = arith.index_cast %get3A_204 : i32 to index
        %get3A_206 = arith.index_cast %add3A_178 : i32 to index
        %get3A_207 = arith.constant 16 : index
        %get3A_208 = tpu.vector_load %arg8[%get3A_205, %get3A_206, %get3A_207] {strides = array<i32>} : memref<3x64x128xf32, #tpu.memory_space<vmem>>, vector<16xf32>,
        %get3A_209 = arith.constant 2 : i32
        %get3A_210 = arith.index_cast %get3A_209 : i32 to index
        %get3A_211 = arith.index_cast %add3A_178 : i32 to index
        %get3A_212 = arith.constant 16 : index
        %get3A_213 = tpu.vector_load %arg8[%get3A_210, %get3A_211, %get3A_212] {strides = array<i32>} : memref<3x64x128xf32, #tpu.memory_space<vmem>>, vector<16xf32>,
        %get3A_214 = arith.index_cast %add3A_178 : i32 to index
        %get3A_215 = arith.constant 32 : index
        %get3A_216 = tpu.vector_load %arg6[%get3A_214, %get3A_215] {strides = array<i32>} : memref<64x128xi32, #tpu.memory_space<vmem>>, vector<16xi32>,
        %get3A_217 = arith.constant 0 : i32
        %get3A_218 = arith.index_cast %get3A_217 : i32 to index
        %get3A_219 = arith.index_cast %add3A_178 : i32 to index
        %get3A_220 = arith.constant 32 : index
        %get3A_221 = tpu.vector_load %arg8[%get3A_218, %get3A_219, %get3A_220] {strides = array<i32>} : memref<3x64x128xf32, #tpu.memory_space<vmem>>, vector<16xf32>,
        %get3A_222 = arith.constant 1 : i32
        %get3A_223 = arith.index_cast %get3A_222 : i32 to index
        %get3A_224 = arith.index_cast %add3A_178 : i32 to index
        %get3A_225 = arith.constant 32 : index
        %get3A_226 = tpu.vector_load %arg8[%get3A_223, %get3A_224, %get3A_225] {strides = array<i32>} : memref<3x64x128xf32, #tpu.memory_space<vmem>>, vector<16xf32>,
        %get3A_227 = arith.constant 2 : i32
        %get3A_228 = arith.index_cast %get3A_227 : i32 to index
        %get3A_229 = arith.index_cast %add3A_178 : i32 to index
        %get3A_230 = arith.constant 32 : index
        %get3A_231 = tpu.vector_load %arg8[%get3A_228, %get3A_229, %get3A_230] {strides = array<i32>} : memref<3x64x128xf32, #tpu.memory_space<vmem>>, vector<16xf32>,
        %get3A_232 = arith.index_cast %add3A_178 : i32 to index
        %get3A_233 = arith.constant 48 : index
        %get3A_234 = tpu.vector_load %arg6[%get3A_232, %get3A_233] {strides = array<i32>} : memref<64x128xi32, #tpu.memory_space<vmem>>, vector<16xi32>,
        %get3A_235 = arith.constant 0 : i32
        %get3A_236 = arith.index_cast %get3A_235 : i32 to index
        %get3A_237 = arith.index_cast %add3A_178 : i32 to index
        %get3A_238 = arith.constant 48 : index
        %get3A_239 = tpu.vector_load %arg8[%get3A_236, %get3A_237, %get3A_238] {strides = array<i32>} : memref<3x64x128xf32, #tpu.memory_space<vmem>>, vector<16xf32>,
        %get3A_240 = arith.constant 1 : i32
        %get3A_241 = arith.index_cast %get3A_240 : i32 to index
        %get3A_242 = arith.index_cast %add3A_178 : i32 to index
        %get3A_243 = arith.constant 48 : index
        %get3A_244 = tpu.vector_load %arg8[%get3A_241, %get3A_242, %get3A_243] {strides = array<i32>} : memref<3x64x128xf32, #tpu.memory_space<vmem>>, vector<16xf32>,
        %get3A_245 = arith.constant 2 : i32
        %get3A_246 = arith.index_cast %get3A_245 : i32 to index
        %get3A_247 = arith.index_cast %add3A_178 : i32 to index
        %get3A_248 = arith.constant 48 : index
        %get3A_249 = tpu.vector_load %arg8[%get3A_246, %get3A_247, %get3A_248] {strides = array<i32>} : memref<3x64x128xf32, #tpu.memory_space<vmem>>, vector<16xf32>,
        %get3A_250 = arith.index_cast %add3A_178 : i32 to index
        %get3A_251 = arith.constant 64 : index
        %get3A_252 = tpu.vector_load %arg6[%get3A_250, %get3A_251] {strides = array<i32>} : memref<64x128xi32, #tpu.memory_space<vmem>>, vector<16xi32>,
        %get3A_253 = arith.constant 0 : i32
        %get3A_254 = arith.index_cast %get3A_253 : i32 to index
        %get3A_255 = arith.index_cast %add3A_178 : i32 to index
        %get3A_256 = arith.constant 64 : index
        %get3A_257 = tpu.vector_load %arg8[%get3A_254, %get3A_255, %get3A_256] {strides = array<i32>} : memref<3x64x128xf32, #tpu.memory_space<vmem>>, vector<16xf32>,
        %get3A_258 = arith.constant 1 : i32
        %get3A_259 = arith.index_cast %get3A_258 : i32 to index
        %get3A_260 = arith.index_cast %add3A_178 : i32 to index
        %get3A_261 = arith.constant 64 : index
        %get3A_262 = tpu.vector_load %arg8[%get3A_259, %get3A_260, %get3A_261] {strides = array<i32>} : memref<3x64x128xf32, #tpu.memory_space<vmem>>, vector<16xf32>,
        %get3A_263 = arith.constant 2 : i32
        %get3A_264 = arith.index_cast %get3A_263 : i32 to index
        %get3A_265 = arith.index_cast %add3A_178 : i32 to index
        %get3A_266 = arith.constant 64 : index
        %get3A_267 = tpu.vector_load %arg8[%get3A_264, %get3A_265, %get3A_266] {strides = array<i32>} : memref<3x64x128xf32, #tpu.memory_space<vmem>>, vector<16xf32>,
        %get3A_268 = arith.index_cast %add3A_178 : i32 to index
        %get3A_269 = arith.constant 80 : index
        %get3A_270 = tpu.vector_load %arg6[%get3A_268, %get3A_269] {strides = array<i32>} : memref<64x128xi32, #tpu.memory_space<vmem>>, vector<16xi32>,
        %get3A_271 = arith.constant 0 : i32
        %get3A_272 = arith.index_cast %get3A_271 : i32 to index
        %get3A_273 = arith.index_cast %add3A_178 : i32 to index
        %get3A_274 = arith.constant 80 : index
        %get3A_275 = tpu.vector_load %arg8[%get3A_272, %get3A_273, %get3A_274] {strides = array<i32>} : memref<3x64x128xf32, #tpu.memory_space<vmem>>, vector<16xf32>,
        %get3A_276 = arith.constant 1 : i32
        %get3A_277 = arith.index_cast %get3A_276 : i32 to index
        %get3A_278 = arith.index_cast %add3A_178 : i32 to index
        %get3A_279 = arith.constant 80 : index
        %get3A_280 = tpu.vector_load %arg8[%get3A_277, %get3A_278, %get3A_279] {strides = array<i32>} : memref<3x64x128xf32, #tpu.memory_space<vmem>>, vector<16xf32>,
        %get3A_281 = arith.constant 2 : i32
        %get3A_282 = arith.index_cast %get3A_281 : i32 to index
        %get3A_283 = arith.index_cast %add3A_178 : i32 to index
        %get3A_284 = arith.constant 80 : index
        %get3A_285 = tpu.vector_load %arg8[%get3A_282, %get3A_283, %get3A_284] {strides = array<i32>} : memref<3x64x128xf32, #tpu.memory_space<vmem>>, vector<16xf32>,
        %get3A_286 = arith.index_cast %add3A_178 : i32 to index
        %get3A_287 = arith.constant 96 : index
        %get3A_288 = tpu.vector_load %arg6[%get3A_286, %get3A_287] {strides = array<i32>} : memref<64x128xi32, #tpu.memory_space<vmem>>, vector<16xi32>,
        %get3A_289 = arith.constant 0 : i32
        %get3A_290 = arith.index_cast %get3A_289 : i32 to index
        %get3A_291 = arith.index_cast %add3A_178 : i32 to index
        %get3A_292 = arith.constant 96 : index
        %get3A_293 = tpu.vector_load %arg8[%get3A_290, %get3A_291, %get3A_292] {strides = array<i32>} : memref<3x64x128xf32, #tpu.memory_space<vmem>>, vector<16xf32>,
        %get3A_294 = arith.constant 1 : i32
        %get3A_295 = arith.index_cast %get3A_294 : i32 to index
        %get3A_296 = arith.index_cast %add3A_178 : i32 to index
        %get3A_297 = arith.constant 96 : index
        %get3A_298 = tpu.vector_load %arg8[%get3A_295, %get3A_296, %get3A_297] {strides = array<i32>} : memref<3x64x128xf32, #tpu.memory_space<vmem>>, vector<16xf32>,
        %get3A_299 = arith.constant 2 : i32
        %get3A_300 = arith.index_cast %get3A_299 : i32 to index
        %get3A_301 = arith.index_cast %add3A_178 : i32 to index
        %get3A_302 = arith.constant 96 : index
        %get3A_303 = tpu.vector_load %arg8[%get3A_300, %get3A_301, %get3A_302] {strides = array<i32>} : memref<3x64x128xf32, #tpu.memory_space<vmem>>, vector<16xf32>,
        %get3A_304 = arith.index_cast %add3A_178 : i32 to index
        %get3A_305 = arith.constant 112 : index
        %get3A_306 = tpu.vector_load %arg6[%get3A_304, %get3A_305] {strides = array<i32>} : memref<64x128xi32, #tpu.memory_space<vmem>>, vector<16xi32>,
        %get3A_307 = arith.constant 0 : i32
        %get3A_308 = arith.index_cast %get3A_307 : i32 to index
        %get3A_309 = arith.index_cast %add3A_178 : i32 to index
        %get3A_310 = arith.constant 112 : index
        %get3A_311 = tpu.vector_load %arg8[%get3A_308, %get3A_309, %get3A_310] {strides = array<i32>} : memref<3x64x128xf32, #tpu.memory_space<vmem>>, vector<16xf32>,
        %get3A_312 = arith.constant 1 : i32
        %get3A_313 = arith.index_cast %get3A_312 : i32 to index
        %get3A_314 = arith.index_cast %add3A_178 : i32 to index
        %get3A_315 = arith.constant 112 : index
        %get3A_316 = tpu.vector_load %arg8[%get3A_313, %get3A_314, %get3A_315] {strides = array<i32>} : memref<3x64x128xf32, #tpu.memory_space<vmem>>, vector<16xf32>,
        %get3A_317 = arith.constant 2 : i32
        %get3A_318 = arith.index_cast %get3A_317 : i32 to index
        %get3A_319 = arith.index_cast %add3A_178 : i32 to index
        %get3A_320 = arith.constant 112 : index
        %get3A_321 = tpu.vector_load %arg8[%get3A_318, %get3A_319, %get3A_320] {strides = array<i32>} : memref<3x64x128xf32, #tpu.memory_space<vmem>>, vector<16xf32>,
        %add3A_322 = arith.constant 0 : i32
        %add3A_323 = arith.addi %add3A_322, %scan3A_176 : i32
        %add3A_324 = vector.broadcast %add3A_323 : i32 to vector<16xi32>
        %add3A_325 = arith.addi %mul3A_3, %add3A_324 : vector<16xi32>
        tpu.vector_store_idx %arg10[%add3A_325], %get3A_180 : memref<8064xi32, #tpu.memory_space<vmem>>[vector<16xi32>], vector<16xi32>,
        %shift_right_arithmetic3A = arith.constant 7 : i32
        %shift_right_arithmetic3A_326 = vector.broadcast %shift_right_arithmetic3A : i32 to vector<16xi32>
        %shift_right_arithmetic3A_327 = arith.shrsi %add3A_325, %shift_right_arithmetic3A_326 : vector<16xi32>
        %shift_left3A = arith.constant 9 : i32
        %shift_left3A_328 = vector.broadcast %shift_left3A : i32 to vector<16xi32>
        %shift_left3A_329 = arith.shli %shift_right_arithmetic3A_327, %shift_left3A_328 : vector<16xi32>
        %and3A_330 = arith.constant 127 : i32
        %and3A_331 = vector.broadcast %and3A_330 : i32 to vector<16xi32>
        %and3A_332 = arith.andi %add3A_325, %and3A_331 : vector<16xi32>
        %add3A_333 = arith.addi %shift_left3A_329, %and3A_332 : vector<16xi32>
        tpu.vector_store_idx %arg11[%add3A_333], %get3A_185 : memref<32256xf32, #tpu.memory_space<vmem>>[vector<16xi32>], vector<16xf32>,
        %add3A_334 = arith.constant 128 : i32
        %add3A_335 = vector.broadcast %add3A_334 : i32 to vector<16xi32>
        %add3A_336 = arith.addi %add3A_333, %add3A_335 : vector<16xi32>
        tpu.vector_store_idx %arg11[%add3A_336], %get3A_190 : memref<32256xf32, #tpu.memory_space<vmem>>[vector<16xi32>], vector<16xf32>,
        %add3A_337 = arith.constant 256 : i32
        %add3A_338 = vector.broadcast %add3A_337 : i32 to vector<16xi32>
        %add3A_339 = arith.addi %add3A_333, %add3A_338 : vector<16xi32>
        tpu.vector_store_idx %arg11[%add3A_339], %get3A_195 : memref<32256xf32, #tpu.memory_space<vmem>>[vector<16xi32>], vector<16xf32>,
        %add3A_340 = arith.constant 1008 : i32
        %add3A_341 = arith.addi %add3A_340, %scan3A_176 : i32
        %add3A_342 = vector.broadcast %add3A_341 : i32 to vector<16xi32>
        %add3A_343 = arith.addi %mul3A_3, %add3A_342 : vector<16xi32>
        tpu.vector_store_idx %arg10[%add3A_343], %get3A_198 : memref<8064xi32, #tpu.memory_space<vmem>>[vector<16xi32>], vector<16xi32>,
        %shift_right_arithmetic3A_344 = arith.constant 7 : i32
        %shift_right_arithmetic3A_345 = vector.broadcast %shift_right_arithmetic3A_344 : i32 to vector<16xi32>
        %shift_right_arithmetic3A_346 = arith.shrsi %add3A_343, %shift_right_arithmetic3A_345 : vector<16xi32>
        %shift_left3A_347 = arith.constant 9 : i32
        %shift_left3A_348 = vector.broadcast %shift_left3A_347 : i32 to vector<16xi32>
        %shift_left3A_349 = arith.shli %shift_right_arithmetic3A_346, %shift_left3A_348 : vector<16xi32>
        %and3A_350 = arith.constant 127 : i32
        %and3A_351 = vector.broadcast %and3A_350 : i32 to vector<16xi32>
        %and3A_352 = arith.andi %add3A_343, %and3A_351 : vector<16xi32>
        %add3A_353 = arith.addi %shift_left3A_349, %and3A_352 : vector<16xi32>
        tpu.vector_store_idx %arg11[%add3A_353], %get3A_203 : memref<32256xf32, #tpu.memory_space<vmem>>[vector<16xi32>], vector<16xf32>,
        %add3A_354 = arith.constant 128 : i32
        %add3A_355 = vector.broadcast %add3A_354 : i32 to vector<16xi32>
        %add3A_356 = arith.addi %add3A_353, %add3A_355 : vector<16xi32>
        tpu.vector_store_idx %arg11[%add3A_356], %get3A_208 : memref<32256xf32, #tpu.memory_space<vmem>>[vector<16xi32>], vector<16xf32>,
        %add3A_357 = arith.constant 256 : i32
        %add3A_358 = vector.broadcast %add3A_357 : i32 to vector<16xi32>
        %add3A_359 = arith.addi %add3A_353, %add3A_358 : vector<16xi32>
        tpu.vector_store_idx %arg11[%add3A_359], %get3A_213 : memref<32256xf32, #tpu.memory_space<vmem>>[vector<16xi32>], vector<16xf32>,
        %add3A_360 = arith.constant 2016 : i32
        %add3A_361 = arith.addi %add3A_360, %scan3A_176 : i32
        %add3A_362 = vector.broadcast %add3A_361 : i32 to vector<16xi32>
        %add3A_363 = arith.addi %mul3A_3, %add3A_362 : vector<16xi32>
        tpu.vector_store_idx %arg10[%add3A_363], %get3A_216 : memref<8064xi32, #tpu.memory_space<vmem>>[vector<16xi32>], vector<16xi32>,
        %shift_right_arithmetic3A_364 = arith.constant 7 : i32
        %shift_right_arithmetic3A_365 = vector.broadcast %shift_right_arithmetic3A_364 : i32 to vector<16xi32>
        %shift_right_arithmetic3A_366 = arith.shrsi %add3A_363, %shift_right_arithmetic3A_365 : vector<16xi32>
        %shift_left3A_367 = arith.constant 9 : i32
        %shift_left3A_368 = vector.broadcast %shift_left3A_367 : i32 to vector<16xi32>
        %shift_left3A_369 = arith.shli %shift_right_arithmetic3A_366, %shift_left3A_368 : vector<16xi32>
        %and3A_370 = arith.constant 127 : i32
        %and3A_371 = vector.broadcast %and3A_370 : i32 to vector<16xi32>
        %and3A_372 = arith.andi %add3A_363, %and3A_371 : vector<16xi32>
        %add3A_373 = arith.addi %shift_left3A_369, %and3A_372 : vector<16xi32>
        tpu.vector_store_idx %arg11[%add3A_373], %get3A_221 : memref<32256xf32, #tpu.memory_space<vmem>>[vector<16xi32>], vector<16xf32>,
        %add3A_374 = arith.constant 128 : i32
        %add3A_375 = vector.broadcast %add3A_374 : i32 to vector<16xi32>
        %add3A_376 = arith.addi %add3A_373, %add3A_375 : vector<16xi32>
        tpu.vector_store_idx %arg11[%add3A_376], %get3A_226 : memref<32256xf32, #tpu.memory_space<vmem>>[vector<16xi32>], vector<16xf32>,
        %add3A_377 = arith.constant 256 : i32
        %add3A_378 = vector.broadcast %add3A_377 : i32 to vector<16xi32>
        %add3A_379 = arith.addi %add3A_373, %add3A_378 : vector<16xi32>
        tpu.vector_store_idx %arg11[%add3A_379], %get3A_231 : memref<32256xf32, #tpu.memory_space<vmem>>[vector<16xi32>], vector<16xf32>,
        %add3A_380 = arith.constant 3024 : i32
        %add3A_381 = arith.addi %add3A_380, %scan3A_176 : i32
        %add3A_382 = vector.broadcast %add3A_381 : i32 to vector<16xi32>
        %add3A_383 = arith.addi %mul3A_3, %add3A_382 : vector<16xi32>
        tpu.vector_store_idx %arg10[%add3A_383], %get3A_234 : memref<8064xi32, #tpu.memory_space<vmem>>[vector<16xi32>], vector<16xi32>,
        %shift_right_arithmetic3A_384 = arith.constant 7 : i32
        %shift_right_arithmetic3A_385 = vector.broadcast %shift_right_arithmetic3A_384 : i32 to vector<16xi32>
        %shift_right_arithmetic3A_386 = arith.shrsi %add3A_383, %shift_right_arithmetic3A_385 : vector<16xi32>
        %shift_left3A_387 = arith.constant 9 : i32
        %shift_left3A_388 = vector.broadcast %shift_left3A_387 : i32 to vector<16xi32>
        %shift_left3A_389 = arith.shli %shift_right_arithmetic3A_386, %shift_left3A_388 : vector<16xi32>
        %and3A_390 = arith.constant 127 : i32
        %and3A_391 = vector.broadcast %and3A_390 : i32 to vector<16xi32>
        %and3A_392 = arith.andi %add3A_383, %and3A_391 : vector<16xi32>
        %add3A_393 = arith.addi %shift_left3A_389, %and3A_392 : vector<16xi32>
        tpu.vector_store_idx %arg11[%add3A_393], %get3A_239 : memref<32256xf32, #tpu.memory_space<vmem>>[vector<16xi32>], vector<16xf32>,
        %add3A_394 = arith.constant 128 : i32
        %add3A_395 = vector.broadcast %add3A_394 : i32 to vector<16xi32>
        %add3A_396 = arith.addi %add3A_393, %add3A_395 : vector<16xi32>
        tpu.vector_store_idx %arg11[%add3A_396], %get3A_244 : memref<32256xf32, #tpu.memory_space<vmem>>[vector<16xi32>], vector<16xf32>,
        %add3A_397 = arith.constant 256 : i32
        %add3A_398 = vector.broadcast %add3A_397 : i32 to vector<16xi32>
        %add3A_399 = arith.addi %add3A_393, %add3A_398 : vector<16xi32>
        tpu.vector_store_idx %arg11[%add3A_399], %get3A_249 : memref<32256xf32, #tpu.memory_space<vmem>>[vector<16xi32>], vector<16xf32>,
        %add3A_400 = arith.constant 4032 : i32
        %add3A_401 = arith.addi %add3A_400, %scan3A_176 : i32
        %add3A_402 = vector.broadcast %add3A_401 : i32 to vector<16xi32>
        %add3A_403 = arith.addi %mul3A_3, %add3A_402 : vector<16xi32>
        tpu.vector_store_idx %arg10[%add3A_403], %get3A_252 : memref<8064xi32, #tpu.memory_space<vmem>>[vector<16xi32>], vector<16xi32>,
        %shift_right_arithmetic3A_404 = arith.constant 7 : i32
        %shift_right_arithmetic3A_405 = vector.broadcast %shift_right_arithmetic3A_404 : i32 to vector<16xi32>
        %shift_right_arithmetic3A_406 = arith.shrsi %add3A_403, %shift_right_arithmetic3A_405 : vector<16xi32>
        %shift_left3A_407 = arith.constant 9 : i32
        %shift_left3A_408 = vector.broadcast %shift_left3A_407 : i32 to vector<16xi32>
        %shift_left3A_409 = arith.shli %shift_right_arithmetic3A_406, %shift_left3A_408 : vector<16xi32>
        %and3A_410 = arith.constant 127 : i32
        %and3A_411 = vector.broadcast %and3A_410 : i32 to vector<16xi32>
        %and3A_412 = arith.andi %add3A_403, %and3A_411 : vector<16xi32>
        %add3A_413 = arith.addi %shift_left3A_409, %and3A_412 : vector<16xi32>
        tpu.vector_store_idx %arg11[%add3A_413], %get3A_257 : memref<32256xf32, #tpu.memory_space<vmem>>[vector<16xi32>], vector<16xf32>,
        %add3A_414 = arith.constant 128 : i32
        %add3A_415 = vector.broadcast %add3A_414 : i32 to vector<16xi32>
        %add3A_416 = arith.addi %add3A_413, %add3A_415 : vector<16xi32>
        tpu.vector_store_idx %arg11[%add3A_416], %get3A_262 : memref<32256xf32, #tpu.memory_space<vmem>>[vector<16xi32>], vector<16xf32>,
        %add3A_417 = arith.constant 256 : i32
        %add3A_418 = vector.broadcast %add3A_417 : i32 to vector<16xi32>
        %add3A_419 = arith.addi %add3A_413, %add3A_418 : vector<16xi32>
        tpu.vector_store_idx %arg11[%add3A_419], %get3A_267 : memref<32256xf32, #tpu.memory_space<vmem>>[vector<16xi32>], vector<16xf32>,
        %add3A_420 = arith.constant 5040 : i32
        %add3A_421 = arith.addi %add3A_420, %scan3A_176 : i32
        %add3A_422 = vector.broadcast %add3A_421 : i32 to vector<16xi32>
        %add3A_423 = arith.addi %mul3A_3, %add3A_422 : vector<16xi32>
        tpu.vector_store_idx %arg10[%add3A_423], %get3A_270 : memref<8064xi32, #tpu.memory_space<vmem>>[vector<16xi32>], vector<16xi32>,
        %shift_right_arithmetic3A_424 = arith.constant 7 : i32
        %shift_right_arithmetic3A_425 = vector.broadcast %shift_right_arithmetic3A_424 : i32 to vector<16xi32>
        %shift_right_arithmetic3A_426 = arith.shrsi %add3A_423, %shift_right_arithmetic3A_425 : vector<16xi32>
        %shift_left3A_427 = arith.constant 9 : i32
        %shift_left3A_428 = vector.broadcast %shift_left3A_427 : i32 to vector<16xi32>
        %shift_left3A_429 = arith.shli %shift_right_arithmetic3A_426, %shift_left3A_428 : vector<16xi32>
        %and3A_430 = arith.constant 127 : i32
        %and3A_431 = vector.broadcast %and3A_430 : i32 to vector<16xi32>
        %and3A_432 = arith.andi %add3A_423, %and3A_431 : vector<16xi32>
        %add3A_433 = arith.addi %shift_left3A_429, %and3A_432 : vector<16xi32>
        tpu.vector_store_idx %arg11[%add3A_433], %get3A_275 : memref<32256xf32, #tpu.memory_space<vmem>>[vector<16xi32>], vector<16xf32>,
        %add3A_434 = arith.constant 128 : i32
        %add3A_435 = vector.broadcast %add3A_434 : i32 to vector<16xi32>
        %add3A_436 = arith.addi %add3A_433, %add3A_435 : vector<16xi32>
        tpu.vector_store_idx %arg11[%add3A_436], %get3A_280 : memref<32256xf32, #tpu.memory_space<vmem>>[vector<16xi32>], vector<16xf32>,
        %add3A_437 = arith.constant 256 : i32
        %add3A_438 = vector.broadcast %add3A_437 : i32 to vector<16xi32>
        %add3A_439 = arith.addi %add3A_433, %add3A_438 : vector<16xi32>
        tpu.vector_store_idx %arg11[%add3A_439], %get3A_285 : memref<32256xf32, #tpu.memory_space<vmem>>[vector<16xi32>], vector<16xf32>,
        %add3A_440 = arith.constant 6048 : i32
        %add3A_441 = arith.addi %add3A_440, %scan3A_176 : i32
        %add3A_442 = vector.broadcast %add3A_441 : i32 to vector<16xi32>
        %add3A_443 = arith.addi %mul3A_3, %add3A_442 : vector<16xi32>
        tpu.vector_store_idx %arg10[%add3A_443], %get3A_288 : memref<8064xi32, #tpu.memory_space<vmem>>[vector<16xi32>], vector<16xi32>,
        %shift_right_arithmetic3A_444 = arith.constant 7 : i32
        %shift_right_arithmetic3A_445 = vector.broadcast %shift_right_arithmetic3A_444 : i32 to vector<16xi32>
        %shift_right_arithmetic3A_446 = arith.shrsi %add3A_443, %shift_right_arithmetic3A_445 : vector<16xi32>
        %shift_left3A_447 = arith.constant 9 : i32
        %shift_left3A_448 = vector.broadcast %shift_left3A_447 : i32 to vector<16xi32>
        %shift_left3A_449 = arith.shli %shift_right_arithmetic3A_446, %shift_left3A_448 : vector<16xi32>
        %and3A_450 = arith.constant 127 : i32
        %and3A_451 = vector.broadcast %and3A_450 : i32 to vector<16xi32>
        %and3A_452 = arith.andi %add3A_443, %and3A_451 : vector<16xi32>
        %add3A_453 = arith.addi %shift_left3A_449, %and3A_452 : vector<16xi32>
        tpu.vector_store_idx %arg11[%add3A_453], %get3A_293 : memref<32256xf32, #tpu.memory_space<vmem>>[vector<16xi32>], vector<16xf32>,
        %add3A_454 = arith.constant 128 : i32
        %add3A_455 = vector.broadcast %add3A_454 : i32 to vector<16xi32>
        %add3A_456 = arith.addi %add3A_453, %add3A_455 : vector<16xi32>
        tpu.vector_store_idx %arg11[%add3A_456], %get3A_298 : memref<32256xf32, #tpu.memory_space<vmem>>[vector<16xi32>], vector<16xf32>,
        %add3A_457 = arith.constant 256 : i32
        %add3A_458 = vector.broadcast %add3A_457 : i32 to vector<16xi32>
        %add3A_459 = arith.addi %add3A_453, %add3A_458 : vector<16xi32>
        tpu.vector_store_idx %arg11[%add3A_459], %get3A_303 : memref<32256xf32, #tpu.memory_space<vmem>>[vector<16xi32>], vector<16xf32>,
        %add3A_460 = arith.constant 7056 : i32
        %add3A_461 = arith.addi %add3A_460, %scan3A_176 : i32
        %add3A_462 = vector.broadcast %add3A_461 : i32 to vector<16xi32>
        %add3A_463 = arith.addi %mul3A_3, %add3A_462 : vector<16xi32>
        tpu.vector_store_idx %arg10[%add3A_463], %get3A_306 : memref<8064xi32, #tpu.memory_space<vmem>>[vector<16xi32>], vector<16xi32>,
        %shift_right_arithmetic3A_464 = arith.constant 7 : i32
        %shift_right_arithmetic3A_465 = vector.broadcast %shift_right_arithmetic3A_464 : i32 to vector<16xi32>
        %shift_right_arithmetic3A_466 = arith.shrsi %add3A_463, %shift_right_arithmetic3A_465 : vector<16xi32>
        %shift_left3A_467 = arith.constant 9 : i32
        %shift_left3A_468 = vector.broadcast %shift_left3A_467 : i32 to vector<16xi32>
        %shift_left3A_469 = arith.shli %shift_right_arithmetic3A_466, %shift_left3A_468 : vector<16xi32>
        %and3A_470 = arith.constant 127 : i32
        %and3A_471 = vector.broadcast %and3A_470 : i32 to vector<16xi32>
        %and3A_472 = arith.andi %add3A_463, %and3A_471 : vector<16xi32>
        %add3A_473 = arith.addi %shift_left3A_469, %and3A_472 : vector<16xi32>
        tpu.vector_store_idx %arg11[%add3A_473], %get3A_311 : memref<32256xf32, #tpu.memory_space<vmem>>[vector<16xi32>], vector<16xf32>,
        %add3A_474 = arith.constant 128 : i32
        %add3A_475 = vector.broadcast %add3A_474 : i32 to vector<16xi32>
        %add3A_476 = arith.addi %add3A_473, %add3A_475 : vector<16xi32>
        tpu.vector_store_idx %arg11[%add3A_476], %get3A_316 : memref<32256xf32, #tpu.memory_space<vmem>>[vector<16xi32>], vector<16xf32>,
        %add3A_477 = arith.constant 256 : i32
        %add3A_478 = vector.broadcast %add3A_477 : i32 to vector<16xi32>
        %add3A_479 = arith.addi %add3A_473, %add3A_478 : vector<16xi32>
        tpu.vector_store_idx %arg11[%add3A_479], %get3A_321 : memref<32256xf32, #tpu.memory_space<vmem>>[vector<16xi32>], vector<16xf32>,
      }
      %scan3A_115 = arith.constant 63 : i32
      %lt3A_116 = arith.constant 390 : i32
      %lt3A_117 = arith.cmpi slt, %add3A_86, %lt3A_116 : i32
      %convert_element_type3A_118 = arith.extui %lt3A_117 : i1 to i32
      %cond3A_119 = arith.constant 0 : i32
      %cond3A_120 = arith.cmpi ne, %convert_element_type3A_118, %cond3A_119 : i32
      scf.if %cond3A_120 {
        %mul3A_176 = arith.constant 8064 : i32
        %mul3A_177 = arith.muli %add3A_86, %mul3A_176 : i32
        %mul3A_178 = arith.constant 63 : i32
        %mul3A_179 = arith.muli %add3A_86, %mul3A_178 : i32
        %mul3A_180 = arith.constant 512 : i32
        %mul3A_181 = arith.muli %mul3A_179, %mul3A_180 : i32
        %dma_start3A_182 = arith.constant 0 : i32
        %dma_start3A_183 = tpu.memref_slice %arg10[%dma_start3A_182] : memref<8064xi32, #tpu.memory_space<vmem>> -> memref<8064xi32, #tpu.memory_space<vmem>>
        %dma_start3A_184 = tpu.memref_slice %arg4[%mul3A_177] : memref<3150000xi32, #tpu.memory_space<hbm>> -> memref<8064xi32, #tpu.memory_space<hbm>>
        %dma_start3A_185 = tpu.memref_slice %arg4[%mul3A_177] : memref<3150000xi32, #tpu.memory_space<hbm>> -> memref<8064xi32, #tpu.memory_space<hbm>>
        %dma_start3A_186 = arith.constant 0 : i32
        %dma_start3A_187 = tpu.memref_slice %arg10[%dma_start3A_186] : memref<8064xi32, #tpu.memory_space<vmem>> -> memref<8064xi32, #tpu.memory_space<vmem>>
        tpu.enqueue_dma source(%dma_start3A_187 : memref<8064xi32, #tpu.memory_space<vmem>>) target(%dma_start3A_185 : memref<8064xi32, #tpu.memory_space<hbm>>) target_semaphore(%arg14 : memref<!tpu.dma_semaphore, #tpu.memory_space<semaphore_mem>>)
        %dma_start3A_188 = arith.constant 0 : i32
        %dma_start3A_189 = tpu.memref_slice %arg11[%dma_start3A_188] : memref<32256xf32, #tpu.memory_space<vmem>> -> memref<32256xf32, #tpu.memory_space<vmem>>
        %dma_start3A_190 = tpu.memref_slice %arg5[%mul3A_181] : memref<12600320xf32, #tpu.memory_space<hbm>> -> memref<32256xf32, #tpu.memory_space<hbm>>
        %dma_start3A_191 = tpu.memref_slice %arg5[%mul3A_181] : memref<12600320xf32, #tpu.memory_space<hbm>> -> memref<32256xf32, #tpu.memory_space<hbm>>
        %dma_start3A_192 = arith.constant 0 : i32
        %dma_start3A_193 = tpu.memref_slice %arg11[%dma_start3A_192] : memref<32256xf32, #tpu.memory_space<vmem>> -> memref<32256xf32, #tpu.memory_space<vmem>>
        tpu.enqueue_dma source(%dma_start3A_193 : memref<32256xf32, #tpu.memory_space<vmem>>) target(%dma_start3A_191 : memref<32256xf32, #tpu.memory_space<hbm>>) target_semaphore(%arg14 : memref<!tpu.dma_semaphore, #tpu.memory_space<semaphore_mem>>)
      } else {
      }
      %eq3A_121 = arith.constant 390 : i32
      %eq3A_122 = arith.cmpi eq, %add3A_86, %eq3A_121 : i32
      %convert_element_type3A_123 = arith.extui %eq3A_122 : i1 to i32
      %cond3A_124 = arith.constant 0 : i32
      %cond3A_125 = arith.cmpi ne, %convert_element_type3A_123, %cond3A_124 : i32
      scf.if %cond3A_125 {
        %mul3A_176 = arith.constant 8064 : i32
        %mul3A_177 = arith.muli %add3A_86, %mul3A_176 : i32
        %mul3A_178 = arith.constant 63 : i32
        %mul3A_179 = arith.muli %add3A_86, %mul3A_178 : i32
        %mul3A_180 = arith.constant 512 : i32
        %mul3A_181 = arith.muli %mul3A_179, %mul3A_180 : i32
        %dma_start3A_182 = arith.constant 0 : i32
        %dma_start3A_183 = tpu.memref_slice %arg10[%dma_start3A_182] : memref<8064xi32, #tpu.memory_space<vmem>> -> memref<5040xi32, #tpu.memory_space<vmem>>
        %dma_start3A_184 = tpu.memref_slice %arg4[%mul3A_177] : memref<3150000xi32, #tpu.memory_space<hbm>> -> memref<5040xi32, #tpu.memory_space<hbm>>
        %dma_start3A_185 = tpu.memref_slice %arg4[%mul3A_177] : memref<3150000xi32, #tpu.memory_space<hbm>> -> memref<5040xi32, #tpu.memory_space<hbm>>
        %dma_start3A_186 = arith.constant 0 : i32
        %dma_start3A_187 = tpu.memref_slice %arg10[%dma_start3A_186] : memref<8064xi32, #tpu.memory_space<vmem>> -> memref<5040xi32, #tpu.memory_space<vmem>>
        tpu.enqueue_dma source(%dma_start3A_187 : memref<5040xi32, #tpu.memory_space<vmem>>) target(%dma_start3A_185 : memref<5040xi32, #tpu.memory_space<hbm>>) target_semaphore(%arg14 : memref<!tpu.dma_semaphore, #tpu.memory_space<semaphore_mem>>)
        %dma_wait3A_188 = arith.constant 0 : i32
        %dma_wait3A_189 = tpu.memref_slice %arg10[%dma_wait3A_188] : memref<8064xi32, #tpu.memory_space<vmem>> -> memref<5040xi32, #tpu.memory_space<vmem>>
        %dma_wait3A_190 = tpu.memref_slice %arg4[%mul3A_177] : memref<3150000xi32, #tpu.memory_space<hbm>> -> memref<5040xi32, #tpu.memory_space<hbm>>
        %dma_wait3A_191 = tpu.memref_slice %arg4[%mul3A_177] : memref<3150000xi32, #tpu.memory_space<hbm>> -> memref<5040xi32, #tpu.memory_space<hbm>>
        %dma_wait3A_192 = arith.constant 0 : i32
        %dma_wait3A_193 = tpu.memref_slice %arg10[%dma_wait3A_192] : memref<8064xi32, #tpu.memory_space<vmem>> -> memref<5040xi32, #tpu.memory_space<vmem>>
        tpu.wait_dma2 semaphore(%arg14 : memref<!tpu.dma_semaphore, #tpu.memory_space<semaphore_mem>>) src(%dma_wait3A_193 : memref<5040xi32, #tpu.memory_space<vmem>>) dst(%dma_wait3A_191 : memref<5040xi32, #tpu.memory_space<hbm>>)
        %dma_start3A_194 = arith.constant 0 : i32
        %dma_start3A_195 = tpu.memref_slice %arg11[%dma_start3A_194] : memref<32256xf32, #tpu.memory_space<vmem>> -> memref<20480xf32, #tpu.memory_space<vmem>>
        %dma_start3A_196 = tpu.memref_slice %arg5[%mul3A_181] : memref<12600320xf32, #tpu.memory_space<hbm>> -> memref<20480xf32, #tpu.memory_space<hbm>>
        %dma_start3A_197 = tpu.memref_slice %arg5[%mul3A_181] : memref<12600320xf32, #tpu.memory_space<hbm>> -> memref<20480xf32, #tpu.memory_space<hbm>>
        %dma_start3A_198 = arith.constant 0 : i32
        %dma_start3A_199 = tpu.memref_slice %arg11[%dma_start3A_198] : memref<32256xf32, #tpu.memory_space<vmem>> -> memref<20480xf32, #tpu.memory_space<vmem>>
        tpu.enqueue_dma source(%dma_start3A_199 : memref<20480xf32, #tpu.memory_space<vmem>>) target(%dma_start3A_197 : memref<20480xf32, #tpu.memory_space<hbm>>) target_semaphore(%arg14 : memref<!tpu.dma_semaphore, #tpu.memory_space<semaphore_mem>>)
        %dma_wait3A_200 = arith.constant 0 : i32
        %dma_wait3A_201 = tpu.memref_slice %arg11[%dma_wait3A_200] : memref<32256xf32, #tpu.memory_space<vmem>> -> memref<20480xf32, #tpu.memory_space<vmem>>
        %dma_wait3A_202 = tpu.memref_slice %arg5[%mul3A_181] : memref<12600320xf32, #tpu.memory_space<hbm>> -> memref<20480xf32, #tpu.memory_space<hbm>>
        %dma_wait3A_203 = tpu.memref_slice %arg5[%mul3A_181] : memref<12600320xf32, #tpu.memory_space<hbm>> -> memref<20480xf32, #tpu.memory_space<hbm>>
        %dma_wait3A_204 = arith.constant 0 : i32
        %dma_wait3A_205 = tpu.memref_slice %arg11[%dma_wait3A_204] : memref<32256xf32, #tpu.memory_space<vmem>> -> memref<20480xf32, #tpu.memory_space<vmem>>
        tpu.wait_dma2 semaphore(%arg14 : memref<!tpu.dma_semaphore, #tpu.memory_space<semaphore_mem>>) src(%dma_wait3A_205 : memref<20480xf32, #tpu.memory_space<vmem>>) dst(%dma_wait3A_203 : memref<20480xf32, #tpu.memory_space<hbm>>)
      } else {
      }
      %mul3A_126 = arith.constant 2 : i32
      %mul3A_127 = arith.muli %mul3A_126, %while3A_81 : i32
      %add3A_128 = arith.constant 1 : i32
      %add3A_129 = arith.addi %mul3A_127, %add3A_128 : i32
      %mul3A_130 = arith.constant 32 : i32
      %mul3A_131 = arith.muli %add3A_129, %mul3A_130 : i32
      %add3A_132 = arith.addi %add3A, %mul3A_131 : i32
      %mul3A_133 = arith.constant 128 : i32
      %mul3A_134 = arith.muli %add3A_132, %mul3A_133 : i32
      %add3A_135 = arith.constant 1 : i32
      %add3A_136 = arith.addi %add3A_129, %add3A_135 : i32
      %lt3A_137 = arith.cmpi slt, %add3A_136, %select_n3A : i32
      %convert_element_type3A_138 = arith.extui %lt3A_137 : i1 to i32
      %cond3A_139 = arith.constant 0 : i32
      %cond3A_140 = arith.cmpi ne, %convert_element_type3A_138, %cond3A_139 : i32
      scf.if %cond3A_140 {
        %add3A_176 = arith.constant 32 : i32
        %add3A_177 = arith.addi %add3A_132, %add3A_176 : i32
        %mul3A_178 = arith.constant 128 : i32
        %mul3A_179 = arith.muli %add3A_177, %mul3A_178 : i32
        %dma_start3A_180 = arith.constant 0 : i32
        %dma_start3A_181 = tpu.memref_slice %arg2[%dma_start3A_180, %mul3A_179] : memref<64x50000xi32, #tpu.memory_space<hbm>> -> memref<64x128xi32, #tpu.memory_space<hbm>>
        %dma_start3A_182 = arith.constant 0 : i32
        %dma_start3A_183 = tpu.memref_slice %arg2[%dma_start3A_182, %mul3A_179] : memref<64x50000xi32, #tpu.memory_space<hbm>> -> memref<64x128xi32, #tpu.memory_space<hbm>>
        tpu.enqueue_dma source(%dma_start3A_183 : memref<64x128xi32, #tpu.memory_space<hbm>>) target(%arg6 : memref<64x128xi32, #tpu.memory_space<vmem>>) target_semaphore(%arg12 : memref<!tpu.dma_semaphore, #tpu.memory_space<semaphore_mem>>)
        %mul3A_184 = arith.constant 128 : i32
        %mul3A_185 = arith.muli %add3A_177, %mul3A_184 : i32
        %dma_start3A_186 = arith.constant 0 : i32
        %dma_start3A_187 = arith.constant 0 : i32
        %dma_start3A_188 = tpu.memref_slice %arg3[%dma_start3A_186, %dma_start3A_187, %mul3A_185] : memref<3x64x50000xf32, #tpu.memory_space<hbm>> -> memref<3x64x128xf32, #tpu.memory_space<hbm>>
        %dma_start3A_189 = arith.constant 0 : i32
        %dma_start3A_190 = arith.constant 0 : i32
        %dma_start3A_191 = tpu.memref_slice %arg3[%dma_start3A_189, %dma_start3A_190, %mul3A_185] : memref<3x64x50000xf32, #tpu.memory_space<hbm>> -> memref<3x64x128xf32, #tpu.memory_space<hbm>>
        tpu.enqueue_dma source(%dma_start3A_191 : memref<3x64x128xf32, #tpu.memory_space<hbm>>) target(%arg8 : memref<3x64x128xf32, #tpu.memory_space<vmem>>) target_semaphore(%arg12 : memref<!tpu.dma_semaphore, #tpu.memory_space<semaphore_mem>>)
      } else {
      }
      %gt3A_141 = arith.constant 0 : i32
      %gt3A_142 = arith.cmpi sgt, %add3A_129, %gt3A_141 : i32
      %convert_element_type3A_143 = arith.extui %gt3A_142 : i1 to i32
      %cond3A_144 = arith.constant 0 : i32
      %cond3A_145 = arith.cmpi ne, %convert_element_type3A_143, %cond3A_144 : i32
      scf.if %cond3A_145 {
        %mul3A_176 = arith.constant 8064 : i32
        %mul3A_177 = arith.muli %add3A_132, %mul3A_176 : i32
        %mul3A_178 = arith.constant 63 : i32
        %mul3A_179 = arith.muli %add3A_132, %mul3A_178 : i32
        %mul3A_180 = arith.constant 512 : i32
        %mul3A_181 = arith.muli %mul3A_179, %mul3A_180 : i32
        %dma_wait3A_182 = arith.constant 0 : i32
        %dma_wait3A_183 = tpu.memref_slice %arg10[%dma_wait3A_182] : memref<8064xi32, #tpu.memory_space<vmem>> -> memref<8064xi32, #tpu.memory_space<vmem>>
        %dma_wait3A_184 = tpu.memref_slice %arg4[%mul3A_177] : memref<3150000xi32, #tpu.memory_space<hbm>> -> memref<8064xi32, #tpu.memory_space<hbm>>
        %dma_wait3A_185 = tpu.memref_slice %arg4[%mul3A_177] : memref<3150000xi32, #tpu.memory_space<hbm>> -> memref<8064xi32, #tpu.memory_space<hbm>>
        %dma_wait3A_186 = arith.constant 0 : i32
        %dma_wait3A_187 = tpu.memref_slice %arg10[%dma_wait3A_186] : memref<8064xi32, #tpu.memory_space<vmem>> -> memref<8064xi32, #tpu.memory_space<vmem>>
        tpu.wait_dma2 semaphore(%arg14 : memref<!tpu.dma_semaphore, #tpu.memory_space<semaphore_mem>>) src(%dma_wait3A_187 : memref<8064xi32, #tpu.memory_space<vmem>>) dst(%dma_wait3A_185 : memref<8064xi32, #tpu.memory_space<hbm>>)
        %dma_wait3A_188 = arith.constant 0 : i32
        %dma_wait3A_189 = tpu.memref_slice %arg11[%dma_wait3A_188] : memref<32256xf32, #tpu.memory_space<vmem>> -> memref<32256xf32, #tpu.memory_space<vmem>>
        %dma_wait3A_190 = tpu.memref_slice %arg5[%mul3A_181] : memref<12600320xf32, #tpu.memory_space<hbm>> -> memref<32256xf32, #tpu.memory_space<hbm>>
        %dma_wait3A_191 = tpu.memref_slice %arg5[%mul3A_181] : memref<12600320xf32, #tpu.memory_space<hbm>> -> memref<32256xf32, #tpu.memory_space<hbm>>
        %dma_wait3A_192 = arith.constant 0 : i32
        %dma_wait3A_193 = tpu.memref_slice %arg11[%dma_wait3A_192] : memref<32256xf32, #tpu.memory_space<vmem>> -> memref<32256xf32, #tpu.memory_space<vmem>>
        tpu.wait_dma2 semaphore(%arg14 : memref<!tpu.dma_semaphore, #tpu.memory_space<semaphore_mem>>) src(%dma_wait3A_193 : memref<32256xf32, #tpu.memory_space<vmem>>) dst(%dma_wait3A_191 : memref<32256xf32, #tpu.memory_space<hbm>>)
      } else {
      }
      %mul3A_146 = arith.constant 128 : i32
      %mul3A_147 = arith.muli %add3A_132, %mul3A_146 : i32
      %dma_wait3A_148 = arith.constant 0 : i32
      %dma_wait3A_149 = tpu.memref_slice %arg2[%dma_wait3A_148, %mul3A_147] : memref<64x50000xi32, #tpu.memory_space<hbm>> -> memref<64x128xi32, #tpu.memory_space<hbm>>
      %dma_wait3A_150 = arith.constant 0 : i32
      %dma_wait3A_151 = tpu.memref_slice %arg2[%dma_wait3A_150, %mul3A_147] : memref<64x50000xi32, #tpu.memory_space<hbm>> -> memref<64x128xi32, #tpu.memory_space<hbm>>
      tpu.wait_dma2 semaphore(%arg13 : memref<!tpu.dma_semaphore, #tpu.memory_space<semaphore_mem>>) src(%dma_wait3A_151 : memref<64x128xi32, #tpu.memory_space<hbm>>) dst(%arg7 : memref<64x128xi32, #tpu.memory_space<vmem>>)
      %mul3A_152 = arith.constant 128 : i32
      %mul3A_153 = arith.muli %add3A_132, %mul3A_152 : i32
      %dma_wait3A_154 = arith.constant 0 : i32
      %dma_wait3A_155 = arith.constant 0 : i32
      %dma_wait3A_156 = tpu.memref_slice %arg3[%dma_wait3A_154, %dma_wait3A_155, %mul3A_153] : memref<3x64x50000xf32, #tpu.memory_space<hbm>> -> memref<3x64x128xf32, #tpu.memory_space<hbm>>
      %dma_wait3A_157 = arith.constant 0 : i32
      %dma_wait3A_158 = arith.constant 0 : i32
      %dma_wait3A_159 = tpu.memref_slice %arg3[%dma_wait3A_157, %dma_wait3A_158, %mul3A_153] : memref<3x64x50000xf32, #tpu.memory_space<hbm>> -> memref<3x64x128xf32, #tpu.memory_space<hbm>>
      tpu.wait_dma2 semaphore(%arg13 : memref<!tpu.dma_semaphore, #tpu.memory_space<semaphore_mem>>) src(%dma_wait3A_159 : memref<3x64x128xf32, #tpu.memory_space<hbm>>) dst(%arg9 : memref<3x64x128xf32, #tpu.memory_space<vmem>>)
      %scan3A_160 = arith.constant 0 : i32
      %scan3A_161 = arith.constant 0 : i32
      %scan3A_162 = arith.constant 63 : i32
      %scan3A_163 = arith.addi %scan3A_161, %scan3A_162 : i32
      %scan3A_164 = arith.constant 1 : i32
      scf.for %scan3A_176 = %scan3A_161 to %scan3A_163 step %scan3A_164  : i32 {
        %add3A_177 = arith.constant 1 : i32
        %add3A_178 = arith.addi %scan3A_176, %add3A_177 : i32
        %get3A = arith.index_cast %add3A_178 : i32 to index
        %get3A_179 = arith.constant 0 : index
        %get3A_180 = tpu.vector_load %arg7[%get3A, %get3A_179] {strides = array<i32>} : memref<64x128xi32, #tpu.memory_space<vmem>>, vector<16xi32>,
        %get3A_181 = arith.constant 0 : i32
        %get3A_182 = arith.index_cast %get3A_181 : i32 to index
        %get3A_183 = arith.index_cast %add3A_178 : i32 to index
        %get3A_184 = arith.constant 0 : index
        %get3A_185 = tpu.vector_load %arg9[%get3A_182, %get3A_183, %get3A_184] {strides = array<i32>} : memref<3x64x128xf32, #tpu.memory_space<vmem>>, vector<16xf32>,
        %get3A_186 = arith.constant 1 : i32
        %get3A_187 = arith.index_cast %get3A_186 : i32 to index
        %get3A_188 = arith.index_cast %add3A_178 : i32 to index
        %get3A_189 = arith.constant 0 : index
        %get3A_190 = tpu.vector_load %arg9[%get3A_187, %get3A_188, %get3A_189] {strides = array<i32>} : memref<3x64x128xf32, #tpu.memory_space<vmem>>, vector<16xf32>,
        %get3A_191 = arith.constant 2 : i32
        %get3A_192 = arith.index_cast %get3A_191 : i32 to index
        %get3A_193 = arith.index_cast %add3A_178 : i32 to index
        %get3A_194 = arith.constant 0 : index
        %get3A_195 = tpu.vector_load %arg9[%get3A_192, %get3A_193, %get3A_194] {strides = array<i32>} : memref<3x64x128xf32, #tpu.memory_space<vmem>>, vector<16xf32>,
        %get3A_196 = arith.index_cast %add3A_178 : i32 to index
        %get3A_197 = arith.constant 16 : index
        %get3A_198 = tpu.vector_load %arg7[%get3A_196, %get3A_197] {strides = array<i32>} : memref<64x128xi32, #tpu.memory_space<vmem>>, vector<16xi32>,
        %get3A_199 = arith.constant 0 : i32
        %get3A_200 = arith.index_cast %get3A_199 : i32 to index
        %get3A_201 = arith.index_cast %add3A_178 : i32 to index
        %get3A_202 = arith.constant 16 : index
        %get3A_203 = tpu.vector_load %arg9[%get3A_200, %get3A_201, %get3A_202] {strides = array<i32>} : memref<3x64x128xf32, #tpu.memory_space<vmem>>, vector<16xf32>,
        %get3A_204 = arith.constant 1 : i32
        %get3A_205 = arith.index_cast %get3A_204 : i32 to index
        %get3A_206 = arith.index_cast %add3A_178 : i32 to index
        %get3A_207 = arith.constant 16 : index
        %get3A_208 = tpu.vector_load %arg9[%get3A_205, %get3A_206, %get3A_207] {strides = array<i32>} : memref<3x64x128xf32, #tpu.memory_space<vmem>>, vector<16xf32>,
        %get3A_209 = arith.constant 2 : i32
        %get3A_210 = arith.index_cast %get3A_209 : i32 to index
        %get3A_211 = arith.index_cast %add3A_178 : i32 to index
        %get3A_212 = arith.constant 16 : index
        %get3A_213 = tpu.vector_load %arg9[%get3A_210, %get3A_211, %get3A_212] {strides = array<i32>} : memref<3x64x128xf32, #tpu.memory_space<vmem>>, vector<16xf32>,
        %get3A_214 = arith.index_cast %add3A_178 : i32 to index
        %get3A_215 = arith.constant 32 : index
        %get3A_216 = tpu.vector_load %arg7[%get3A_214, %get3A_215] {strides = array<i32>} : memref<64x128xi32, #tpu.memory_space<vmem>>, vector<16xi32>,
        %get3A_217 = arith.constant 0 : i32
        %get3A_218 = arith.index_cast %get3A_217 : i32 to index
        %get3A_219 = arith.index_cast %add3A_178 : i32 to index
        %get3A_220 = arith.constant 32 : index
        %get3A_221 = tpu.vector_load %arg9[%get3A_218, %get3A_219, %get3A_220] {strides = array<i32>} : memref<3x64x128xf32, #tpu.memory_space<vmem>>, vector<16xf32>,
        %get3A_222 = arith.constant 1 : i32
        %get3A_223 = arith.index_cast %get3A_222 : i32 to index
        %get3A_224 = arith.index_cast %add3A_178 : i32 to index
        %get3A_225 = arith.constant 32 : index
        %get3A_226 = tpu.vector_load %arg9[%get3A_223, %get3A_224, %get3A_225] {strides = array<i32>} : memref<3x64x128xf32, #tpu.memory_space<vmem>>, vector<16xf32>,
        %get3A_227 = arith.constant 2 : i32
        %get3A_228 = arith.index_cast %get3A_227 : i32 to index
        %get3A_229 = arith.index_cast %add3A_178 : i32 to index
        %get3A_230 = arith.constant 32 : index
        %get3A_231 = tpu.vector_load %arg9[%get3A_228, %get3A_229, %get3A_230] {strides = array<i32>} : memref<3x64x128xf32, #tpu.memory_space<vmem>>, vector<16xf32>,
        %get3A_232 = arith.index_cast %add3A_178 : i32 to index
        %get3A_233 = arith.constant 48 : index
        %get3A_234 = tpu.vector_load %arg7[%get3A_232, %get3A_233] {strides = array<i32>} : memref<64x128xi32, #tpu.memory_space<vmem>>, vector<16xi32>,
        %get3A_235 = arith.constant 0 : i32
        %get3A_236 = arith.index_cast %get3A_235 : i32 to index
        %get3A_237 = arith.index_cast %add3A_178 : i32 to index
        %get3A_238 = arith.constant 48 : index
        %get3A_239 = tpu.vector_load %arg9[%get3A_236, %get3A_237, %get3A_238] {strides = array<i32>} : memref<3x64x128xf32, #tpu.memory_space<vmem>>, vector<16xf32>,
        %get3A_240 = arith.constant 1 : i32
        %get3A_241 = arith.index_cast %get3A_240 : i32 to index
        %get3A_242 = arith.index_cast %add3A_178 : i32 to index
        %get3A_243 = arith.constant 48 : index
        %get3A_244 = tpu.vector_load %arg9[%get3A_241, %get3A_242, %get3A_243] {strides = array<i32>} : memref<3x64x128xf32, #tpu.memory_space<vmem>>, vector<16xf32>,
        %get3A_245 = arith.constant 2 : i32
        %get3A_246 = arith.index_cast %get3A_245 : i32 to index
        %get3A_247 = arith.index_cast %add3A_178 : i32 to index
        %get3A_248 = arith.constant 48 : index
        %get3A_249 = tpu.vector_load %arg9[%get3A_246, %get3A_247, %get3A_248] {strides = array<i32>} : memref<3x64x128xf32, #tpu.memory_space<vmem>>, vector<16xf32>,
        %get3A_250 = arith.index_cast %add3A_178 : i32 to index
        %get3A_251 = arith.constant 64 : index
        %get3A_252 = tpu.vector_load %arg7[%get3A_250, %get3A_251] {strides = array<i32>} : memref<64x128xi32, #tpu.memory_space<vmem>>, vector<16xi32>,
        %get3A_253 = arith.constant 0 : i32
        %get3A_254 = arith.index_cast %get3A_253 : i32 to index
        %get3A_255 = arith.index_cast %add3A_178 : i32 to index
        %get3A_256 = arith.constant 64 : index
        %get3A_257 = tpu.vector_load %arg9[%get3A_254, %get3A_255, %get3A_256] {strides = array<i32>} : memref<3x64x128xf32, #tpu.memory_space<vmem>>, vector<16xf32>,
        %get3A_258 = arith.constant 1 : i32
        %get3A_259 = arith.index_cast %get3A_258 : i32 to index
        %get3A_260 = arith.index_cast %add3A_178 : i32 to index
        %get3A_261 = arith.constant 64 : index
        %get3A_262 = tpu.vector_load %arg9[%get3A_259, %get3A_260, %get3A_261] {strides = array<i32>} : memref<3x64x128xf32, #tpu.memory_space<vmem>>, vector<16xf32>,
        %get3A_263 = arith.constant 2 : i32
        %get3A_264 = arith.index_cast %get3A_263 : i32 to index
        %get3A_265 = arith.index_cast %add3A_178 : i32 to index
        %get3A_266 = arith.constant 64 : index
        %get3A_267 = tpu.vector_load %arg9[%get3A_264, %get3A_265, %get3A_266] {strides = array<i32>} : memref<3x64x128xf32, #tpu.memory_space<vmem>>, vector<16xf32>,
        %get3A_268 = arith.index_cast %add3A_178 : i32 to index
        %get3A_269 = arith.constant 80 : index
        %get3A_270 = tpu.vector_load %arg7[%get3A_268, %get3A_269] {strides = array<i32>} : memref<64x128xi32, #tpu.memory_space<vmem>>, vector<16xi32>,
        %get3A_271 = arith.constant 0 : i32
        %get3A_272 = arith.index_cast %get3A_271 : i32 to index
        %get3A_273 = arith.index_cast %add3A_178 : i32 to index
        %get3A_274 = arith.constant 80 : index
        %get3A_275 = tpu.vector_load %arg9[%get3A_272, %get3A_273, %get3A_274] {strides = array<i32>} : memref<3x64x128xf32, #tpu.memory_space<vmem>>, vector<16xf32>,
        %get3A_276 = arith.constant 1 : i32
        %get3A_277 = arith.index_cast %get3A_276 : i32 to index
        %get3A_278 = arith.index_cast %add3A_178 : i32 to index
        %get3A_279 = arith.constant 80 : index
        %get3A_280 = tpu.vector_load %arg9[%get3A_277, %get3A_278, %get3A_279] {strides = array<i32>} : memref<3x64x128xf32, #tpu.memory_space<vmem>>, vector<16xf32>,
        %get3A_281 = arith.constant 2 : i32
        %get3A_282 = arith.index_cast %get3A_281 : i32 to index
        %get3A_283 = arith.index_cast %add3A_178 : i32 to index
        %get3A_284 = arith.constant 80 : index
        %get3A_285 = tpu.vector_load %arg9[%get3A_282, %get3A_283, %get3A_284] {strides = array<i32>} : memref<3x64x128xf32, #tpu.memory_space<vmem>>, vector<16xf32>,
        %get3A_286 = arith.index_cast %add3A_178 : i32 to index
        %get3A_287 = arith.constant 96 : index
        %get3A_288 = tpu.vector_load %arg7[%get3A_286, %get3A_287] {strides = array<i32>} : memref<64x128xi32, #tpu.memory_space<vmem>>, vector<16xi32>,
        %get3A_289 = arith.constant 0 : i32
        %get3A_290 = arith.index_cast %get3A_289 : i32 to index
        %get3A_291 = arith.index_cast %add3A_178 : i32 to index
        %get3A_292 = arith.constant 96 : index
        %get3A_293 = tpu.vector_load %arg9[%get3A_290, %get3A_291, %get3A_292] {strides = array<i32>} : memref<3x64x128xf32, #tpu.memory_space<vmem>>, vector<16xf32>,
        %get3A_294 = arith.constant 1 : i32
        %get3A_295 = arith.index_cast %get3A_294 : i32 to index
        %get3A_296 = arith.index_cast %add3A_178 : i32 to index
        %get3A_297 = arith.constant 96 : index
        %get3A_298 = tpu.vector_load %arg9[%get3A_295, %get3A_296, %get3A_297] {strides = array<i32>} : memref<3x64x128xf32, #tpu.memory_space<vmem>>, vector<16xf32>,
        %get3A_299 = arith.constant 2 : i32
        %get3A_300 = arith.index_cast %get3A_299 : i32 to index
        %get3A_301 = arith.index_cast %add3A_178 : i32 to index
        %get3A_302 = arith.constant 96 : index
        %get3A_303 = tpu.vector_load %arg9[%get3A_300, %get3A_301, %get3A_302] {strides = array<i32>} : memref<3x64x128xf32, #tpu.memory_space<vmem>>, vector<16xf32>,
        %get3A_304 = arith.index_cast %add3A_178 : i32 to index
        %get3A_305 = arith.constant 112 : index
        %get3A_306 = tpu.vector_load %arg7[%get3A_304, %get3A_305] {strides = array<i32>} : memref<64x128xi32, #tpu.memory_space<vmem>>, vector<16xi32>,
        %get3A_307 = arith.constant 0 : i32
        %get3A_308 = arith.index_cast %get3A_307 : i32 to index
        %get3A_309 = arith.index_cast %add3A_178 : i32 to index
        %get3A_310 = arith.constant 112 : index
        %get3A_311 = tpu.vector_load %arg9[%get3A_308, %get3A_309, %get3A_310] {strides = array<i32>} : memref<3x64x128xf32, #tpu.memory_space<vmem>>, vector<16xf32>,
        %get3A_312 = arith.constant 1 : i32
        %get3A_313 = arith.index_cast %get3A_312 : i32 to index
        %get3A_314 = arith.index_cast %add3A_178 : i32 to index
        %get3A_315 = arith.constant 112 : index
        %get3A_316 = tpu.vector_load %arg9[%get3A_313, %get3A_314, %get3A_315] {strides = array<i32>} : memref<3x64x128xf32, #tpu.memory_space<vmem>>, vector<16xf32>,
        %get3A_317 = arith.constant 2 : i32
        %get3A_318 = arith.index_cast %get3A_317 : i32 to index
        %get3A_319 = arith.index_cast %add3A_178 : i32 to index
        %get3A_320 = arith.constant 112 : index
        %get3A_321 = tpu.vector_load %arg9[%get3A_318, %get3A_319, %get3A_320] {strides = array<i32>} : memref<3x64x128xf32, #tpu.memory_space<vmem>>, vector<16xf32>,
        %add3A_322 = arith.constant 0 : i32
        %add3A_323 = arith.addi %add3A_322, %scan3A_176 : i32
        %add3A_324 = vector.broadcast %add3A_323 : i32 to vector<16xi32>
        %add3A_325 = arith.addi %mul3A_3, %add3A_324 : vector<16xi32>
        tpu.vector_store_idx %arg10[%add3A_325], %get3A_180 : memref<8064xi32, #tpu.memory_space<vmem>>[vector<16xi32>], vector<16xi32>,
        %shift_right_arithmetic3A = arith.constant 7 : i32
        %shift_right_arithmetic3A_326 = vector.broadcast %shift_right_arithmetic3A : i32 to vector<16xi32>
        %shift_right_arithmetic3A_327 = arith.shrsi %add3A_325, %shift_right_arithmetic3A_326 : vector<16xi32>
        %shift_left3A = arith.constant 9 : i32
        %shift_left3A_328 = vector.broadcast %shift_left3A : i32 to vector<16xi32>
        %shift_left3A_329 = arith.shli %shift_right_arithmetic3A_327, %shift_left3A_328 : vector<16xi32>
        %and3A_330 = arith.constant 127 : i32
        %and3A_331 = vector.broadcast %and3A_330 : i32 to vector<16xi32>
        %and3A_332 = arith.andi %add3A_325, %and3A_331 : vector<16xi32>
        %add3A_333 = arith.addi %shift_left3A_329, %and3A_332 : vector<16xi32>
        tpu.vector_store_idx %arg11[%add3A_333], %get3A_185 : memref<32256xf32, #tpu.memory_space<vmem>>[vector<16xi32>], vector<16xf32>,
        %add3A_334 = arith.constant 128 : i32
        %add3A_335 = vector.broadcast %add3A_334 : i32 to vector<16xi32>
        %add3A_336 = arith.addi %add3A_333, %add3A_335 : vector<16xi32>
        tpu.vector_store_idx %arg11[%add3A_336], %get3A_190 : memref<32256xf32, #tpu.memory_space<vmem>>[vector<16xi32>], vector<16xf32>,
        %add3A_337 = arith.constant 256 : i32
        %add3A_338 = vector.broadcast %add3A_337 : i32 to vector<16xi32>
        %add3A_339 = arith.addi %add3A_333, %add3A_338 : vector<16xi32>
        tpu.vector_store_idx %arg11[%add3A_339], %get3A_195 : memref<32256xf32, #tpu.memory_space<vmem>>[vector<16xi32>], vector<16xf32>,
        %add3A_340 = arith.constant 1008 : i32
        %add3A_341 = arith.addi %add3A_340, %scan3A_176 : i32
        %add3A_342 = vector.broadcast %add3A_341 : i32 to vector<16xi32>
        %add3A_343 = arith.addi %mul3A_3, %add3A_342 : vector<16xi32>
        tpu.vector_store_idx %arg10[%add3A_343], %get3A_198 : memref<8064xi32, #tpu.memory_space<vmem>>[vector<16xi32>], vector<16xi32>,
        %shift_right_arithmetic3A_344 = arith.constant 7 : i32
        %shift_right_arithmetic3A_345 = vector.broadcast %shift_right_arithmetic3A_344 : i32 to vector<16xi32>
        %shift_right_arithmetic3A_346 = arith.shrsi %add3A_343, %shift_right_arithmetic3A_345 : vector<16xi32>
        %shift_left3A_347 = arith.constant 9 : i32
        %shift_left3A_348 = vector.broadcast %shift_left3A_347 : i32 to vector<16xi32>
        %shift_left3A_349 = arith.shli %shift_right_arithmetic3A_346, %shift_left3A_348 : vector<16xi32>
        %and3A_350 = arith.constant 127 : i32
        %and3A_351 = vector.broadcast %and3A_350 : i32 to vector<16xi32>
        %and3A_352 = arith.andi %add3A_343, %and3A_351 : vector<16xi32>
        %add3A_353 = arith.addi %shift_left3A_349, %and3A_352 : vector<16xi32>
        tpu.vector_store_idx %arg11[%add3A_353], %get3A_203 : memref<32256xf32, #tpu.memory_space<vmem>>[vector<16xi32>], vector<16xf32>,
        %add3A_354 = arith.constant 128 : i32
        %add3A_355 = vector.broadcast %add3A_354 : i32 to vector<16xi32>
        %add3A_356 = arith.addi %add3A_353, %add3A_355 : vector<16xi32>
        tpu.vector_store_idx %arg11[%add3A_356], %get3A_208 : memref<32256xf32, #tpu.memory_space<vmem>>[vector<16xi32>], vector<16xf32>,
        %add3A_357 = arith.constant 256 : i32
        %add3A_358 = vector.broadcast %add3A_357 : i32 to vector<16xi32>
        %add3A_359 = arith.addi %add3A_353, %add3A_358 : vector<16xi32>
        tpu.vector_store_idx %arg11[%add3A_359], %get3A_213 : memref<32256xf32, #tpu.memory_space<vmem>>[vector<16xi32>], vector<16xf32>,
        %add3A_360 = arith.constant 2016 : i32
        %add3A_361 = arith.addi %add3A_360, %scan3A_176 : i32
        %add3A_362 = vector.broadcast %add3A_361 : i32 to vector<16xi32>
        %add3A_363 = arith.addi %mul3A_3, %add3A_362 : vector<16xi32>
        tpu.vector_store_idx %arg10[%add3A_363], %get3A_216 : memref<8064xi32, #tpu.memory_space<vmem>>[vector<16xi32>], vector<16xi32>,
        %shift_right_arithmetic3A_364 = arith.constant 7 : i32
        %shift_right_arithmetic3A_365 = vector.broadcast %shift_right_arithmetic3A_364 : i32 to vector<16xi32>
        %shift_right_arithmetic3A_366 = arith.shrsi %add3A_363, %shift_right_arithmetic3A_365 : vector<16xi32>
        %shift_left3A_367 = arith.constant 9 : i32
        %shift_left3A_368 = vector.broadcast %shift_left3A_367 : i32 to vector<16xi32>
        %shift_left3A_369 = arith.shli %shift_right_arithmetic3A_366, %shift_left3A_368 : vector<16xi32>
        %and3A_370 = arith.constant 127 : i32
        %and3A_371 = vector.broadcast %and3A_370 : i32 to vector<16xi32>
        %and3A_372 = arith.andi %add3A_363, %and3A_371 : vector<16xi32>
        %add3A_373 = arith.addi %shift_left3A_369, %and3A_372 : vector<16xi32>
        tpu.vector_store_idx %arg11[%add3A_373], %get3A_221 : memref<32256xf32, #tpu.memory_space<vmem>>[vector<16xi32>], vector<16xf32>,
        %add3A_374 = arith.constant 128 : i32
        %add3A_375 = vector.broadcast %add3A_374 : i32 to vector<16xi32>
        %add3A_376 = arith.addi %add3A_373, %add3A_375 : vector<16xi32>
        tpu.vector_store_idx %arg11[%add3A_376], %get3A_226 : memref<32256xf32, #tpu.memory_space<vmem>>[vector<16xi32>], vector<16xf32>,
        %add3A_377 = arith.constant 256 : i32
        %add3A_378 = vector.broadcast %add3A_377 : i32 to vector<16xi32>
        %add3A_379 = arith.addi %add3A_373, %add3A_378 : vector<16xi32>
        tpu.vector_store_idx %arg11[%add3A_379], %get3A_231 : memref<32256xf32, #tpu.memory_space<vmem>>[vector<16xi32>], vector<16xf32>,
        %add3A_380 = arith.constant 3024 : i32
        %add3A_381 = arith.addi %add3A_380, %scan3A_176 : i32
        %add3A_382 = vector.broadcast %add3A_381 : i32 to vector<16xi32>
        %add3A_383 = arith.addi %mul3A_3, %add3A_382 : vector<16xi32>
        tpu.vector_store_idx %arg10[%add3A_383], %get3A_234 : memref<8064xi32, #tpu.memory_space<vmem>>[vector<16xi32>], vector<16xi32>,
        %shift_right_arithmetic3A_384 = arith.constant 7 : i32
        %shift_right_arithmetic3A_385 = vector.broadcast %shift_right_arithmetic3A_384 : i32 to vector<16xi32>
        %shift_right_arithmetic3A_386 = arith.shrsi %add3A_383, %shift_right_arithmetic3A_385 : vector<16xi32>
        %shift_left3A_387 = arith.constant 9 : i32
        %shift_left3A_388 = vector.broadcast %shift_left3A_387 : i32 to vector<16xi32>
        %shift_left3A_389 = arith.shli %shift_right_arithmetic3A_386, %shift_left3A_388 : vector<16xi32>
        %and3A_390 = arith.constant 127 : i32
        %and3A_391 = vector.broadcast %and3A_390 : i32 to vector<16xi32>
        %and3A_392 = arith.andi %add3A_383, %and3A_391 : vector<16xi32>
        %add3A_393 = arith.addi %shift_left3A_389, %and3A_392 : vector<16xi32>
        tpu.vector_store_idx %arg11[%add3A_393], %get3A_239 : memref<32256xf32, #tpu.memory_space<vmem>>[vector<16xi32>], vector<16xf32>,
        %add3A_394 = arith.constant 128 : i32
        %add3A_395 = vector.broadcast %add3A_394 : i32 to vector<16xi32>
        %add3A_396 = arith.addi %add3A_393, %add3A_395 : vector<16xi32>
        tpu.vector_store_idx %arg11[%add3A_396], %get3A_244 : memref<32256xf32, #tpu.memory_space<vmem>>[vector<16xi32>], vector<16xf32>,
        %add3A_397 = arith.constant 256 : i32
        %add3A_398 = vector.broadcast %add3A_397 : i32 to vector<16xi32>
        %add3A_399 = arith.addi %add3A_393, %add3A_398 : vector<16xi32>
        tpu.vector_store_idx %arg11[%add3A_399], %get3A_249 : memref<32256xf32, #tpu.memory_space<vmem>>[vector<16xi32>], vector<16xf32>,
        %add3A_400 = arith.constant 4032 : i32
        %add3A_401 = arith.addi %add3A_400, %scan3A_176 : i32
        %add3A_402 = vector.broadcast %add3A_401 : i32 to vector<16xi32>
        %add3A_403 = arith.addi %mul3A_3, %add3A_402 : vector<16xi32>
        tpu.vector_store_idx %arg10[%add3A_403], %get3A_252 : memref<8064xi32, #tpu.memory_space<vmem>>[vector<16xi32>], vector<16xi32>,
        %shift_right_arithmetic3A_404 = arith.constant 7 : i32
        %shift_right_arithmetic3A_405 = vector.broadcast %shift_right_arithmetic3A_404 : i32 to vector<16xi32>
        %shift_right_arithmetic3A_406 = arith.shrsi %add3A_403, %shift_right_arithmetic3A_405 : vector<16xi32>
        %shift_left3A_407 = arith.constant 9 : i32
        %shift_left3A_408 = vector.broadcast %shift_left3A_407 : i32 to vector<16xi32>
        %shift_left3A_409 = arith.shli %shift_right_arithmetic3A_406, %shift_left3A_408 : vector<16xi32>
        %and3A_410 = arith.constant 127 : i32
        %and3A_411 = vector.broadcast %and3A_410 : i32 to vector<16xi32>
        %and3A_412 = arith.andi %add3A_403, %and3A_411 : vector<16xi32>
        %add3A_413 = arith.addi %shift_left3A_409, %and3A_412 : vector<16xi32>
        tpu.vector_store_idx %arg11[%add3A_413], %get3A_257 : memref<32256xf32, #tpu.memory_space<vmem>>[vector<16xi32>], vector<16xf32>,
        %add3A_414 = arith.constant 128 : i32
        %add3A_415 = vector.broadcast %add3A_414 : i32 to vector<16xi32>
        %add3A_416 = arith.addi %add3A_413, %add3A_415 : vector<16xi32>
        tpu.vector_store_idx %arg11[%add3A_416], %get3A_262 : memref<32256xf32, #tpu.memory_space<vmem>>[vector<16xi32>], vector<16xf32>,
        %add3A_417 = arith.constant 256 : i32
        %add3A_418 = vector.broadcast %add3A_417 : i32 to vector<16xi32>
        %add3A_419 = arith.addi %add3A_413, %add3A_418 : vector<16xi32>
        tpu.vector_store_idx %arg11[%add3A_419], %get3A_267 : memref<32256xf32, #tpu.memory_space<vmem>>[vector<16xi32>], vector<16xf32>,
        %add3A_420 = arith.constant 5040 : i32
        %add3A_421 = arith.addi %add3A_420, %scan3A_176 : i32
        %add3A_422 = vector.broadcast %add3A_421 : i32 to vector<16xi32>
        %add3A_423 = arith.addi %mul3A_3, %add3A_422 : vector<16xi32>
        tpu.vector_store_idx %arg10[%add3A_423], %get3A_270 : memref<8064xi32, #tpu.memory_space<vmem>>[vector<16xi32>], vector<16xi32>,
        %shift_right_arithmetic3A_424 = arith.constant 7 : i32
        %shift_right_arithmetic3A_425 = vector.broadcast %shift_right_arithmetic3A_424 : i32 to vector<16xi32>
        %shift_right_arithmetic3A_426 = arith.shrsi %add3A_423, %shift_right_arithmetic3A_425 : vector<16xi32>
        %shift_left3A_427 = arith.constant 9 : i32
        %shift_left3A_428 = vector.broadcast %shift_left3A_427 : i32 to vector<16xi32>
        %shift_left3A_429 = arith.shli %shift_right_arithmetic3A_426, %shift_left3A_428 : vector<16xi32>
        %and3A_430 = arith.constant 127 : i32
        %and3A_431 = vector.broadcast %and3A_430 : i32 to vector<16xi32>
        %and3A_432 = arith.andi %add3A_423, %and3A_431 : vector<16xi32>
        %add3A_433 = arith.addi %shift_left3A_429, %and3A_432 : vector<16xi32>
        tpu.vector_store_idx %arg11[%add3A_433], %get3A_275 : memref<32256xf32, #tpu.memory_space<vmem>>[vector<16xi32>], vector<16xf32>,
        %add3A_434 = arith.constant 128 : i32
        %add3A_435 = vector.broadcast %add3A_434 : i32 to vector<16xi32>
        %add3A_436 = arith.addi %add3A_433, %add3A_435 : vector<16xi32>
        tpu.vector_store_idx %arg11[%add3A_436], %get3A_280 : memref<32256xf32, #tpu.memory_space<vmem>>[vector<16xi32>], vector<16xf32>,
        %add3A_437 = arith.constant 256 : i32
        %add3A_438 = vector.broadcast %add3A_437 : i32 to vector<16xi32>
        %add3A_439 = arith.addi %add3A_433, %add3A_438 : vector<16xi32>
        tpu.vector_store_idx %arg11[%add3A_439], %get3A_285 : memref<32256xf32, #tpu.memory_space<vmem>>[vector<16xi32>], vector<16xf32>,
        %add3A_440 = arith.constant 6048 : i32
        %add3A_441 = arith.addi %add3A_440, %scan3A_176 : i32
        %add3A_442 = vector.broadcast %add3A_441 : i32 to vector<16xi32>
        %add3A_443 = arith.addi %mul3A_3, %add3A_442 : vector<16xi32>
        tpu.vector_store_idx %arg10[%add3A_443], %get3A_288 : memref<8064xi32, #tpu.memory_space<vmem>>[vector<16xi32>], vector<16xi32>,
        %shift_right_arithmetic3A_444 = arith.constant 7 : i32
        %shift_right_arithmetic3A_445 = vector.broadcast %shift_right_arithmetic3A_444 : i32 to vector<16xi32>
        %shift_right_arithmetic3A_446 = arith.shrsi %add3A_443, %shift_right_arithmetic3A_445 : vector<16xi32>
        %shift_left3A_447 = arith.constant 9 : i32
        %shift_left3A_448 = vector.broadcast %shift_left3A_447 : i32 to vector<16xi32>
        %shift_left3A_449 = arith.shli %shift_right_arithmetic3A_446, %shift_left3A_448 : vector<16xi32>
        %and3A_450 = arith.constant 127 : i32
        %and3A_451 = vector.broadcast %and3A_450 : i32 to vector<16xi32>
        %and3A_452 = arith.andi %add3A_443, %and3A_451 : vector<16xi32>
        %add3A_453 = arith.addi %shift_left3A_449, %and3A_452 : vector<16xi32>
        tpu.vector_store_idx %arg11[%add3A_453], %get3A_293 : memref<32256xf32, #tpu.memory_space<vmem>>[vector<16xi32>], vector<16xf32>,
        %add3A_454 = arith.constant 128 : i32
        %add3A_455 = vector.broadcast %add3A_454 : i32 to vector<16xi32>
        %add3A_456 = arith.addi %add3A_453, %add3A_455 : vector<16xi32>
        tpu.vector_store_idx %arg11[%add3A_456], %get3A_298 : memref<32256xf32, #tpu.memory_space<vmem>>[vector<16xi32>], vector<16xf32>,
        %add3A_457 = arith.constant 256 : i32
        %add3A_458 = vector.broadcast %add3A_457 : i32 to vector<16xi32>
        %add3A_459 = arith.addi %add3A_453, %add3A_458 : vector<16xi32>
        tpu.vector_store_idx %arg11[%add3A_459], %get3A_303 : memref<32256xf32, #tpu.memory_space<vmem>>[vector<16xi32>], vector<16xf32>,
        %add3A_460 = arith.constant 7056 : i32
        %add3A_461 = arith.addi %add3A_460, %scan3A_176 : i32
        %add3A_462 = vector.broadcast %add3A_461 : i32 to vector<16xi32>
        %add3A_463 = arith.addi %mul3A_3, %add3A_462 : vector<16xi32>
        tpu.vector_store_idx %arg10[%add3A_463], %get3A_306 : memref<8064xi32, #tpu.memory_space<vmem>>[vector<16xi32>], vector<16xi32>,
        %shift_right_arithmetic3A_464 = arith.constant 7 : i32
        %shift_right_arithmetic3A_465 = vector.broadcast %shift_right_arithmetic3A_464 : i32 to vector<16xi32>
        %shift_right_arithmetic3A_466 = arith.shrsi %add3A_463, %shift_right_arithmetic3A_465 : vector<16xi32>
        %shift_left3A_467 = arith.constant 9 : i32
        %shift_left3A_468 = vector.broadcast %shift_left3A_467 : i32 to vector<16xi32>
        %shift_left3A_469 = arith.shli %shift_right_arithmetic3A_466, %shift_left3A_468 : vector<16xi32>
        %and3A_470 = arith.constant 127 : i32
        %and3A_471 = vector.broadcast %and3A_470 : i32 to vector<16xi32>
        %and3A_472 = arith.andi %add3A_463, %and3A_471 : vector<16xi32>
        %add3A_473 = arith.addi %shift_left3A_469, %and3A_472 : vector<16xi32>
        tpu.vector_store_idx %arg11[%add3A_473], %get3A_311 : memref<32256xf32, #tpu.memory_space<vmem>>[vector<16xi32>], vector<16xf32>,
        %add3A_474 = arith.constant 128 : i32
        %add3A_475 = vector.broadcast %add3A_474 : i32 to vector<16xi32>
        %add3A_476 = arith.addi %add3A_473, %add3A_475 : vector<16xi32>
        tpu.vector_store_idx %arg11[%add3A_476], %get3A_316 : memref<32256xf32, #tpu.memory_space<vmem>>[vector<16xi32>], vector<16xf32>,
        %add3A_477 = arith.constant 256 : i32
        %add3A_478 = vector.broadcast %add3A_477 : i32 to vector<16xi32>
        %add3A_479 = arith.addi %add3A_473, %add3A_478 : vector<16xi32>
        tpu.vector_store_idx %arg11[%add3A_479], %get3A_321 : memref<32256xf32, #tpu.memory_space<vmem>>[vector<16xi32>], vector<16xf32>,
      }
      %scan3A_165 = arith.constant 63 : i32
      %lt3A_166 = arith.constant 390 : i32
      %lt3A_167 = arith.cmpi slt, %add3A_132, %lt3A_166 : i32
      %convert_element_type3A_168 = arith.extui %lt3A_167 : i1 to i32
      %cond3A_169 = arith.constant 0 : i32
      %cond3A_170 = arith.cmpi ne, %convert_element_type3A_168, %cond3A_169 : i32
      scf.if %cond3A_170 {
        %mul3A_176 = arith.constant 8064 : i32
        %mul3A_177 = arith.muli %add3A_132, %mul3A_176 : i32
        %mul3A_178 = arith.constant 63 : i32
        %mul3A_179 = arith.muli %add3A_132, %mul3A_178 : i32
        %mul3A_180 = arith.constant 512 : i32
        %mul3A_181 = arith.muli %mul3A_179, %mul3A_180 : i32
        %dma_start3A_182 = arith.constant 0 : i32
        %dma_start3A_183 = tpu.memref_slice %arg10[%dma_start3A_182] : memref<8064xi32, #tpu.memory_space<vmem>> -> memref<8064xi32, #tpu.memory_space<vmem>>
        %dma_start3A_184 = tpu.memref_slice %arg4[%mul3A_177] : memref<3150000xi32, #tpu.memory_space<hbm>> -> memref<8064xi32, #tpu.memory_space<hbm>>
        %dma_start3A_185 = tpu.memref_slice %arg4[%mul3A_177] : memref<3150000xi32, #tpu.memory_space<hbm>> -> memref<8064xi32, #tpu.memory_space<hbm>>
        %dma_start3A_186 = arith.constant 0 : i32
        %dma_start3A_187 = tpu.memref_slice %arg10[%dma_start3A_186] : memref<8064xi32, #tpu.memory_space<vmem>> -> memref<8064xi32, #tpu.memory_space<vmem>>
        tpu.enqueue_dma source(%dma_start3A_187 : memref<8064xi32, #tpu.memory_space<vmem>>) target(%dma_start3A_185 : memref<8064xi32, #tpu.memory_space<hbm>>) target_semaphore(%arg14 : memref<!tpu.dma_semaphore, #tpu.memory_space<semaphore_mem>>)
        %dma_start3A_188 = arith.constant 0 : i32
        %dma_start3A_189 = tpu.memref_slice %arg11[%dma_start3A_188] : memref<32256xf32, #tpu.memory_space<vmem>> -> memref<32256xf32, #tpu.memory_space<vmem>>
        %dma_start3A_190 = tpu.memref_slice %arg5[%mul3A_181] : memref<12600320xf32, #tpu.memory_space<hbm>> -> memref<32256xf32, #tpu.memory_space<hbm>>
        %dma_start3A_191 = tpu.memref_slice %arg5[%mul3A_181] : memref<12600320xf32, #tpu.memory_space<hbm>> -> memref<32256xf32, #tpu.memory_space<hbm>>
        %dma_start3A_192 = arith.constant 0 : i32
        %dma_start3A_193 = tpu.memref_slice %arg11[%dma_start3A_192] : memref<32256xf32, #tpu.memory_space<vmem>> -> memref<32256xf32, #tpu.memory_space<vmem>>
        tpu.enqueue_dma source(%dma_start3A_193 : memref<32256xf32, #tpu.memory_space<vmem>>) target(%dma_start3A_191 : memref<32256xf32, #tpu.memory_space<hbm>>) target_semaphore(%arg14 : memref<!tpu.dma_semaphore, #tpu.memory_space<semaphore_mem>>)
      } else {
      }
      %eq3A_171 = arith.constant 390 : i32
      %eq3A_172 = arith.cmpi eq, %add3A_132, %eq3A_171 : i32
      %convert_element_type3A_173 = arith.extui %eq3A_172 : i1 to i32
      %cond3A_174 = arith.constant 0 : i32
      %cond3A_175 = arith.cmpi ne, %convert_element_type3A_173, %cond3A_174 : i32
      scf.if %cond3A_175 {
        %mul3A_176 = arith.constant 8064 : i32
        %mul3A_177 = arith.muli %add3A_132, %mul3A_176 : i32
        %mul3A_178 = arith.constant 63 : i32
        %mul3A_179 = arith.muli %add3A_132, %mul3A_178 : i32
        %mul3A_180 = arith.constant 512 : i32
        %mul3A_181 = arith.muli %mul3A_179, %mul3A_180 : i32
        %dma_start3A_182 = arith.constant 0 : i32
        %dma_start3A_183 = tpu.memref_slice %arg10[%dma_start3A_182] : memref<8064xi32, #tpu.memory_space<vmem>> -> memref<5040xi32, #tpu.memory_space<vmem>>
        %dma_start3A_184 = tpu.memref_slice %arg4[%mul3A_177] : memref<3150000xi32, #tpu.memory_space<hbm>> -> memref<5040xi32, #tpu.memory_space<hbm>>
        %dma_start3A_185 = tpu.memref_slice %arg4[%mul3A_177] : memref<3150000xi32, #tpu.memory_space<hbm>> -> memref<5040xi32, #tpu.memory_space<hbm>>
        %dma_start3A_186 = arith.constant 0 : i32
        %dma_start3A_187 = tpu.memref_slice %arg10[%dma_start3A_186] : memref<8064xi32, #tpu.memory_space<vmem>> -> memref<5040xi32, #tpu.memory_space<vmem>>
        tpu.enqueue_dma source(%dma_start3A_187 : memref<5040xi32, #tpu.memory_space<vmem>>) target(%dma_start3A_185 : memref<5040xi32, #tpu.memory_space<hbm>>) target_semaphore(%arg14 : memref<!tpu.dma_semaphore, #tpu.memory_space<semaphore_mem>>)
        %dma_wait3A_188 = arith.constant 0 : i32
        %dma_wait3A_189 = tpu.memref_slice %arg10[%dma_wait3A_188] : memref<8064xi32, #tpu.memory_space<vmem>> -> memref<5040xi32, #tpu.memory_space<vmem>>
        %dma_wait3A_190 = tpu.memref_slice %arg4[%mul3A_177] : memref<3150000xi32, #tpu.memory_space<hbm>> -> memref<5040xi32, #tpu.memory_space<hbm>>
        %dma_wait3A_191 = tpu.memref_slice %arg4[%mul3A_177] : memref<3150000xi32, #tpu.memory_space<hbm>> -> memref<5040xi32, #tpu.memory_space<hbm>>
        %dma_wait3A_192 = arith.constant 0 : i32
        %dma_wait3A_193 = tpu.memref_slice %arg10[%dma_wait3A_192] : memref<8064xi32, #tpu.memory_space<vmem>> -> memref<5040xi32, #tpu.memory_space<vmem>>
        tpu.wait_dma2 semaphore(%arg14 : memref<!tpu.dma_semaphore, #tpu.memory_space<semaphore_mem>>) src(%dma_wait3A_193 : memref<5040xi32, #tpu.memory_space<vmem>>) dst(%dma_wait3A_191 : memref<5040xi32, #tpu.memory_space<hbm>>)
        %dma_start3A_194 = arith.constant 0 : i32
        %dma_start3A_195 = tpu.memref_slice %arg11[%dma_start3A_194] : memref<32256xf32, #tpu.memory_space<vmem>> -> memref<20480xf32, #tpu.memory_space<vmem>>
        %dma_start3A_196 = tpu.memref_slice %arg5[%mul3A_181] : memref<12600320xf32, #tpu.memory_space<hbm>> -> memref<20480xf32, #tpu.memory_space<hbm>>
        %dma_start3A_197 = tpu.memref_slice %arg5[%mul3A_181] : memref<12600320xf32, #tpu.memory_space<hbm>> -> memref<20480xf32, #tpu.memory_space<hbm>>
        %dma_start3A_198 = arith.constant 0 : i32
        %dma_start3A_199 = tpu.memref_slice %arg11[%dma_start3A_198] : memref<32256xf32, #tpu.memory_space<vmem>> -> memref<20480xf32, #tpu.memory_space<vmem>>
        tpu.enqueue_dma source(%dma_start3A_199 : memref<20480xf32, #tpu.memory_space<vmem>>) target(%dma_start3A_197 : memref<20480xf32, #tpu.memory_space<hbm>>) target_semaphore(%arg14 : memref<!tpu.dma_semaphore, #tpu.memory_space<semaphore_mem>>)
        %dma_wait3A_200 = arith.constant 0 : i32
        %dma_wait3A_201 = tpu.memref_slice %arg11[%dma_wait3A_200] : memref<32256xf32, #tpu.memory_space<vmem>> -> memref<20480xf32, #tpu.memory_space<vmem>>
        %dma_wait3A_202 = tpu.memref_slice %arg5[%mul3A_181] : memref<12600320xf32, #tpu.memory_space<hbm>> -> memref<20480xf32, #tpu.memory_space<hbm>>
        %dma_wait3A_203 = tpu.memref_slice %arg5[%mul3A_181] : memref<12600320xf32, #tpu.memory_space<hbm>> -> memref<20480xf32, #tpu.memory_space<hbm>>
        %dma_wait3A_204 = arith.constant 0 : i32
        %dma_wait3A_205 = tpu.memref_slice %arg11[%dma_wait3A_204] : memref<32256xf32, #tpu.memory_space<vmem>> -> memref<20480xf32, #tpu.memory_space<vmem>>
        tpu.wait_dma2 semaphore(%arg14 : memref<!tpu.dma_semaphore, #tpu.memory_space<semaphore_mem>>) src(%dma_wait3A_205 : memref<20480xf32, #tpu.memory_space<vmem>>) dst(%dma_wait3A_203 : memref<20480xf32, #tpu.memory_space<hbm>>)
      } else {
      }
    }
    %rem3A_72 = arith.constant 2 : i32
    %rem3A_73 = arith.remsi %select_n3A, %rem3A_72 : i32
    %eq3A = arith.constant 1 : i32
    %eq3A_74 = arith.cmpi eq, %rem3A_73, %eq3A : i32
    %convert_element_type3A = arith.extui %eq3A_74 : i1 to i32
    %cond3A = arith.constant 0 : i32
    %cond3A_75 = arith.cmpi ne, %convert_element_type3A, %cond3A : i32
    scf.if %cond3A_75 {
      %sub3A_81 = arith.constant 1 : i32
      %sub3A_82 = arith.subi %select_n3A, %sub3A_81 : i32
      %mul3A_83 = arith.constant 32 : i32
      %mul3A_84 = arith.muli %sub3A_82, %mul3A_83 : i32
      %add3A_85 = arith.addi %add3A, %mul3A_84 : i32
      %mul3A_86 = arith.constant 128 : i32
      %mul3A_87 = arith.muli %add3A_85, %mul3A_86 : i32
      %add3A_88 = arith.constant 1 : i32
      %add3A_89 = arith.addi %sub3A_82, %add3A_88 : i32
      %lt3A = arith.cmpi slt, %add3A_89, %select_n3A : i32
      %convert_element_type3A_90 = arith.extui %lt3A : i1 to i32
      %cond3A_91 = arith.constant 0 : i32
      %cond3A_92 = arith.cmpi ne, %convert_element_type3A_90, %cond3A_91 : i32
      scf.if %cond3A_92 {
        %add3A_125 = arith.constant 32 : i32
        %add3A_126 = arith.addi %add3A_85, %add3A_125 : i32
        %mul3A_127 = arith.constant 128 : i32
        %mul3A_128 = arith.muli %add3A_126, %mul3A_127 : i32
        %dma_start3A_129 = arith.constant 0 : i32
        %dma_start3A_130 = tpu.memref_slice %arg2[%dma_start3A_129, %mul3A_128] : memref<64x50000xi32, #tpu.memory_space<hbm>> -> memref<64x128xi32, #tpu.memory_space<hbm>>
        %dma_start3A_131 = arith.constant 0 : i32
        %dma_start3A_132 = tpu.memref_slice %arg2[%dma_start3A_131, %mul3A_128] : memref<64x50000xi32, #tpu.memory_space<hbm>> -> memref<64x128xi32, #tpu.memory_space<hbm>>
        tpu.enqueue_dma source(%dma_start3A_132 : memref<64x128xi32, #tpu.memory_space<hbm>>) target(%arg7 : memref<64x128xi32, #tpu.memory_space<vmem>>) target_semaphore(%arg13 : memref<!tpu.dma_semaphore, #tpu.memory_space<semaphore_mem>>)
        %mul3A_133 = arith.constant 128 : i32
        %mul3A_134 = arith.muli %add3A_126, %mul3A_133 : i32
        %dma_start3A_135 = arith.constant 0 : i32
        %dma_start3A_136 = arith.constant 0 : i32
        %dma_start3A_137 = tpu.memref_slice %arg3[%dma_start3A_135, %dma_start3A_136, %mul3A_134] : memref<3x64x50000xf32, #tpu.memory_space<hbm>> -> memref<3x64x128xf32, #tpu.memory_space<hbm>>
        %dma_start3A_138 = arith.constant 0 : i32
        %dma_start3A_139 = arith.constant 0 : i32
        %dma_start3A_140 = tpu.memref_slice %arg3[%dma_start3A_138, %dma_start3A_139, %mul3A_134] : memref<3x64x50000xf32, #tpu.memory_space<hbm>> -> memref<3x64x128xf32, #tpu.memory_space<hbm>>
        tpu.enqueue_dma source(%dma_start3A_140 : memref<3x64x128xf32, #tpu.memory_space<hbm>>) target(%arg9 : memref<3x64x128xf32, #tpu.memory_space<vmem>>) target_semaphore(%arg13 : memref<!tpu.dma_semaphore, #tpu.memory_space<semaphore_mem>>)
      } else {
      }
      %gt3A = arith.constant 0 : i32
      %gt3A_93 = arith.cmpi sgt, %sub3A_82, %gt3A : i32
      %convert_element_type3A_94 = arith.extui %gt3A_93 : i1 to i32
      %cond3A_95 = arith.constant 0 : i32
      %cond3A_96 = arith.cmpi ne, %convert_element_type3A_94, %cond3A_95 : i32
      scf.if %cond3A_96 {
        %mul3A_125 = arith.constant 8064 : i32
        %mul3A_126 = arith.muli %add3A_85, %mul3A_125 : i32
        %mul3A_127 = arith.constant 63 : i32
        %mul3A_128 = arith.muli %add3A_85, %mul3A_127 : i32
        %mul3A_129 = arith.constant 512 : i32
        %mul3A_130 = arith.muli %mul3A_128, %mul3A_129 : i32
        %dma_wait3A_131 = arith.constant 0 : i32
        %dma_wait3A_132 = tpu.memref_slice %arg10[%dma_wait3A_131] : memref<8064xi32, #tpu.memory_space<vmem>> -> memref<8064xi32, #tpu.memory_space<vmem>>
        %dma_wait3A_133 = tpu.memref_slice %arg4[%mul3A_126] : memref<3150000xi32, #tpu.memory_space<hbm>> -> memref<8064xi32, #tpu.memory_space<hbm>>
        %dma_wait3A_134 = tpu.memref_slice %arg4[%mul3A_126] : memref<3150000xi32, #tpu.memory_space<hbm>> -> memref<8064xi32, #tpu.memory_space<hbm>>
        %dma_wait3A_135 = arith.constant 0 : i32
        %dma_wait3A_136 = tpu.memref_slice %arg10[%dma_wait3A_135] : memref<8064xi32, #tpu.memory_space<vmem>> -> memref<8064xi32, #tpu.memory_space<vmem>>
        tpu.wait_dma2 semaphore(%arg14 : memref<!tpu.dma_semaphore, #tpu.memory_space<semaphore_mem>>) src(%dma_wait3A_136 : memref<8064xi32, #tpu.memory_space<vmem>>) dst(%dma_wait3A_134 : memref<8064xi32, #tpu.memory_space<hbm>>)
        %dma_wait3A_137 = arith.constant 0 : i32
        %dma_wait3A_138 = tpu.memref_slice %arg11[%dma_wait3A_137] : memref<32256xf32, #tpu.memory_space<vmem>> -> memref<32256xf32, #tpu.memory_space<vmem>>
        %dma_wait3A_139 = tpu.memref_slice %arg5[%mul3A_130] : memref<12600320xf32, #tpu.memory_space<hbm>> -> memref<32256xf32, #tpu.memory_space<hbm>>
        %dma_wait3A_140 = tpu.memref_slice %arg5[%mul3A_130] : memref<12600320xf32, #tpu.memory_space<hbm>> -> memref<32256xf32, #tpu.memory_space<hbm>>
        %dma_wait3A_141 = arith.constant 0 : i32
        %dma_wait3A_142 = tpu.memref_slice %arg11[%dma_wait3A_141] : memref<32256xf32, #tpu.memory_space<vmem>> -> memref<32256xf32, #tpu.memory_space<vmem>>
        tpu.wait_dma2 semaphore(%arg14 : memref<!tpu.dma_semaphore, #tpu.memory_space<semaphore_mem>>) src(%dma_wait3A_142 : memref<32256xf32, #tpu.memory_space<vmem>>) dst(%dma_wait3A_140 : memref<32256xf32, #tpu.memory_space<hbm>>)
      } else {
      }
      %mul3A_97 = arith.constant 128 : i32
      %mul3A_98 = arith.muli %add3A_85, %mul3A_97 : i32
      %dma_wait3A = arith.constant 0 : i32
      %dma_wait3A_99 = tpu.memref_slice %arg2[%dma_wait3A, %mul3A_98] : memref<64x50000xi32, #tpu.memory_space<hbm>> -> memref<64x128xi32, #tpu.memory_space<hbm>>
      %dma_wait3A_100 = arith.constant 0 : i32
      %dma_wait3A_101 = tpu.memref_slice %arg2[%dma_wait3A_100, %mul3A_98] : memref<64x50000xi32, #tpu.memory_space<hbm>> -> memref<64x128xi32, #tpu.memory_space<hbm>>
      tpu.wait_dma2 semaphore(%arg12 : memref<!tpu.dma_semaphore, #tpu.memory_space<semaphore_mem>>) src(%dma_wait3A_101 : memref<64x128xi32, #tpu.memory_space<hbm>>) dst(%arg6 : memref<64x128xi32, #tpu.memory_space<vmem>>)
      %mul3A_102 = arith.constant 128 : i32
      %mul3A_103 = arith.muli %add3A_85, %mul3A_102 : i32
      %dma_wait3A_104 = arith.constant 0 : i32
      %dma_wait3A_105 = arith.constant 0 : i32
      %dma_wait3A_106 = tpu.memref_slice %arg3[%dma_wait3A_104, %dma_wait3A_105, %mul3A_103] : memref<3x64x50000xf32, #tpu.memory_space<hbm>> -> memref<3x64x128xf32, #tpu.memory_space<hbm>>
      %dma_wait3A_107 = arith.constant 0 : i32
      %dma_wait3A_108 = arith.constant 0 : i32
      %dma_wait3A_109 = tpu.memref_slice %arg3[%dma_wait3A_107, %dma_wait3A_108, %mul3A_103] : memref<3x64x50000xf32, #tpu.memory_space<hbm>> -> memref<3x64x128xf32, #tpu.memory_space<hbm>>
      tpu.wait_dma2 semaphore(%arg12 : memref<!tpu.dma_semaphore, #tpu.memory_space<semaphore_mem>>) src(%dma_wait3A_109 : memref<3x64x128xf32, #tpu.memory_space<hbm>>) dst(%arg8 : memref<3x64x128xf32, #tpu.memory_space<vmem>>)
      %scan3A = arith.constant 0 : i32
      %scan3A_110 = arith.constant 0 : i32
      %scan3A_111 = arith.constant 63 : i32
      %scan3A_112 = arith.addi %scan3A_110, %scan3A_111 : i32
      %scan3A_113 = arith.constant 1 : i32
      scf.for %scan3A_125 = %scan3A_110 to %scan3A_112 step %scan3A_113  : i32 {
        %add3A_126 = arith.constant 1 : i32
        %add3A_127 = arith.addi %scan3A_125, %add3A_126 : i32
        %get3A = arith.index_cast %add3A_127 : i32 to index
        %get3A_128 = arith.constant 0 : index
        %get3A_129 = tpu.vector_load %arg6[%get3A, %get3A_128] {strides = array<i32>} : memref<64x128xi32, #tpu.memory_space<vmem>>, vector<16xi32>,
        %get3A_130 = arith.constant 0 : i32
        %get3A_131 = arith.index_cast %get3A_130 : i32 to index
        %get3A_132 = arith.index_cast %add3A_127 : i32 to index
        %get3A_133 = arith.constant 0 : index
        %get3A_134 = tpu.vector_load %arg8[%get3A_131, %get3A_132, %get3A_133] {strides = array<i32>} : memref<3x64x128xf32, #tpu.memory_space<vmem>>, vector<16xf32>,
        %get3A_135 = arith.constant 1 : i32
        %get3A_136 = arith.index_cast %get3A_135 : i32 to index
        %get3A_137 = arith.index_cast %add3A_127 : i32 to index
        %get3A_138 = arith.constant 0 : index
        %get3A_139 = tpu.vector_load %arg8[%get3A_136, %get3A_137, %get3A_138] {strides = array<i32>} : memref<3x64x128xf32, #tpu.memory_space<vmem>>, vector<16xf32>,
        %get3A_140 = arith.constant 2 : i32
        %get3A_141 = arith.index_cast %get3A_140 : i32 to index
        %get3A_142 = arith.index_cast %add3A_127 : i32 to index
        %get3A_143 = arith.constant 0 : index
        %get3A_144 = tpu.vector_load %arg8[%get3A_141, %get3A_142, %get3A_143] {strides = array<i32>} : memref<3x64x128xf32, #tpu.memory_space<vmem>>, vector<16xf32>,
        %get3A_145 = arith.index_cast %add3A_127 : i32 to index
        %get3A_146 = arith.constant 16 : index
        %get3A_147 = tpu.vector_load %arg6[%get3A_145, %get3A_146] {strides = array<i32>} : memref<64x128xi32, #tpu.memory_space<vmem>>, vector<16xi32>,
        %get3A_148 = arith.constant 0 : i32
        %get3A_149 = arith.index_cast %get3A_148 : i32 to index
        %get3A_150 = arith.index_cast %add3A_127 : i32 to index
        %get3A_151 = arith.constant 16 : index
        %get3A_152 = tpu.vector_load %arg8[%get3A_149, %get3A_150, %get3A_151] {strides = array<i32>} : memref<3x64x128xf32, #tpu.memory_space<vmem>>, vector<16xf32>,
        %get3A_153 = arith.constant 1 : i32
        %get3A_154 = arith.index_cast %get3A_153 : i32 to index
        %get3A_155 = arith.index_cast %add3A_127 : i32 to index
        %get3A_156 = arith.constant 16 : index
        %get3A_157 = tpu.vector_load %arg8[%get3A_154, %get3A_155, %get3A_156] {strides = array<i32>} : memref<3x64x128xf32, #tpu.memory_space<vmem>>, vector<16xf32>,
        %get3A_158 = arith.constant 2 : i32
        %get3A_159 = arith.index_cast %get3A_158 : i32 to index
        %get3A_160 = arith.index_cast %add3A_127 : i32 to index
        %get3A_161 = arith.constant 16 : index
        %get3A_162 = tpu.vector_load %arg8[%get3A_159, %get3A_160, %get3A_161] {strides = array<i32>} : memref<3x64x128xf32, #tpu.memory_space<vmem>>, vector<16xf32>,
        %get3A_163 = arith.index_cast %add3A_127 : i32 to index
        %get3A_164 = arith.constant 32 : index
        %get3A_165 = tpu.vector_load %arg6[%get3A_163, %get3A_164] {strides = array<i32>} : memref<64x128xi32, #tpu.memory_space<vmem>>, vector<16xi32>,
        %get3A_166 = arith.constant 0 : i32
        %get3A_167 = arith.index_cast %get3A_166 : i32 to index
        %get3A_168 = arith.index_cast %add3A_127 : i32 to index
        %get3A_169 = arith.constant 32 : index
        %get3A_170 = tpu.vector_load %arg8[%get3A_167, %get3A_168, %get3A_169] {strides = array<i32>} : memref<3x64x128xf32, #tpu.memory_space<vmem>>, vector<16xf32>,
        %get3A_171 = arith.constant 1 : i32
        %get3A_172 = arith.index_cast %get3A_171 : i32 to index
        %get3A_173 = arith.index_cast %add3A_127 : i32 to index
        %get3A_174 = arith.constant 32 : index
        %get3A_175 = tpu.vector_load %arg8[%get3A_172, %get3A_173, %get3A_174] {strides = array<i32>} : memref<3x64x128xf32, #tpu.memory_space<vmem>>, vector<16xf32>,
        %get3A_176 = arith.constant 2 : i32
        %get3A_177 = arith.index_cast %get3A_176 : i32 to index
        %get3A_178 = arith.index_cast %add3A_127 : i32 to index
        %get3A_179 = arith.constant 32 : index
        %get3A_180 = tpu.vector_load %arg8[%get3A_177, %get3A_178, %get3A_179] {strides = array<i32>} : memref<3x64x128xf32, #tpu.memory_space<vmem>>, vector<16xf32>,
        %get3A_181 = arith.index_cast %add3A_127 : i32 to index
        %get3A_182 = arith.constant 48 : index
        %get3A_183 = tpu.vector_load %arg6[%get3A_181, %get3A_182] {strides = array<i32>} : memref<64x128xi32, #tpu.memory_space<vmem>>, vector<16xi32>,
        %get3A_184 = arith.constant 0 : i32
        %get3A_185 = arith.index_cast %get3A_184 : i32 to index
        %get3A_186 = arith.index_cast %add3A_127 : i32 to index
        %get3A_187 = arith.constant 48 : index
        %get3A_188 = tpu.vector_load %arg8[%get3A_185, %get3A_186, %get3A_187] {strides = array<i32>} : memref<3x64x128xf32, #tpu.memory_space<vmem>>, vector<16xf32>,
        %get3A_189 = arith.constant 1 : i32
        %get3A_190 = arith.index_cast %get3A_189 : i32 to index
        %get3A_191 = arith.index_cast %add3A_127 : i32 to index
        %get3A_192 = arith.constant 48 : index
        %get3A_193 = tpu.vector_load %arg8[%get3A_190, %get3A_191, %get3A_192] {strides = array<i32>} : memref<3x64x128xf32, #tpu.memory_space<vmem>>, vector<16xf32>,
        %get3A_194 = arith.constant 2 : i32
        %get3A_195 = arith.index_cast %get3A_194 : i32 to index
        %get3A_196 = arith.index_cast %add3A_127 : i32 to index
        %get3A_197 = arith.constant 48 : index
        %get3A_198 = tpu.vector_load %arg8[%get3A_195, %get3A_196, %get3A_197] {strides = array<i32>} : memref<3x64x128xf32, #tpu.memory_space<vmem>>, vector<16xf32>,
        %get3A_199 = arith.index_cast %add3A_127 : i32 to index
        %get3A_200 = arith.constant 64 : index
        %get3A_201 = tpu.vector_load %arg6[%get3A_199, %get3A_200] {strides = array<i32>} : memref<64x128xi32, #tpu.memory_space<vmem>>, vector<16xi32>,
        %get3A_202 = arith.constant 0 : i32
        %get3A_203 = arith.index_cast %get3A_202 : i32 to index
        %get3A_204 = arith.index_cast %add3A_127 : i32 to index
        %get3A_205 = arith.constant 64 : index
        %get3A_206 = tpu.vector_load %arg8[%get3A_203, %get3A_204, %get3A_205] {strides = array<i32>} : memref<3x64x128xf32, #tpu.memory_space<vmem>>, vector<16xf32>,
        %get3A_207 = arith.constant 1 : i32
        %get3A_208 = arith.index_cast %get3A_207 : i32 to index
        %get3A_209 = arith.index_cast %add3A_127 : i32 to index
        %get3A_210 = arith.constant 64 : index
        %get3A_211 = tpu.vector_load %arg8[%get3A_208, %get3A_209, %get3A_210] {strides = array<i32>} : memref<3x64x128xf32, #tpu.memory_space<vmem>>, vector<16xf32>,
        %get3A_212 = arith.constant 2 : i32
        %get3A_213 = arith.index_cast %get3A_212 : i32 to index
        %get3A_214 = arith.index_cast %add3A_127 : i32 to index
        %get3A_215 = arith.constant 64 : index
        %get3A_216 = tpu.vector_load %arg8[%get3A_213, %get3A_214, %get3A_215] {strides = array<i32>} : memref<3x64x128xf32, #tpu.memory_space<vmem>>, vector<16xf32>,
        %get3A_217 = arith.index_cast %add3A_127 : i32 to index
        %get3A_218 = arith.constant 80 : index
        %get3A_219 = tpu.vector_load %arg6[%get3A_217, %get3A_218] {strides = array<i32>} : memref<64x128xi32, #tpu.memory_space<vmem>>, vector<16xi32>,
        %get3A_220 = arith.constant 0 : i32
        %get3A_221 = arith.index_cast %get3A_220 : i32 to index
        %get3A_222 = arith.index_cast %add3A_127 : i32 to index
        %get3A_223 = arith.constant 80 : index
        %get3A_224 = tpu.vector_load %arg8[%get3A_221, %get3A_222, %get3A_223] {strides = array<i32>} : memref<3x64x128xf32, #tpu.memory_space<vmem>>, vector<16xf32>,
        %get3A_225 = arith.constant 1 : i32
        %get3A_226 = arith.index_cast %get3A_225 : i32 to index
        %get3A_227 = arith.index_cast %add3A_127 : i32 to index
        %get3A_228 = arith.constant 80 : index
        %get3A_229 = tpu.vector_load %arg8[%get3A_226, %get3A_227, %get3A_228] {strides = array<i32>} : memref<3x64x128xf32, #tpu.memory_space<vmem>>, vector<16xf32>,
        %get3A_230 = arith.constant 2 : i32
        %get3A_231 = arith.index_cast %get3A_230 : i32 to index
        %get3A_232 = arith.index_cast %add3A_127 : i32 to index
        %get3A_233 = arith.constant 80 : index
        %get3A_234 = tpu.vector_load %arg8[%get3A_231, %get3A_232, %get3A_233] {strides = array<i32>} : memref<3x64x128xf32, #tpu.memory_space<vmem>>, vector<16xf32>,
        %get3A_235 = arith.index_cast %add3A_127 : i32 to index
        %get3A_236 = arith.constant 96 : index
        %get3A_237 = tpu.vector_load %arg6[%get3A_235, %get3A_236] {strides = array<i32>} : memref<64x128xi32, #tpu.memory_space<vmem>>, vector<16xi32>,
        %get3A_238 = arith.constant 0 : i32
        %get3A_239 = arith.index_cast %get3A_238 : i32 to index
        %get3A_240 = arith.index_cast %add3A_127 : i32 to index
        %get3A_241 = arith.constant 96 : index
        %get3A_242 = tpu.vector_load %arg8[%get3A_239, %get3A_240, %get3A_241] {strides = array<i32>} : memref<3x64x128xf32, #tpu.memory_space<vmem>>, vector<16xf32>,
        %get3A_243 = arith.constant 1 : i32
        %get3A_244 = arith.index_cast %get3A_243 : i32 to index
        %get3A_245 = arith.index_cast %add3A_127 : i32 to index
        %get3A_246 = arith.constant 96 : index
        %get3A_247 = tpu.vector_load %arg8[%get3A_244, %get3A_245, %get3A_246] {strides = array<i32>} : memref<3x64x128xf32, #tpu.memory_space<vmem>>, vector<16xf32>,
        %get3A_248 = arith.constant 2 : i32
        %get3A_249 = arith.index_cast %get3A_248 : i32 to index
        %get3A_250 = arith.index_cast %add3A_127 : i32 to index
        %get3A_251 = arith.constant 96 : index
        %get3A_252 = tpu.vector_load %arg8[%get3A_249, %get3A_250, %get3A_251] {strides = array<i32>} : memref<3x64x128xf32, #tpu.memory_space<vmem>>, vector<16xf32>,
        %get3A_253 = arith.index_cast %add3A_127 : i32 to index
        %get3A_254 = arith.constant 112 : index
        %get3A_255 = tpu.vector_load %arg6[%get3A_253, %get3A_254] {strides = array<i32>} : memref<64x128xi32, #tpu.memory_space<vmem>>, vector<16xi32>,
        %get3A_256 = arith.constant 0 : i32
        %get3A_257 = arith.index_cast %get3A_256 : i32 to index
        %get3A_258 = arith.index_cast %add3A_127 : i32 to index
        %get3A_259 = arith.constant 112 : index
        %get3A_260 = tpu.vector_load %arg8[%get3A_257, %get3A_258, %get3A_259] {strides = array<i32>} : memref<3x64x128xf32, #tpu.memory_space<vmem>>, vector<16xf32>,
        %get3A_261 = arith.constant 1 : i32
        %get3A_262 = arith.index_cast %get3A_261 : i32 to index
        %get3A_263 = arith.index_cast %add3A_127 : i32 to index
        %get3A_264 = arith.constant 112 : index
        %get3A_265 = tpu.vector_load %arg8[%get3A_262, %get3A_263, %get3A_264] {strides = array<i32>} : memref<3x64x128xf32, #tpu.memory_space<vmem>>, vector<16xf32>,
        %get3A_266 = arith.constant 2 : i32
        %get3A_267 = arith.index_cast %get3A_266 : i32 to index
        %get3A_268 = arith.index_cast %add3A_127 : i32 to index
        %get3A_269 = arith.constant 112 : index
        %get3A_270 = tpu.vector_load %arg8[%get3A_267, %get3A_268, %get3A_269] {strides = array<i32>} : memref<3x64x128xf32, #tpu.memory_space<vmem>>, vector<16xf32>,
        %add3A_271 = arith.constant 0 : i32
        %add3A_272 = arith.addi %add3A_271, %scan3A_125 : i32
        %add3A_273 = vector.broadcast %add3A_272 : i32 to vector<16xi32>
        %add3A_274 = arith.addi %mul3A_3, %add3A_273 : vector<16xi32>
        tpu.vector_store_idx %arg10[%add3A_274], %get3A_129 : memref<8064xi32, #tpu.memory_space<vmem>>[vector<16xi32>], vector<16xi32>,
        %shift_right_arithmetic3A = arith.constant 7 : i32
        %shift_right_arithmetic3A_275 = vector.broadcast %shift_right_arithmetic3A : i32 to vector<16xi32>
        %shift_right_arithmetic3A_276 = arith.shrsi %add3A_274, %shift_right_arithmetic3A_275 : vector<16xi32>
        %shift_left3A = arith.constant 9 : i32
        %shift_left3A_277 = vector.broadcast %shift_left3A : i32 to vector<16xi32>
        %shift_left3A_278 = arith.shli %shift_right_arithmetic3A_276, %shift_left3A_277 : vector<16xi32>
        %and3A_279 = arith.constant 127 : i32
        %and3A_280 = vector.broadcast %and3A_279 : i32 to vector<16xi32>
        %and3A_281 = arith.andi %add3A_274, %and3A_280 : vector<16xi32>
        %add3A_282 = arith.addi %shift_left3A_278, %and3A_281 : vector<16xi32>
        tpu.vector_store_idx %arg11[%add3A_282], %get3A_134 : memref<32256xf32, #tpu.memory_space<vmem>>[vector<16xi32>], vector<16xf32>,
        %add3A_283 = arith.constant 128 : i32
        %add3A_284 = vector.broadcast %add3A_283 : i32 to vector<16xi32>
        %add3A_285 = arith.addi %add3A_282, %add3A_284 : vector<16xi32>
        tpu.vector_store_idx %arg11[%add3A_285], %get3A_139 : memref<32256xf32, #tpu.memory_space<vmem>>[vector<16xi32>], vector<16xf32>,
        %add3A_286 = arith.constant 256 : i32
        %add3A_287 = vector.broadcast %add3A_286 : i32 to vector<16xi32>
        %add3A_288 = arith.addi %add3A_282, %add3A_287 : vector<16xi32>
        tpu.vector_store_idx %arg11[%add3A_288], %get3A_144 : memref<32256xf32, #tpu.memory_space<vmem>>[vector<16xi32>], vector<16xf32>,
        %add3A_289 = arith.constant 1008 : i32
        %add3A_290 = arith.addi %add3A_289, %scan3A_125 : i32
        %add3A_291 = vector.broadcast %add3A_290 : i32 to vector<16xi32>
        %add3A_292 = arith.addi %mul3A_3, %add3A_291 : vector<16xi32>
        tpu.vector_store_idx %arg10[%add3A_292], %get3A_147 : memref<8064xi32, #tpu.memory_space<vmem>>[vector<16xi32>], vector<16xi32>,
        %shift_right_arithmetic3A_293 = arith.constant 7 : i32
        %shift_right_arithmetic3A_294 = vector.broadcast %shift_right_arithmetic3A_293 : i32 to vector<16xi32>
        %shift_right_arithmetic3A_295 = arith.shrsi %add3A_292, %shift_right_arithmetic3A_294 : vector<16xi32>
        %shift_left3A_296 = arith.constant 9 : i32
        %shift_left3A_297 = vector.broadcast %shift_left3A_296 : i32 to vector<16xi32>
        %shift_left3A_298 = arith.shli %shift_right_arithmetic3A_295, %shift_left3A_297 : vector<16xi32>
        %and3A_299 = arith.constant 127 : i32
        %and3A_300 = vector.broadcast %and3A_299 : i32 to vector<16xi32>
        %and3A_301 = arith.andi %add3A_292, %and3A_300 : vector<16xi32>
        %add3A_302 = arith.addi %shift_left3A_298, %and3A_301 : vector<16xi32>
        tpu.vector_store_idx %arg11[%add3A_302], %get3A_152 : memref<32256xf32, #tpu.memory_space<vmem>>[vector<16xi32>], vector<16xf32>,
        %add3A_303 = arith.constant 128 : i32
        %add3A_304 = vector.broadcast %add3A_303 : i32 to vector<16xi32>
        %add3A_305 = arith.addi %add3A_302, %add3A_304 : vector<16xi32>
        tpu.vector_store_idx %arg11[%add3A_305], %get3A_157 : memref<32256xf32, #tpu.memory_space<vmem>>[vector<16xi32>], vector<16xf32>,
        %add3A_306 = arith.constant 256 : i32
        %add3A_307 = vector.broadcast %add3A_306 : i32 to vector<16xi32>
        %add3A_308 = arith.addi %add3A_302, %add3A_307 : vector<16xi32>
        tpu.vector_store_idx %arg11[%add3A_308], %get3A_162 : memref<32256xf32, #tpu.memory_space<vmem>>[vector<16xi32>], vector<16xf32>,
        %add3A_309 = arith.constant 2016 : i32
        %add3A_310 = arith.addi %add3A_309, %scan3A_125 : i32
        %add3A_311 = vector.broadcast %add3A_310 : i32 to vector<16xi32>
        %add3A_312 = arith.addi %mul3A_3, %add3A_311 : vector<16xi32>
        tpu.vector_store_idx %arg10[%add3A_312], %get3A_165 : memref<8064xi32, #tpu.memory_space<vmem>>[vector<16xi32>], vector<16xi32>,
        %shift_right_arithmetic3A_313 = arith.constant 7 : i32
        %shift_right_arithmetic3A_314 = vector.broadcast %shift_right_arithmetic3A_313 : i32 to vector<16xi32>
        %shift_right_arithmetic3A_315 = arith.shrsi %add3A_312, %shift_right_arithmetic3A_314 : vector<16xi32>
        %shift_left3A_316 = arith.constant 9 : i32
        %shift_left3A_317 = vector.broadcast %shift_left3A_316 : i32 to vector<16xi32>
        %shift_left3A_318 = arith.shli %shift_right_arithmetic3A_315, %shift_left3A_317 : vector<16xi32>
        %and3A_319 = arith.constant 127 : i32
        %and3A_320 = vector.broadcast %and3A_319 : i32 to vector<16xi32>
        %and3A_321 = arith.andi %add3A_312, %and3A_320 : vector<16xi32>
        %add3A_322 = arith.addi %shift_left3A_318, %and3A_321 : vector<16xi32>
        tpu.vector_store_idx %arg11[%add3A_322], %get3A_170 : memref<32256xf32, #tpu.memory_space<vmem>>[vector<16xi32>], vector<16xf32>,
        %add3A_323 = arith.constant 128 : i32
        %add3A_324 = vector.broadcast %add3A_323 : i32 to vector<16xi32>
        %add3A_325 = arith.addi %add3A_322, %add3A_324 : vector<16xi32>
        tpu.vector_store_idx %arg11[%add3A_325], %get3A_175 : memref<32256xf32, #tpu.memory_space<vmem>>[vector<16xi32>], vector<16xf32>,
        %add3A_326 = arith.constant 256 : i32
        %add3A_327 = vector.broadcast %add3A_326 : i32 to vector<16xi32>
        %add3A_328 = arith.addi %add3A_322, %add3A_327 : vector<16xi32>
        tpu.vector_store_idx %arg11[%add3A_328], %get3A_180 : memref<32256xf32, #tpu.memory_space<vmem>>[vector<16xi32>], vector<16xf32>,
        %add3A_329 = arith.constant 3024 : i32
        %add3A_330 = arith.addi %add3A_329, %scan3A_125 : i32
        %add3A_331 = vector.broadcast %add3A_330 : i32 to vector<16xi32>
        %add3A_332 = arith.addi %mul3A_3, %add3A_331 : vector<16xi32>
        tpu.vector_store_idx %arg10[%add3A_332], %get3A_183 : memref<8064xi32, #tpu.memory_space<vmem>>[vector<16xi32>], vector<16xi32>,
        %shift_right_arithmetic3A_333 = arith.constant 7 : i32
        %shift_right_arithmetic3A_334 = vector.broadcast %shift_right_arithmetic3A_333 : i32 to vector<16xi32>
        %shift_right_arithmetic3A_335 = arith.shrsi %add3A_332, %shift_right_arithmetic3A_334 : vector<16xi32>
        %shift_left3A_336 = arith.constant 9 : i32
        %shift_left3A_337 = vector.broadcast %shift_left3A_336 : i32 to vector<16xi32>
        %shift_left3A_338 = arith.shli %shift_right_arithmetic3A_335, %shift_left3A_337 : vector<16xi32>
        %and3A_339 = arith.constant 127 : i32
        %and3A_340 = vector.broadcast %and3A_339 : i32 to vector<16xi32>
        %and3A_341 = arith.andi %add3A_332, %and3A_340 : vector<16xi32>
        %add3A_342 = arith.addi %shift_left3A_338, %and3A_341 : vector<16xi32>
        tpu.vector_store_idx %arg11[%add3A_342], %get3A_188 : memref<32256xf32, #tpu.memory_space<vmem>>[vector<16xi32>], vector<16xf32>,
        %add3A_343 = arith.constant 128 : i32
        %add3A_344 = vector.broadcast %add3A_343 : i32 to vector<16xi32>
        %add3A_345 = arith.addi %add3A_342, %add3A_344 : vector<16xi32>
        tpu.vector_store_idx %arg11[%add3A_345], %get3A_193 : memref<32256xf32, #tpu.memory_space<vmem>>[vector<16xi32>], vector<16xf32>,
        %add3A_346 = arith.constant 256 : i32
        %add3A_347 = vector.broadcast %add3A_346 : i32 to vector<16xi32>
        %add3A_348 = arith.addi %add3A_342, %add3A_347 : vector<16xi32>
        tpu.vector_store_idx %arg11[%add3A_348], %get3A_198 : memref<32256xf32, #tpu.memory_space<vmem>>[vector<16xi32>], vector<16xf32>,
        %add3A_349 = arith.constant 4032 : i32
        %add3A_350 = arith.addi %add3A_349, %scan3A_125 : i32
        %add3A_351 = vector.broadcast %add3A_350 : i32 to vector<16xi32>
        %add3A_352 = arith.addi %mul3A_3, %add3A_351 : vector<16xi32>
        tpu.vector_store_idx %arg10[%add3A_352], %get3A_201 : memref<8064xi32, #tpu.memory_space<vmem>>[vector<16xi32>], vector<16xi32>,
        %shift_right_arithmetic3A_353 = arith.constant 7 : i32
        %shift_right_arithmetic3A_354 = vector.broadcast %shift_right_arithmetic3A_353 : i32 to vector<16xi32>
        %shift_right_arithmetic3A_355 = arith.shrsi %add3A_352, %shift_right_arithmetic3A_354 : vector<16xi32>
        %shift_left3A_356 = arith.constant 9 : i32
        %shift_left3A_357 = vector.broadcast %shift_left3A_356 : i32 to vector<16xi32>
        %shift_left3A_358 = arith.shli %shift_right_arithmetic3A_355, %shift_left3A_357 : vector<16xi32>
        %and3A_359 = arith.constant 127 : i32
        %and3A_360 = vector.broadcast %and3A_359 : i32 to vector<16xi32>
        %and3A_361 = arith.andi %add3A_352, %and3A_360 : vector<16xi32>
        %add3A_362 = arith.addi %shift_left3A_358, %and3A_361 : vector<16xi32>
        tpu.vector_store_idx %arg11[%add3A_362], %get3A_206 : memref<32256xf32, #tpu.memory_space<vmem>>[vector<16xi32>], vector<16xf32>,
        %add3A_363 = arith.constant 128 : i32
        %add3A_364 = vector.broadcast %add3A_363 : i32 to vector<16xi32>
        %add3A_365 = arith.addi %add3A_362, %add3A_364 : vector<16xi32>
        tpu.vector_store_idx %arg11[%add3A_365], %get3A_211 : memref<32256xf32, #tpu.memory_space<vmem>>[vector<16xi32>], vector<16xf32>,
        %add3A_366 = arith.constant 256 : i32
        %add3A_367 = vector.broadcast %add3A_366 : i32 to vector<16xi32>
        %add3A_368 = arith.addi %add3A_362, %add3A_367 : vector<16xi32>
        tpu.vector_store_idx %arg11[%add3A_368], %get3A_216 : memref<32256xf32, #tpu.memory_space<vmem>>[vector<16xi32>], vector<16xf32>,
        %add3A_369 = arith.constant 5040 : i32
        %add3A_370 = arith.addi %add3A_369, %scan3A_125 : i32
        %add3A_371 = vector.broadcast %add3A_370 : i32 to vector<16xi32>
        %add3A_372 = arith.addi %mul3A_3, %add3A_371 : vector<16xi32>
        tpu.vector_store_idx %arg10[%add3A_372], %get3A_219 : memref<8064xi32, #tpu.memory_space<vmem>>[vector<16xi32>], vector<16xi32>,
        %shift_right_arithmetic3A_373 = arith.constant 7 : i32
        %shift_right_arithmetic3A_374 = vector.broadcast %shift_right_arithmetic3A_373 : i32 to vector<16xi32>
        %shift_right_arithmetic3A_375 = arith.shrsi %add3A_372, %shift_right_arithmetic3A_374 : vector<16xi32>
        %shift_left3A_376 = arith.constant 9 : i32
        %shift_left3A_377 = vector.broadcast %shift_left3A_376 : i32 to vector<16xi32>
        %shift_left3A_378 = arith.shli %shift_right_arithmetic3A_375, %shift_left3A_377 : vector<16xi32>
        %and3A_379 = arith.constant 127 : i32
        %and3A_380 = vector.broadcast %and3A_379 : i32 to vector<16xi32>
        %and3A_381 = arith.andi %add3A_372, %and3A_380 : vector<16xi32>
        %add3A_382 = arith.addi %shift_left3A_378, %and3A_381 : vector<16xi32>
        tpu.vector_store_idx %arg11[%add3A_382], %get3A_224 : memref<32256xf32, #tpu.memory_space<vmem>>[vector<16xi32>], vector<16xf32>,
        %add3A_383 = arith.constant 128 : i32
        %add3A_384 = vector.broadcast %add3A_383 : i32 to vector<16xi32>
        %add3A_385 = arith.addi %add3A_382, %add3A_384 : vector<16xi32>
        tpu.vector_store_idx %arg11[%add3A_385], %get3A_229 : memref<32256xf32, #tpu.memory_space<vmem>>[vector<16xi32>], vector<16xf32>,
        %add3A_386 = arith.constant 256 : i32
        %add3A_387 = vector.broadcast %add3A_386 : i32 to vector<16xi32>
        %add3A_388 = arith.addi %add3A_382, %add3A_387 : vector<16xi32>
        tpu.vector_store_idx %arg11[%add3A_388], %get3A_234 : memref<32256xf32, #tpu.memory_space<vmem>>[vector<16xi32>], vector<16xf32>,
        %add3A_389 = arith.constant 6048 : i32
        %add3A_390 = arith.addi %add3A_389, %scan3A_125 : i32
        %add3A_391 = vector.broadcast %add3A_390 : i32 to vector<16xi32>
        %add3A_392 = arith.addi %mul3A_3, %add3A_391 : vector<16xi32>
        tpu.vector_store_idx %arg10[%add3A_392], %get3A_237 : memref<8064xi32, #tpu.memory_space<vmem>>[vector<16xi32>], vector<16xi32>,
        %shift_right_arithmetic3A_393 = arith.constant 7 : i32
        %shift_right_arithmetic3A_394 = vector.broadcast %shift_right_arithmetic3A_393 : i32 to vector<16xi32>
        %shift_right_arithmetic3A_395 = arith.shrsi %add3A_392, %shift_right_arithmetic3A_394 : vector<16xi32>
        %shift_left3A_396 = arith.constant 9 : i32
        %shift_left3A_397 = vector.broadcast %shift_left3A_396 : i32 to vector<16xi32>
        %shift_left3A_398 = arith.shli %shift_right_arithmetic3A_395, %shift_left3A_397 : vector<16xi32>
        %and3A_399 = arith.constant 127 : i32
        %and3A_400 = vector.broadcast %and3A_399 : i32 to vector<16xi32>
        %and3A_401 = arith.andi %add3A_392, %and3A_400 : vector<16xi32>
        %add3A_402 = arith.addi %shift_left3A_398, %and3A_401 : vector<16xi32>
        tpu.vector_store_idx %arg11[%add3A_402], %get3A_242 : memref<32256xf32, #tpu.memory_space<vmem>>[vector<16xi32>], vector<16xf32>,
        %add3A_403 = arith.constant 128 : i32
        %add3A_404 = vector.broadcast %add3A_403 : i32 to vector<16xi32>
        %add3A_405 = arith.addi %add3A_402, %add3A_404 : vector<16xi32>
        tpu.vector_store_idx %arg11[%add3A_405], %get3A_247 : memref<32256xf32, #tpu.memory_space<vmem>>[vector<16xi32>], vector<16xf32>,
        %add3A_406 = arith.constant 256 : i32
        %add3A_407 = vector.broadcast %add3A_406 : i32 to vector<16xi32>
        %add3A_408 = arith.addi %add3A_402, %add3A_407 : vector<16xi32>
        tpu.vector_store_idx %arg11[%add3A_408], %get3A_252 : memref<32256xf32, #tpu.memory_space<vmem>>[vector<16xi32>], vector<16xf32>,
        %add3A_409 = arith.constant 7056 : i32
        %add3A_410 = arith.addi %add3A_409, %scan3A_125 : i32
        %add3A_411 = vector.broadcast %add3A_410 : i32 to vector<16xi32>
        %add3A_412 = arith.addi %mul3A_3, %add3A_411 : vector<16xi32>
        tpu.vector_store_idx %arg10[%add3A_412], %get3A_255 : memref<8064xi32, #tpu.memory_space<vmem>>[vector<16xi32>], vector<16xi32>,
        %shift_right_arithmetic3A_413 = arith.constant 7 : i32
        %shift_right_arithmetic3A_414 = vector.broadcast %shift_right_arithmetic3A_413 : i32 to vector<16xi32>
        %shift_right_arithmetic3A_415 = arith.shrsi %add3A_412, %shift_right_arithmetic3A_414 : vector<16xi32>
        %shift_left3A_416 = arith.constant 9 : i32
        %shift_left3A_417 = vector.broadcast %shift_left3A_416 : i32 to vector<16xi32>
        %shift_left3A_418 = arith.shli %shift_right_arithmetic3A_415, %shift_left3A_417 : vector<16xi32>
        %and3A_419 = arith.constant 127 : i32
        %and3A_420 = vector.broadcast %and3A_419 : i32 to vector<16xi32>
        %and3A_421 = arith.andi %add3A_412, %and3A_420 : vector<16xi32>
        %add3A_422 = arith.addi %shift_left3A_418, %and3A_421 : vector<16xi32>
        tpu.vector_store_idx %arg11[%add3A_422], %get3A_260 : memref<32256xf32, #tpu.memory_space<vmem>>[vector<16xi32>], vector<16xf32>,
        %add3A_423 = arith.constant 128 : i32
        %add3A_424 = vector.broadcast %add3A_423 : i32 to vector<16xi32>
        %add3A_425 = arith.addi %add3A_422, %add3A_424 : vector<16xi32>
        tpu.vector_store_idx %arg11[%add3A_425], %get3A_265 : memref<32256xf32, #tpu.memory_space<vmem>>[vector<16xi32>], vector<16xf32>,
        %add3A_426 = arith.constant 256 : i32
        %add3A_427 = vector.broadcast %add3A_426 : i32 to vector<16xi32>
        %add3A_428 = arith.addi %add3A_422, %add3A_427 : vector<16xi32>
        tpu.vector_store_idx %arg11[%add3A_428], %get3A_270 : memref<32256xf32, #tpu.memory_space<vmem>>[vector<16xi32>], vector<16xf32>,
      }
      %scan3A_114 = arith.constant 63 : i32
      %lt3A_115 = arith.constant 390 : i32
      %lt3A_116 = arith.cmpi slt, %add3A_85, %lt3A_115 : i32
      %convert_element_type3A_117 = arith.extui %lt3A_116 : i1 to i32
      %cond3A_118 = arith.constant 0 : i32
      %cond3A_119 = arith.cmpi ne, %convert_element_type3A_117, %cond3A_118 : i32
      scf.if %cond3A_119 {
        %mul3A_125 = arith.constant 8064 : i32
        %mul3A_126 = arith.muli %add3A_85, %mul3A_125 : i32
        %mul3A_127 = arith.constant 63 : i32
        %mul3A_128 = arith.muli %add3A_85, %mul3A_127 : i32
        %mul3A_129 = arith.constant 512 : i32
        %mul3A_130 = arith.muli %mul3A_128, %mul3A_129 : i32
        %dma_start3A_131 = arith.constant 0 : i32
        %dma_start3A_132 = tpu.memref_slice %arg10[%dma_start3A_131] : memref<8064xi32, #tpu.memory_space<vmem>> -> memref<8064xi32, #tpu.memory_space<vmem>>
        %dma_start3A_133 = tpu.memref_slice %arg4[%mul3A_126] : memref<3150000xi32, #tpu.memory_space<hbm>> -> memref<8064xi32, #tpu.memory_space<hbm>>
        %dma_start3A_134 = tpu.memref_slice %arg4[%mul3A_126] : memref<3150000xi32, #tpu.memory_space<hbm>> -> memref<8064xi32, #tpu.memory_space<hbm>>
        %dma_start3A_135 = arith.constant 0 : i32
        %dma_start3A_136 = tpu.memref_slice %arg10[%dma_start3A_135] : memref<8064xi32, #tpu.memory_space<vmem>> -> memref<8064xi32, #tpu.memory_space<vmem>>
        tpu.enqueue_dma source(%dma_start3A_136 : memref<8064xi32, #tpu.memory_space<vmem>>) target(%dma_start3A_134 : memref<8064xi32, #tpu.memory_space<hbm>>) target_semaphore(%arg14 : memref<!tpu.dma_semaphore, #tpu.memory_space<semaphore_mem>>)
        %dma_start3A_137 = arith.constant 0 : i32
        %dma_start3A_138 = tpu.memref_slice %arg11[%dma_start3A_137] : memref<32256xf32, #tpu.memory_space<vmem>> -> memref<32256xf32, #tpu.memory_space<vmem>>
        %dma_start3A_139 = tpu.memref_slice %arg5[%mul3A_130] : memref<12600320xf32, #tpu.memory_space<hbm>> -> memref<32256xf32, #tpu.memory_space<hbm>>
        %dma_start3A_140 = tpu.memref_slice %arg5[%mul3A_130] : memref<12600320xf32, #tpu.memory_space<hbm>> -> memref<32256xf32, #tpu.memory_space<hbm>>
        %dma_start3A_141 = arith.constant 0 : i32
        %dma_start3A_142 = tpu.memref_slice %arg11[%dma_start3A_141] : memref<32256xf32, #tpu.memory_space<vmem>> -> memref<32256xf32, #tpu.memory_space<vmem>>
        tpu.enqueue_dma source(%dma_start3A_142 : memref<32256xf32, #tpu.memory_space<vmem>>) target(%dma_start3A_140 : memref<32256xf32, #tpu.memory_space<hbm>>) target_semaphore(%arg14 : memref<!tpu.dma_semaphore, #tpu.memory_space<semaphore_mem>>)
      } else {
      }
      %eq3A_120 = arith.constant 390 : i32
      %eq3A_121 = arith.cmpi eq, %add3A_85, %eq3A_120 : i32
      %convert_element_type3A_122 = arith.extui %eq3A_121 : i1 to i32
      %cond3A_123 = arith.constant 0 : i32
      %cond3A_124 = arith.cmpi ne, %convert_element_type3A_122, %cond3A_123 : i32
      scf.if %cond3A_124 {
        %mul3A_125 = arith.constant 8064 : i32
        %mul3A_126 = arith.muli %add3A_85, %mul3A_125 : i32
        %mul3A_127 = arith.constant 63 : i32
        %mul3A_128 = arith.muli %add3A_85, %mul3A_127 : i32
        %mul3A_129 = arith.constant 512 : i32
        %mul3A_130 = arith.muli %mul3A_128, %mul3A_129 : i32
        %dma_start3A_131 = arith.constant 0 : i32
        %dma_start3A_132 = tpu.memref_slice %arg10[%dma_start3A_131] : memref<8064xi32, #tpu.memory_space<vmem>> -> memref<5040xi32, #tpu.memory_space<vmem>>
        %dma_start3A_133 = tpu.memref_slice %arg4[%mul3A_126] : memref<3150000xi32, #tpu.memory_space<hbm>> -> memref<5040xi32, #tpu.memory_space<hbm>>
        %dma_start3A_134 = tpu.memref_slice %arg4[%mul3A_126] : memref<3150000xi32, #tpu.memory_space<hbm>> -> memref<5040xi32, #tpu.memory_space<hbm>>
        %dma_start3A_135 = arith.constant 0 : i32
        %dma_start3A_136 = tpu.memref_slice %arg10[%dma_start3A_135] : memref<8064xi32, #tpu.memory_space<vmem>> -> memref<5040xi32, #tpu.memory_space<vmem>>
        tpu.enqueue_dma source(%dma_start3A_136 : memref<5040xi32, #tpu.memory_space<vmem>>) target(%dma_start3A_134 : memref<5040xi32, #tpu.memory_space<hbm>>) target_semaphore(%arg14 : memref<!tpu.dma_semaphore, #tpu.memory_space<semaphore_mem>>)
        %dma_wait3A_137 = arith.constant 0 : i32
        %dma_wait3A_138 = tpu.memref_slice %arg10[%dma_wait3A_137] : memref<8064xi32, #tpu.memory_space<vmem>> -> memref<5040xi32, #tpu.memory_space<vmem>>
        %dma_wait3A_139 = tpu.memref_slice %arg4[%mul3A_126] : memref<3150000xi32, #tpu.memory_space<hbm>> -> memref<5040xi32, #tpu.memory_space<hbm>>
        %dma_wait3A_140 = tpu.memref_slice %arg4[%mul3A_126] : memref<3150000xi32, #tpu.memory_space<hbm>> -> memref<5040xi32, #tpu.memory_space<hbm>>
        %dma_wait3A_141 = arith.constant 0 : i32
        %dma_wait3A_142 = tpu.memref_slice %arg10[%dma_wait3A_141] : memref<8064xi32, #tpu.memory_space<vmem>> -> memref<5040xi32, #tpu.memory_space<vmem>>
        tpu.wait_dma2 semaphore(%arg14 : memref<!tpu.dma_semaphore, #tpu.memory_space<semaphore_mem>>) src(%dma_wait3A_142 : memref<5040xi32, #tpu.memory_space<vmem>>) dst(%dma_wait3A_140 : memref<5040xi32, #tpu.memory_space<hbm>>)
        %dma_start3A_143 = arith.constant 0 : i32
        %dma_start3A_144 = tpu.memref_slice %arg11[%dma_start3A_143] : memref<32256xf32, #tpu.memory_space<vmem>> -> memref<20480xf32, #tpu.memory_space<vmem>>
        %dma_start3A_145 = tpu.memref_slice %arg5[%mul3A_130] : memref<12600320xf32, #tpu.memory_space<hbm>> -> memref<20480xf32, #tpu.memory_space<hbm>>
        %dma_start3A_146 = tpu.memref_slice %arg5[%mul3A_130] : memref<12600320xf32, #tpu.memory_space<hbm>> -> memref<20480xf32, #tpu.memory_space<hbm>>
        %dma_start3A_147 = arith.constant 0 : i32
        %dma_start3A_148 = tpu.memref_slice %arg11[%dma_start3A_147] : memref<32256xf32, #tpu.memory_space<vmem>> -> memref<20480xf32, #tpu.memory_space<vmem>>
        tpu.enqueue_dma source(%dma_start3A_148 : memref<20480xf32, #tpu.memory_space<vmem>>) target(%dma_start3A_146 : memref<20480xf32, #tpu.memory_space<hbm>>) target_semaphore(%arg14 : memref<!tpu.dma_semaphore, #tpu.memory_space<semaphore_mem>>)
        %dma_wait3A_149 = arith.constant 0 : i32
        %dma_wait3A_150 = tpu.memref_slice %arg11[%dma_wait3A_149] : memref<32256xf32, #tpu.memory_space<vmem>> -> memref<20480xf32, #tpu.memory_space<vmem>>
        %dma_wait3A_151 = tpu.memref_slice %arg5[%mul3A_130] : memref<12600320xf32, #tpu.memory_space<hbm>> -> memref<20480xf32, #tpu.memory_space<hbm>>
        %dma_wait3A_152 = tpu.memref_slice %arg5[%mul3A_130] : memref<12600320xf32, #tpu.memory_space<hbm>> -> memref<20480xf32, #tpu.memory_space<hbm>>
        %dma_wait3A_153 = arith.constant 0 : i32
        %dma_wait3A_154 = tpu.memref_slice %arg11[%dma_wait3A_153] : memref<32256xf32, #tpu.memory_space<vmem>> -> memref<20480xf32, #tpu.memory_space<vmem>>
        tpu.wait_dma2 semaphore(%arg14 : memref<!tpu.dma_semaphore, #tpu.memory_space<semaphore_mem>>) src(%dma_wait3A_154 : memref<20480xf32, #tpu.memory_space<vmem>>) dst(%dma_wait3A_152 : memref<20480xf32, #tpu.memory_space<hbm>>)
      } else {
      }
    } else {
    }
    %ne3A_76 = arith.constant 6 : i32
    %ne3A_77 = arith.cmpi ne, %add3A, %ne3A_76 : i32
    %convert_element_type3A_78 = arith.extui %ne3A_77 : i1 to i32
    %cond3A_79 = arith.constant 0 : i32
    %cond3A_80 = arith.cmpi ne, %convert_element_type3A_78, %cond3A_79 : i32
    scf.if %cond3A_80 {
      %dma_wait3A = arith.constant 0 : i32
      %dma_wait3A_81 = tpu.memref_slice %arg10[%dma_wait3A] : memref<8064xi32, #tpu.memory_space<vmem>> -> memref<8064xi32, #tpu.memory_space<vmem>>
      %dma_wait3A_82 = arith.constant 0 : i32
      %dma_wait3A_83 = tpu.memref_slice %arg4[%dma_wait3A_82] : memref<3150000xi32, #tpu.memory_space<hbm>> -> memref<8064xi32, #tpu.memory_space<hbm>>
      %dma_wait3A_84 = arith.constant 0 : i32
      %dma_wait3A_85 = tpu.memref_slice %arg4[%dma_wait3A_84] : memref<3150000xi32, #tpu.memory_space<hbm>> -> memref<8064xi32, #tpu.memory_space<hbm>>
      %dma_wait3A_86 = arith.constant 0 : i32
      %dma_wait3A_87 = tpu.memref_slice %arg10[%dma_wait3A_86] : memref<8064xi32, #tpu.memory_space<vmem>> -> memref<8064xi32, #tpu.memory_space<vmem>>
      tpu.wait_dma2 semaphore(%arg14 : memref<!tpu.dma_semaphore, #tpu.memory_space<semaphore_mem>>) src(%dma_wait3A_87 : memref<8064xi32, #tpu.memory_space<vmem>>) dst(%dma_wait3A_85 : memref<8064xi32, #tpu.memory_space<hbm>>)
      %dma_wait3A_88 = arith.constant 0 : i32
      %dma_wait3A_89 = tpu.memref_slice %arg11[%dma_wait3A_88] : memref<32256xf32, #tpu.memory_space<vmem>> -> memref<32256xf32, #tpu.memory_space<vmem>>
      %dma_wait3A_90 = arith.constant 0 : i32
      %dma_wait3A_91 = tpu.memref_slice %arg5[%dma_wait3A_90] : memref<12600320xf32, #tpu.memory_space<hbm>> -> memref<32256xf32, #tpu.memory_space<hbm>>
      %dma_wait3A_92 = arith.constant 0 : i32
      %dma_wait3A_93 = tpu.memref_slice %arg5[%dma_wait3A_92] : memref<12600320xf32, #tpu.memory_space<hbm>> -> memref<32256xf32, #tpu.memory_space<hbm>>
      %dma_wait3A_94 = arith.constant 0 : i32
      %dma_wait3A_95 = tpu.memref_slice %arg11[%dma_wait3A_94] : memref<32256xf32, #tpu.memory_space<vmem>> -> memref<32256xf32, #tpu.memory_space<vmem>>
      tpu.wait_dma2 semaphore(%arg14 : memref<!tpu.dma_semaphore, #tpu.memory_space<semaphore_mem>>) src(%dma_wait3A_95 : memref<32256xf32, #tpu.memory_space<vmem>>) dst(%dma_wait3A_93 : memref<32256xf32, #tpu.memory_space<hbm>>)
    } else {
    }
    return
  }
}

module attributes {stable_mosaic.version = 14 : i64} {
  func.func @_from_body(%arg0: i32, %arg1: memref<2048x128xi32, #tpu.memory_space<vmem>>) attributes {dimension_semantics = [#tpu.dimension_semantics<arbitrary>], iteration_bounds = array<i64: 13>, scalar_prefetch = 0 : i64, scratch_operands = 0 : i64, tpu.core_type = #tpu.core_type<tc>, window_params = [{transform_indices = @transform_0, window_bounds = array<i64: 2048, 128>}]} {
    %iota3A = tpu.iota {dimensions = array<i32: 0>} : vector<2048x128xi32>
    %convert_element_type3A = arith.sitofp %iota3A : vector<2048x128xi32> to vector<2048x128xf32>
    %iota3A_0 = tpu.iota {dimensions = array<i32: 1>} : vector<2048x128xi32>
    %convert_element_type3A_1 = arith.sitofp %iota3A_0 : vector<2048x128xi32> to vector<2048x128xf32>
    %mul3A = arith.constant 262144 : i32
    %mul3A_2 = arith.muli %arg0, %mul3A : i32
    %convert_element_type3A_3 = arith.sitofp %mul3A_2 : i32 to f32
    %mul3A_4 = arith.constant 1.280000e+02 : f32
    %mul3A_5 = vector.broadcast %mul3A_4 : f32 to vector<2048x128xf32>
    %mul3A_6 = arith.mulf %convert_element_type3A, %mul3A_5 : vector<2048x128xf32>
    %add3A = arith.addf %mul3A_6, %convert_element_type3A_1 : vector<2048x128xf32>
    %add3A_7 = arith.constant 5.000000e-01 : f32
    %add3A_8 = arith.addf %convert_element_type3A_3, %add3A_7 : f32
    %add3A_9 = vector.broadcast %add3A_8 : f32 to vector<2048x128xf32>
    %add3A_10 = arith.addf %add3A, %add3A_9 : vector<2048x128xf32>
    %mul3A_11 = arith.constant 0.0158730168 : f32
    %mul3A_12 = vector.broadcast %mul3A_11 : f32 to vector<2048x128xf32>
    %mul3A_13 = arith.mulf %add3A_10, %mul3A_12 : vector<2048x128xf32>
    %convert_element_type3A_14 = arith.fptosi %mul3A_13 : vector<2048x128xf32> to vector<2048x128xi32>
    %swap3A = arith.constant 0 : index
    %swap3A_15 = arith.constant 0 : index
    %swap3A_16 = vector.load %arg1[%swap3A, %swap3A_15] : memref<2048x128xi32, #tpu.memory_space<vmem>>, vector<2048x128xi32>
    tpu.vector_store %arg1[%swap3A, %swap3A_15], %convert_element_type3A_14 {strides = array<i32>} : memref<2048x128xi32, #tpu.memory_space<vmem>>, vector<2048x128xi32>,
    return
  }
  func.func @transform_0(%arg0: i32) -> (i32, i32) {
    %c0_i32 = arith.constant 0 : i32
    %c0_i32_0 = arith.constant 0 : i32
    return %arg0, %c0_i32 : i32, i32
  }
}

</mosaic_0001>

<sc_bundles>
// kernel: kernel.4.cloned.1.call-start
scs
__scs_entry_jumppad:
0x0: {  	(pc) =	sbr.rel $0x88, $3  }
0x1: {  	(tag) =	ssettag $0x0;
	lr =	simm.s32 $0x1  }
0x2: {  	[smem:$0x3F9F] =	sst lr;
	_ =	strace $0xD0000000  }
0x3: {  	_ = 	snop  }
0x4: {  	_ = 	snop  }
0x5: {  	_ = 	snop  }
0x6: {  	_ = 	snop  }
0x7: {  	_ = 	snop  }
__scs_overlays_trampoline_lowered:
0x8: {  	[smem:$0x3FAE] =	sst s0  }
0x9: {  	[smem:$0x3FAF] =	sst s1  }
0xa: {  	[smem:$0x3FB0] =	sst s2  }
0xb: {  	[smem:$0x3FB1] =	sst s3  }
0xc: {  	[smem:$0x3FB2] =	sst s4  }
0xd: {  	[smem:$0x3FB3] =	sst s5  }
0xe: {  	[smem:$0x3FB4] =	sst s6  }
0xf: {  	[smem:$0x3FB5] =	sst s7  }
0x10: {  	[smem:$0x3FB6] =	sst s8  }
0x11: {  	[smem:$0x3FB7] =	sst s9;
	s0 =	simm.s32 @!p0 $0x0  }
0x12: {  	s1 =	sld [smem:$0x3F9D];
	s0 =	simm.s32 @p0 $0x1  }
0x13: {  	[smem:$0x3FB8] =	sst s0;
	s0 =	simm.s32 @!p1 $0x0  }
0x14: {  	s2 =	sld [smem:$0x3F9C];
	s0 =	simm.s32 @p1 $0x1  }
0x15: {  	[smem:$0x3FB9] =	sst s0;
	s0 =	simm.s32 @!p2 $0x0  }
0x16: {  	s3 =	sld [smem:$0x3FDB];
	s0 =	simm.s32 @p2 $0x1  }
0x17: {  	s4 =	simm.s32 $0x1BF5;
	[smem:$0x3FBB] =	sst s0  }
0x18: {  	s0 =	sld [smem:$0x3F9E];
	_ =	swait.ge [sflag:s4], $0x0  }
0x19: {  	s7 =	sld [smem:$0x3F9F]  }
0x1a: {  	s8 =	sadd.s32 $0xFFFFE003, lr  }
0x1b: {  	s9 =	sadd.s32 $0xFFFFFEF7, lr;
	s5 =	simm.s32 $0xFFFFFFFF;
	p2 =	slt.u32 s8, $0xFFFFF086  }
0x1c: {  	p1 =	slt.u32 s9, $0xF7A;
	s5 =	simm.s32 @!p2 $0x0  }
0x1d: {  	s5 =	simm.s32 @p1 $0x1;
	p0 =	seq.s32 s7, s2  }
0x1e: {  	s7 =	smul.u32 @!p0 $0xF7A, s2;
	p2 =	seq.s32 @!p0 s5, $0x0  }
0x1f: {  	s9 =	smul.u32 $0xF7A, s1;
	s8 =	simm.s32 @!p0 $0x1BF5;
	p2 =	por !p2, p0  }
0x20: {  	[sflag:s8] =	ssyncset.s32 @!p0 $0xFFFFF086;
	s6 =	sadd.s32 @!p0 s3, s7;
	s7 =	simm.s32 @!p0 $0x108  }
0x21: {  	s3 =	sadd.s32 s3, s9;
	s6 =	sadd.s32 @!p0 $0x88, s6;
	s7 =	simm.s32 @p2 $0x1082  }
0x22: {  	[simem:s7], [sflag:s8] =	dma.local @!p0 [hbm:s6], $0xF7A  }
0x23: {  	s9 =	sor.u32 $0xD0000000, s2;
	s6 =	simm.s32 $0x108;
	_ =	swait.ge @!p0 [sflag:s8], $0x0  }
0x24: {  	s3 =	sadd.s32 $0x88, s3;
	s6 =	simm.s32 @!p1 $0x1082;
	[sflag:s4] =	ssyncset.s32 $0xFFFFF086  }
0x25: {  	[simem:s6], [sflag:s4] =	dma.local [hbm:s3], $0xF7A  }
0x26: {  	[smem:$0x3F9F] =	sst s1;
	(tag) =	ssettag s2;
	_ =	strace s9  }
0x27: {  	s1 =	sld [smem:$0x3FAF]  }
0x28: {  	s2 =	sld [smem:$0x3FB0]  }
0x29: {  	s4 =	sld [smem:$0x3FB2]  }
0x2a: {  	p0 =	seq.s32 s5, $0x0;
	s5 =	sld [smem:$0x3FB3]  }
0x2b: {  	s6 =	sld [smem:$0x3FB4]  }
0x2c: {  	s7 =	sld [smem:$0x3FB5]  }
0x2d: {  	s3 =	simm.s32 $0x108;
	s8 =	sld [smem:$0x3FB6]  }
0x2e: {  	s3 =	simm.s32 @!p0 $0x1082;
	s9 =	sld [smem:$0x3FB7]  }
0x2f: {  	lr =	sadd.s32 s0, s3;
	s0 =	sld [smem:$0x3FAE]  }
0x30: {  	s3 =	sld [smem:$0x3FB1]  }
0x31: {  	[smem:$0x3FBA] =	sst s10  }
0x32: {  	s10 =	sld [smem:$0x3FB8];
	_ =	sdelay $0x3  }
0x33: {  	p0 =	seq.s32 s10, $0x1;
	s10 =	sld [smem:$0x3FBA];
	_ =	sdelay $0x3  }
0x34: {  	[smem:$0x3FBA] =	sst s10  }
0x35: {  	s10 =	sld [smem:$0x3FB9];
	_ =	sdelay $0x3  }
0x36: {  	p1 =	seq.s32 s10, $0x1;
	s10 =	sld [smem:$0x3FBA];
	_ =	sdelay $0x3  }
0x37: {  	[smem:$0x3FBA] =	sst s10  }
0x38: {  	s10 =	sld [smem:$0x3FBB]  }
0x39: {  	_ = 	snop;
	(pc) =	sbr.ind lr, $3  }
0x3a: {  	_ = 	snop  }
0x3b: {  	_ = 	snop  }
0x3c: {  	p2 =	seq.s32 s10, $0x1;
	s10 =	sld [smem:$0x3FBA]  }
0x3d: {  	_ =	shalt  }
0x3e: {  	_ =	shalt  }
0x3f: {  	_ =	shalt  }
0x40: {  	_ =	shalt  }
0x41: {  	_ =	shalt  }
0x42: {  	_ =	shalt  }
0x43: {  	_ =	shalt  }
0x44: {  	_ =	shalt  }
0x45: {  	_ =	shalt  }
0x46: {  	_ =	shalt  }
0x47: {  	_ =	shalt  }
0x48: {  	_ =	shalt  }
0x49: {  	_ =	shalt  }
0x4a: {  	_ =	shalt  }
0x4b: {  	_ =	shalt  }
0x4c: {  	_ =	shalt  }
0x4d: {  	_ =	shalt  }
0x4e: {  	_ =	shalt  }
0x4f: {  	_ =	shalt  }
0x50: {  	_ =	shalt  }
0x51: {  	_ =	shalt  }
0x52: {  	_ =	shalt  }
0x53: {  	_ =	shalt  }
0x54: {  	_ =	shalt  }
0x55: {  	_ =	shalt  }
0x56: {  	_ =	shalt  }
0x57: {  	_ =	shalt  }
0x58: {  	_ =	shalt  }
0x59: {  	_ =	shalt  }
0x5a: {  	_ =	shalt  }
0x5b: {  	_ =	shalt  }
0x5c: {  	_ =	shalt  }
0x5d: {  	_ =	shalt  }
0x5e: {  	_ =	shalt  }
0x5f: {  	_ =	shalt  }
0x60: {  	_ =	shalt  }
0x61: {  	_ =	shalt  }
0x62: {  	_ =	shalt  }
0x63: {  	_ =	shalt  }
0x64: {  	_ =	shalt  }
0x65: {  	_ =	shalt  }
0x66: {  	_ =	shalt  }
0x67: {  	_ =	shalt  }
0x68: {  	_ =	shalt  }
0x69: {  	_ =	shalt  }
0x6a: {  	_ =	shalt  }
0x6b: {  	_ =	shalt  }
0x6c: {  	_ =	shalt  }
0x6d: {  	_ =	shalt  }
0x6e: {  	_ =	shalt  }
0x6f: {  	_ =	shalt  }
0x70: {  	_ =	shalt  }
0x71: {  	_ =	shalt  }
0x72: {  	_ =	shalt  }
0x73: {  	_ =	shalt  }
0x74: {  	_ =	shalt  }
0x75: {  	_ =	shalt  }
0x76: {  	_ =	shalt  }
0x77: {  	_ =	shalt  }
0x78: {  	_ =	shalt  }
0x79: {  	_ =	shalt  }
0x7a: {  	_ =	shalt  }
0x7b: {  	_ =	shalt  }
0x7c: {  	_ =	shalt  }
0x7d: {  	_ =	shalt  }
0x7e: {  	_ =	shalt  }
0x7f: {  	_ =	shalt  }
0x80: {  	_ =	shalt  }
0x81: {  	_ =	shalt  }
0x82: {  	_ =	shalt  }
0x83: {  	_ =	shalt  }
0x84: {  	_ =	shalt  }
0x85: {  	_ =	shalt  }
0x86: {  	_ =	shalt  }
0x87: {  	_ =	shalt  }
.Lfunc_end0:
.L_simem_size_0:
called_computation_lowered:
.L_overlay_start_0:
0x88: {  	s2 =	sld [smem:$0x3FD9]  }
0x89: {  	s3 =	sld [smem:$0x3FFE];
	_ =	sdelay $0x1  }
0x8a: {  	s1 =	srdreg.scid  }
0x8b: {  	s0 =	sand.u32 $0x1, s1  }
0x8c: {  	s15 =	sshll.u32 s0, $0xA;
	s2 =	sadd.s32 s3, s2  }
0x8d: {  	s2 =	sadd.s32 s2, s15  }
0x8e: {  	[smem:$0x3FC6] =	sst s2  }
0x8f: {  	_ = 	snop  }
0x90: {  	s2 =	sld [smem:$0x3FD0];
	_ =	sdelay $0x1  }
0x91: {  	s16 =	sld [smem:$0x3FC9]  }
0x92: {  	s5 =	simm.s32 $0xA;
	s6 =	simm.s32 $0x10;
	s4 =	sld [smem:$0x3FC8]  }
0x93: {  	[smem:s6], [sflag:s5] =	dma.local [hbm:s2], $0x1  }
0x94: {  	_ =	swait.eq [sflag:s5], $0x1  }
0x95: {  	[sflag:s5] =	ssyncset.done $0x0  }
0x96: {  	s17 =	sld [smem:$0x11];
	[sflag:s5] =	ssyncadd.s32 $0xFFFFFFFF  }
0x97: {  	s18 =	sld [smem:$0x12];
	(tm) =	ssettm $0x1  }
0x98: {  	s19 =	sld [smem:$0x3FFB];
	_ =	sdelay $0x3  }
0x99: {  	_ =	strace s19  }
0x9a: {  	s6 =	sld [smem:$0x3FFC];
	_ =	sdelay $0x3  }
0x9b: {  	_ =	strace s6  }
0x9c: {  	s6 =	sld [smem:$0x3FFD];
	_ =	sdelay $0x3  }
0x9d: {  	_ =	strace s6  }
0x9e: {  	_ =	strace $0x8FFFFFFF  }
0x9f: {  	s20 =	sld [smem:$0x3FDB];
	_ =	sdelay $0x1  }
0xa0: {  	s7 =	simm.s32 $_scs_section_size  }
0xa1: {  	s8 =	simm.s32 $_size__tile_overlayer_lowered;
	s9 =	simm.s32 $_tile_overlayer_lowered  }
0xa2: {  	s23 =	simm.s32 $0x1BFF;
	s22 =	sshll.u32 s9, $0x1;
	s6 =	sadd.s32 s7, s20  }
0xa3: {  	s10 =	simm.s32 $0x0;
	s21 =	sshll.u32 s8, $0x1;
	s8 =	sadd.s32 s22, s6  }
0xa4: {  	[timem:s10], [sflag:s23] =	dma.local [hbm:s8], s21  }
0xa5: {  	_ =	swait.ge [sflag:s23], s21  }
0xa6: {  	s7 =	ssub.s32 $0x0, s21;
	[sflag:s23] =	ssyncset.done $0x0  }
0xa7: {  	[sflag:s23] =	ssyncadd.s32 s7;
	_ =	sdelay $0x1  }
0xa8: {  	s24 =	simm.s32 $0x1B8B  }
0xa9: {  	_ =	swait.ge [sflag:s24], $0x1  }
0xaa: {  	[sflag:s24] =	ssyncset.done $0x0  }
0xab: {  	s25 =	simm.s32 $0x1B8E;
	[sflag:s24] =	ssyncadd.s32 $0xFFFFFFFF  }
0xac: {  	s26 =	simm.s32 $execute0_lowered;
	[smem:$0x3FD2] =	sst s25  }
0xad: {  	s7 =	sshll.u32 s26, $0x1;
	_ =	strace $0x80000046;
	[dreg:$0x1] =	wrdreg $0xFFFFFFFF  }
0xae: {  	s28 =	simm.s32 $_size_execute0_lowered;
	s6 =	sadd.s32 s6, s7;
	[dreg:$0x0] =	wrdreg $0x0  }
0xaf: {  	s7 =	sshll.u32 s28, $0x1;
	[dreg:$0x2] =	wrdreg s6  }
0xb0: {  	[dreg:$0x3] =	wrdreg s7  }
0xb1: {  	[dreg:$0x4] =	wrdreg $0xC0  }
0xb2: {  	_ =	task [dreg:s10], $0x5FFFF  }
0xb3: {  	[dreg:$0x1] =	wrdreg $0xFFFFFFFF  }
0xb4: {  	[dreg:$0x0] =	wrdreg $0x60  }
0xb5: {  	[dreg:$0x2] =	wrdreg s16  }
0xb6: {  	[dreg:$0x3] =	wrdreg s4  }
0xb7: {  	[dreg:$0x4] =	wrdreg s17  }
0xb8: {  	[dreg:$0x5] =	wrdreg s18  }
0xb9: {  	[dreg:$0x6] =	wrdreg $0x9  }
0xba: {  	_ =	task.clear_ibuf [dreg:s10], $0x7FFFF;
	_ =	strace $0x90000046  }
0xbb: {  	s29 =	simm.s32 $0x9;
	_ =	strace $0x80000048  }
0xbc: {  	_ =	swait.ge [sflag:s29], $0x1  }
0xbd: {  	[sflag:s29] =	ssyncadd.s32 $0xFFFFFFFF  }
0xbe: {  	_ =	strace $0x90000048  }
0xbf: {  	_ =	sfence  }
0xc0: {  	s30 =	sld [smem:$0x0];
	_ =	sdelay $0x2  }
0xc1: {  	s31 =	sshll.u32 s1, $0xD;
	s1 =	sshrl.u32 s1, $0x2  }
0xc2: {  	s3 =	sand.u32 $0x4000, s31;
	s1 =	sadd.s32 s1, s30  }
0xc3: {  	s0 =	sor.u32 s3, s0;
	s1 =	sshll.u32 s1, $0x11  }
0xc4: {  	s0 =	sor.u32 s1, s0  }
0xc5: {  	s0 =	sadd.s32 $0x8F2B, s0  }
0xc6: {  	[sflag:s0] =	ssyncadd.remote.s32 $0x1  }
0xc7: {  	_ =	sfence.sel $0xFFFF  }
0xc8: {  	[dreg:$0x0] =	wrdreg $0xFFFFFFFF;
	(pc) =	sbr.abs _section_cstart, $3  }
0xc9: {  	[dreg:$0x1] =	wrdreg $0xFFFFFFFF  }
0xca: {  	_ =	task.clear_ibuf [dreg:s10], $0x2FFFF;
	_ =	strace $0x9FFFFFFF  }
0xcb: {  	(tm) =	ssettm $0x7FFFFFFF  }
tec
execute0_lowered:
.L_overlay_start_1:
0x0: {  	(tag) =	ssettag $0x1  }
0x1: {  	s1 =	rddreg [dreg:$0x0]  }
0x2: {  	s2 =	rddreg [dreg:$0x1]  }
0x3: {  	s4 =	rddreg [dreg:$0x2]  }
0x4: {  	s5 =	rddreg [dreg:$0x3]  }
0x5: {  	s0 =	srdreg.scid;
	s7 =	stileid.u32  }
0x6: {  	s6 =	simm.s32 $0x0;
	s17 =	simm.s32 $0x400;
	s18 =	simm.s32 $0x61C00  }
0x7: {  	s19 =	simm.s32 $0x4000;
	s20 =	simm.s32 $0x2000;
	s21 =	simm.s32 $0xA000  }
0x8: {  	s22 =	simm.s32 $0x1;
	s23 =	simm.s32 $0x10000;
	s24 =	simm.s32 $0x11F80  }
0x9: {  	s25 =	simm.s32 $0x3;
	s28 =	simm.s32 $0x0;
	s0 =	sand.u32 $0x1, s0  }
0xa: {  	s7 =	sshll.u32 s7, $0x1;
	[smem:$0x7FF] =	sst s6;
	s13 =	sadd.s32 $0x5FFA0, s4  }
0xb: {  	s14 =	sadd.s32 $0x17FE80, s5;
	_ =	strace $0x80000047;
	[dreg:$0x5] =	wrdreg s13  }
0xc: {  	s3 =	ssub.s32 $0x2, s0;
	s7 =	sor.u32 s0, s7;
	[dreg:$0x6] =	wrdreg s14  }
0xd: {  	s8 =	sshrl.u32 s3, $0x1;
	s29 =	ssub.s32 $0x1A6, s7;
	s9 =	sshll.u32 s7, $0x7  }
0xe: {  	s11 =	sor.u32 $0x180, s7;
	s16 =	sor.u32 $0x20, s7;
	p2 =	seq.s32 s7, $0x6  }
0xf: {  	p3 =	sne.s32 s7, $0x6;
	s26 =	ssub.s32 s3, s8;
	s12 =	smul.u32 $0x3F0, s11  }
.Ltmp0:
0x10: {  	s10 =	sshrl.u32 s29, $0x5;
	s8 =	sadd.s32 s1, s9;
	(pc) =	sbr.rel .LBB2_1-.Ltmp0, $4  }
0x11: {  	s9 =	sadd.s32 s2, s9;
	s30 =	smul.u32 $0xFC0, s11;
	s3 =	sand.u32 $0x20, s29  }
0x12: {  	p1 =	sgt.u32 s11, $0x185;
	s10 =	sadd.s32 $0xFFFFFFFE, s10;
	s12 =	sadd.s32 s4, s12  }
0x13: {  	v0 =	vlaneseq.u32;
	s15 =	smax.u32 s26, $0x1;
	s31 =	sadd.s32 s5, s30;
	[dreg:$0x7] =	wrdreg s12  }
0x14: {  	v0 =	vmul.u32 $0x3F, v0;
	p0 =	seq.s32 s3, $0x0;
	s26 =	simm.s32 $0x2;
	[dreg:$0x8] =	wrdreg s31  }
.LBB2_11:
0x15: {  	s0 =	rddreg [dreg:$0x7]  }
0x16: {  	[hbm4b:s0+s6] =	stream.linear.scatter [tilespmem:s23], [sflag:$0x3], $0x1F80, $0x38;
	[tilespmem:$0x19D80] =	vst v63  }
0x17: {  	s31 =	rddreg [dreg:$0x8]  }
0x18: {  	[hbm4b:s31+s6] =	stream.linear.scatter [tilespmem:s24], [sflag:$0x3], $0x7E00, $0x38;
	[tilespmem:$0x19D80] =	vst v63  }
.LBB2_15:
0x19: {  	_ =	swait.ge [sflag:s25], $0x1F80  }
0x1a: {  	[sflag:s25] =	ssyncset.done $0x0  }
0x1b: {  	[sflag:s25] =	ssyncadd.s32 $0xFFFFE080  }
0x1c: {  	_ =	swait.ge [sflag:s25], $0x7E00  }
0x1d: {  	[sflag:s25] =	ssyncset.done $0x0  }
0x1e: {  	[sflag:s25] =	ssyncadd.s32 $0xFFFF8200  }
.LBB2_16:
0x1f: {  	s28 =	sadd.s32 $0x1, s28  }
0x20: {  	p4 =	sne.s32 s28, s15  }
.Ltmp1:
0x21: {  	_ = 	snop;
	(pc) =	sbr.rel @!p4 .LBB2_17-.Ltmp1, $1  }
0x22: {  	_ =	sdelay $0x3  }
.LBB2_1:
0x23: {  	[tilespmem:s6], [sflag:$0x1] =	stream.strided.gather [hbm4b:s8+s17], $0x2000, s18, s17, $0x38;
	[tilespmem:$0x19D80] =	vst v63  }
0x24: {  	s29 =	simm.s32 $0x0  }
0x25: {  	[tilespmem:s19], [sflag:$0x1] =	stream.strided.gather [hbm4b:s9+s17], $0x6000, s18, s17, $0x38;
	[tilespmem:$0x19D80] =	vst v63  }
.LBB2_2:
0x26: {  	s30 =	sshll.u32 s29, $0x6  }
0x27: {  	s31 =	sor.u32 s7, s30  }
0x28: {  	s0 =	sshll.u32 s31, $0x7  }
0x29: {  	s0 =	sor.u32 $0x1000, s0  }
0x2a: {  	s3 =	sadd.s32 s1, s0  }
0x2b: {  	[tilespmem:s20], [sflag:$0x2] =	stream.strided.gather [hbm4b:s3+s17], $0x2000, s18, s17, $0x38;
	[tilespmem:$0x19D80] =	vst v63  }
0x2c: {  	p4 =	seq.s32 s29, $0x0;
	s0 =	sadd.s32 s2, s0  }
0x2d: {  	[tilespmem:s21], [sflag:$0x2] =	stream.strided.gather [hbm4b:s0+s17], $0x6000, s18, s17, $0x38;
	[tilespmem:$0x19D80] =	vst v63  }
0x2e: {  	s0 =	simm.s32 @!p4 $0x3  }
0x2f: {  	_ =	swait.ge @!p4 [sflag:s0], $0x1F80  }
0x30: {  	[sflag:s0] =	ssyncset.done @!p4 $0x0  }
0x31: {  	[sflag:s0] =	ssyncadd.s32 @!p4 $0xFFFFE080  }
0x32: {  	_ =	swait.ge @!p4 [sflag:s0], $0x7E00  }
0x33: {  	[sflag:s0] =	ssyncset.done @!p4 $0x0  }
0x34: {  	[sflag:s0] =	ssyncadd.s32 @!p4 $0xFFFF8200  }
0x35: {  	_ =	swait.ge [sflag:s22], $0x2000  }
0x36: {  	[sflag:s22] =	ssyncset.done $0x0  }
0x37: {  	[sflag:s22] =	ssyncadd.s32 $0xFFFFE000  }
0x38: {  	_ =	swait.ge [sflag:s22], $0x6000  }
0x39: {  	[sflag:s22] =	ssyncset.done $0x0  }
0x3a: {  	s12 =	simm.s32 $0x0;
	[sflag:s22] =	ssyncadd.s32 $0xFFFFA000  }
0x3b: {  	v19 =	vld [tilespmem:s12+$0x4090]  }
0x3c: {  	v16 =	vld [tilespmem:s12+$0x6090]  }
0x3d: {  	v26 =	vld [tilespmem:s12+$0x90]  }
0x3e: {  	v1 =	vld [tilespmem:s12+$0x80F0]  }
0x3f: {  	v2 =	vld [tilespmem:s12+$0x60F0]  }
0x40: {  	v18 =	vld [tilespmem:s12+$0xA0]  }
0x41: {  	v23 =	vld [tilespmem:s12+$0x8090]  }
0x42: {  	v3 =	vld [tilespmem:s12+$0x40F0]  }
0x43: {  	v4 =	vld [tilespmem:s12+$0xF0]  }
0x44: {  	v5 =	vld [tilespmem:s12+$0x80E0]  }
0x45: {  	v6 =	vld [tilespmem:s12+$0x60E0]  }
0x46: {  	v7 =	vld [tilespmem:s12+$0x40E0]  }
0x47: {  	v8 =	vld [tilespmem:s12+$0xE0]  }
0x48: {  	v24 =	vld [tilespmem:s12+$0x60A0]  }
0x49: {  	v21 =	vld [tilespmem:s12+$0x80A0]  }
0x4a: {  	v9 =	vld [tilespmem:s12+$0x60D0]  }
0x4b: {  	v20 =	vld [tilespmem:s12+$0xB0]  }
0x4c: {  	v10 =	vld [tilespmem:s12+$0x40D0]  }
0x4d: {  	v11 =	vld [tilespmem:s12+$0x80C0]  }
0x4e: {  	v12 =	vld [tilespmem:s12+$0x60C0]  }
0x4f: {  	v13 =	vld [tilespmem:s12+$0x40C0]  }
0x50: {  	v17 =	vld [tilespmem:s12+$0x80B0]  }
0x51: {  	v22 =	vld [tilespmem:s12+$0x60B0]  }
0x52: {  	s11 =	simm.s32 $0x0;
	v25 =	vld [tilespmem:s12+$0x40B0]  }
0x53: {  	v29 =	vadd.s32 s11, v0;
	v31 =	vld [tilespmem:s12+$0x8080]  }
0x54: {  	v14 =	vshll.u32 v29, $0x2;
	v33 =	vld [tilespmem:s12+$0x6080]  }
0x55: {  	v15 =	vand.u32 $0x7F, v29;
	v14 =	vand.u32 $0x1E00, v14;
	v34 =	vld [tilespmem:s12+$0x80]  }
0x56: {  	v35 =	vor.u32 v15, v14;
	v32 =	vld [tilespmem:s12+$0x4080]  }
0x57: {  	s13 =	simm.s32 $0x3F0;
	v36 =	vor.u32 $0x80, v35;
	v27 =	vld [tilespmem:s12+$0xC0]  }
0x58: {  	v30 =	vadd.s32 s13, v0;
	v37 =	vor.u32 $0x100, v35;
	v15 =	vld [tilespmem:s12+$0xD0]  }
0x59: {  	s14 =	simm.s32 $0x7E0;
	v38 =	vshll.u32 v30, $0x2;
	v28 =	vld [tilespmem:s12+$0x40A0]  }
0x5a: {  	v61 =	vand.u32 $0x7F, v30;
	v60 =	vand.u32 $0x3E00, v38;
	v14 =	vld [tilespmem:s12+$0x80D0];
	[tilespmem:v29+s23+$0x0] =	vst.idx.msk $0xffff, v34;
	v29 =	vadd.s32 s14, v0  }
0x5b: {  	[tilespmem:v35+s24+$0x0] =	vst.idx.msk $0xffff, v32;
	v62 =	vshll.u32 v29, $0x2;
	v32 =	vor.u32 v61, v60  }
0x5c: {  	s13 =	simm.s32 $0xBD0;
	v63 =	vand.u32 $0x7F, v29;
	[tilespmem:v36+s24+$0x0] =	vst.idx.msk $0xffff, v33;
	v35 =	vand.u32 $0x7E00, v62;
	v34 =	vor.u32 $0x80, v32  }
0x5d: {  	s3 =	simm.s32 $0x0;
	s0 =	sshll.u32 s29, $0x1;
	s12 =	simm.s32 $0x1;
	v33 =	vor.u32 $0x100, v32;
	[tilespmem:v37+s24+$0x0] =	vst.idx.msk $0xffff, v31;
	v31 =	vor.u32 v63, v35  }
.LBB2_3:
0x5e: {  	p4 =	sne.s32 s12, $0x3E  }
0x5f: {  	[tilespmem:v30+s23+$0x0] =	vst.idx.msk $0xffff, v26;
	v26 =	vor.u32 $0x80, v31;
	v30 =	vadd.s32 s13, v0;
	s11 =	sadd.s32 $0x200, s11;
	s13 =	smov.u32 s12;
	s12 =	sadd.s32 $0x1, s12  }
0x60: {  	[tilespmem:v32+s24+$0x0] =	vst.idx.msk $0xffff, v19;
	v19 =	vor.u32 $0x100, v31;
	v32 =	vshll.u32 v30, $0x2  }
0x61: {  	[tilespmem:v34+s24+$0x0] =	vst.idx.msk $0xffff, v16;
	v16 =	vand.u32 $0x7E00, v32;
	v32 =	vand.u32 $0x7F, v30  }
0x62: {  	s14 =	sadd.s32 $0xFC0, s3;
	[tilespmem:v33+s24+$0x0] =	vst.idx.msk $0xffff, v23;
	v16 =	vor.u32 v32, v16  }
0x63: {  	v23 =	vadd.s32 s14, v0;
	[tilespmem:v29+s23+$0x0] =	vst.idx.msk $0xffff, v18;
	v18 =	vor.u32 $0x80, v16  }
0x64: {  	v29 =	vshll.u32 v23, $0x2;
	[tilespmem:v31+s24+$0x0] =	vst.idx.msk $0xffff, v28;
	v28 =	vor.u32 $0x100, v16  }
0x65: {  	[tilespmem:v26+s24+$0x0] =	vst.idx.msk $0xffff, v24;
	v24 =	vand.u32 $0x7E00, v29;
	v26 =	vand.u32 $0x7F, v23  }
0x66: {  	s14 =	sadd.s32 $0x13B0, s3;
	[tilespmem:v19+s24+$0x0] =	vst.idx.msk $0xffff, v21;
	v19 =	vor.u32 v26, v24  }
0x67: {  	v21 =	vadd.s32 s14, v0;
	[tilespmem:v30+s23+$0x0] =	vst.idx.msk $0xffff, v20;
	v20 =	vor.u32 $0x80, v19  }
0x68: {  	v24 =	vshll.u32 v21, $0x2;
	[tilespmem:v16+s24+$0x0] =	vst.idx.msk $0xffff, v25;
	v16 =	vor.u32 $0x100, v19  }
0x69: {  	[tilespmem:v18+s24+$0x0] =	vst.idx.msk $0xffff, v22;
	v18 =	vand.u32 $0x5E00, v24;
	v22 =	vand.u32 $0x7F, v21  }
0x6a: {  	s14 =	sadd.s32 $0x17A0, s3;
	[tilespmem:v28+s24+$0x0] =	vst.idx.msk $0xffff, v17;
	v17 =	vor.u32 v22, v18  }
0x6b: {  	v22 =	vadd.s32 s14, v0;
	[tilespmem:v23+s23+$0x0] =	vst.idx.msk $0xffff, v27;
	v18 =	vor.u32 $0x80, v17  }
0x6c: {  	[tilespmem:v19+s24+$0x0] =	vst.idx.msk $0xffff, v13;
	v13 =	vor.u32 $0x100, v17;
	v19 =	vshll.u32 v22, $0x2  }
0x6d: {  	[tilespmem:v20+s24+$0x0] =	vst.idx.msk $0xffff, v12;
	v12 =	vand.u32 $0x7E00, v19;
	v19 =	vand.u32 $0x7F, v22  }
0x6e: {  	s14 =	sadd.s32 $0x1B90, s3;
	s3 =	smov.u32 s13;
	[tilespmem:v16+s24+$0x0] =	vst.idx.msk $0xffff, v11;
	v11 =	vor.u32 v19, v12  }
0x6f: {  	[tilespmem:v21+s23+$0x0] =	vst.idx.msk $0xffff, v15;
	v12 =	vor.u32 $0x80, v11;
	v15 =	vadd.s32 s14, v0  }
0x70: {  	[tilespmem:v17+s24+$0x0] =	vst.idx.msk $0xffff, v10;
	v10 =	vor.u32 $0x100, v11;
	v16 =	vshll.u32 v15, $0x2  }
0x71: {  	[tilespmem:v18+s24+$0x0] =	vst.idx.msk $0xffff, v9;
	v9 =	vand.u32 $0x7E00, v16;
	v16 =	vand.u32 $0x7F, v15  }
0x72: {  	[tilespmem:v13+s24+$0x0] =	vst.idx.msk $0xffff, v14;
	v9 =	vor.u32 v16, v9  }
0x73: {  	[tilespmem:v22+s23+$0x0] =	vst.idx.msk $0xffff, v8;
	v8 =	vor.u32 $0x80, v9  }
0x74: {  	[tilespmem:v11+s24+$0x0] =	vst.idx.msk $0xffff, v7;
	v7 =	vor.u32 $0x100, v9  }
0x75: {  	[tilespmem:v12+s24+$0x0] =	vst.idx.msk $0xffff, v6  }
0x76: {  	[tilespmem:v10+s24+$0x0] =	vst.idx.msk $0xffff, v5  }
0x77: {  	[tilespmem:v15+s23+$0x0] =	vst.idx.msk $0xffff, v4  }
0x78: {  	[tilespmem:v9+s24+$0x0] =	vst.idx.msk $0xffff, v3  }
0x79: {  	v29 =	vadd.s32 s3, v0;
	[tilespmem:v8+s24+$0x0] =	vst.idx.msk $0xffff, v2  }
0x7a: {  	s13 =	sshra.s32 s11, $0x2;
	v2 =	vshll.u32 v29, $0x2;
	[tilespmem:v7+s24+$0x0] =	vst.idx.msk $0xffff, v1  }
0x7b: {  	v1 =	vand.u32 $0x1E00, v2;
	v2 =	vand.u32 $0x7F, v29;
	v19 =	vld [tilespmem:s13+$0x4090]  }
0x7c: {  	v31 =	vor.u32 v2, v1;
	v16 =	vld [tilespmem:s13+$0x6090]  }
0x7d: {  	v35 =	vor.u32 $0x80, v31;
	v26 =	vld [tilespmem:s13+$0x90]  }
0x7e: {  	v36 =	vor.u32 $0x100, v31;
	v1 =	vld [tilespmem:s13+$0x80F0]  }
0x7f: {  	v2 =	vld [tilespmem:s13+$0x60F0]  }
0x80: {  	v18 =	vld [tilespmem:s13+$0xA0]  }
0x81: {  	v23 =	vld [tilespmem:s13+$0x8090]  }
0x82: {  	v3 =	vld [tilespmem:s13+$0x40F0]  }
0x83: {  	v4 =	vld [tilespmem:s13+$0xF0]  }
0x84: {  	v5 =	vld [tilespmem:s13+$0x80E0]  }
0x85: {  	v6 =	vld [tilespmem:s13+$0x60E0]  }
0x86: {  	v7 =	vld [tilespmem:s13+$0x40E0]  }
0x87: {  	v8 =	vld [tilespmem:s13+$0xE0]  }
0x88: {  	v24 =	vld [tilespmem:s13+$0x60A0]  }
0x89: {  	v21 =	vld [tilespmem:s13+$0x80A0]  }
0x8a: {  	v9 =	vld [tilespmem:s13+$0x60D0]  }
0x8b: {  	v20 =	vld [tilespmem:s13+$0xB0]  }
0x8c: {  	v10 =	vld [tilespmem:s13+$0x40D0]  }
0x8d: {  	v11 =	vld [tilespmem:s13+$0x80C0]  }
0x8e: {  	v12 =	vld [tilespmem:s13+$0x60C0]  }
0x8f: {  	v13 =	vld [tilespmem:s13+$0x40C0]  }
0x90: {  	v17 =	vld [tilespmem:s13+$0x80B0]  }
0x91: {  	v22 =	vld [tilespmem:s13+$0x60B0]  }
0x92: {  	v25 =	vld [tilespmem:s13+$0x40B0]  }
0x93: {  	v37 =	vld [tilespmem:s13+$0x8080]  }
0x94: {  	v38 =	vld [tilespmem:s13+$0x6080]  }
0x95: {  	v33 =	vld [tilespmem:s13+$0x4080]  }
0x96: {  	s14 =	sadd.s32 $0x3F0, s3;
	v34 =	vld [tilespmem:s13+$0x80]  }
0x97: {  	v30 =	vadd.s32 s14, v0;
	v27 =	vld [tilespmem:s13+$0xC0]  }
0x98: {  	v14 =	vshll.u32 v30, $0x2;
	v15 =	vld [tilespmem:s13+$0xD0]  }
0x99: {  	v39 =	vand.u32 $0x7F, v30;
	v32 =	vand.u32 $0x3E00, v14;
	v28 =	vld [tilespmem:s13+$0x40A0]  }
.Ltmp2:
0x9a: {  	v32 =	vor.u32 v39, v32;
	v14 =	vld [tilespmem:s13+$0x80D0];
	s13 =	sadd.s32 $0x7E0, s3;
	(pc) =	sbr.rel @p4 .LBB2_3-.Ltmp2, $4  }
0x9b: {  	[tilespmem:v29+s23+$0x0] =	vst.idx.msk $0xffff, v34;
	v34 =	vor.u32 $0x80, v32;
	v29 =	vadd.s32 s13, v0  }
0x9c: {  	[tilespmem:v31+s24+$0x0] =	vst.idx.msk $0xffff, v33;
	v33 =	vor.u32 $0x100, v32;
	v31 =	vshll.u32 v29, $0x2  }
0x9d: {  	[tilespmem:v35+s24+$0x0] =	vst.idx.msk $0xffff, v38;
	v31 =	vand.u32 $0x7E00, v31;
	v35 =	vand.u32 $0x7F, v29  }
0x9e: {  	s13 =	sadd.s32 $0xBD0, s3;
	[tilespmem:v36+s24+$0x0] =	vst.idx.msk $0xffff, v37;
	v31 =	vor.u32 v35, v31  }
0x9f: {  	_ =	sdelay $0x3  }
0xa0: {  	[tilespmem:v30+s23+$0x0] =	vst.idx.msk $0xffff, v26  }
0xa1: {  	v26 =	vor.u32 $0x80, v31;
	v30 =	vadd.s32 s13, v0;
	[tilespmem:v32+s24+$0x0] =	vst.idx.msk $0xffff, v19  }
0xa2: {  	v19 =	vor.u32 $0x100, v31;
	v55 =	vshll.u32 v30, $0x2;
	[tilespmem:v34+s24+$0x0] =	vst.idx.msk $0xffff, v16  }
0xa3: {  	v56 =	vand.u32 $0x7F, v30;
	v16 =	vand.u32 $0x7E00, v55;
	[tilespmem:v33+s24+$0x0] =	vst.idx.msk $0xffff, v23  }
0xa4: {  	s11 =	sadd.s32 $0xFC0, s3;
	v16 =	vor.u32 v56, v16;
	[tilespmem:v29+s23+$0x0] =	vst.idx.msk $0xffff, v18  }
0xa5: {  	v23 =	vadd.s32 s11, v0;
	v18 =	vor.u32 $0x80, v16;
	[tilespmem:v31+s24+$0x0] =	vst.idx.msk $0xffff, v28  }
0xa6: {  	v29 =	vshll.u32 v23, $0x2;
	v28 =	vor.u32 $0x100, v16;
	[tilespmem:v26+s24+$0x0] =	vst.idx.msk $0xffff, v24  }
0xa7: {  	v24 =	vand.u32 $0x7E00, v29;
	v26 =	vand.u32 $0x7F, v23;
	[tilespmem:v19+s24+$0x0] =	vst.idx.msk $0xffff, v21  }
0xa8: {  	s14 =	sadd.s32 $0x13B0, s3;
	v19 =	vor.u32 v26, v24;
	[tilespmem:v30+s23+$0x0] =	vst.idx.msk $0xffff, v20  }
0xa9: {  	v21 =	vadd.s32 s14, v0;
	v20 =	vor.u32 $0x80, v19;
	[tilespmem:v16+s24+$0x0] =	vst.idx.msk $0xffff, v25  }
0xaa: {  	v24 =	vshll.u32 v21, $0x2;
	v16 =	vor.u32 $0x100, v19;
	[tilespmem:v18+s24+$0x0] =	vst.idx.msk $0xffff, v22  }
0xab: {  	v18 =	vand.u32 $0x5E00, v24;
	v22 =	vand.u32 $0x7F, v21;
	[tilespmem:v28+s24+$0x0] =	vst.idx.msk $0xffff, v17  }
0xac: {  	s12 =	sadd.s32 $0x17A0, s3;
	v17 =	vor.u32 v22, v18;
	[tilespmem:v23+s23+$0x0] =	vst.idx.msk $0xffff, v27  }
0xad: {  	v22 =	vadd.s32 s12, v0;
	v18 =	vor.u32 $0x80, v17;
	[tilespmem:v19+s24+$0x0] =	vst.idx.msk $0xffff, v13  }
0xae: {  	v13 =	vor.u32 $0x100, v17;
	v19 =	vshll.u32 v22, $0x2;
	[tilespmem:v20+s24+$0x0] =	vst.idx.msk $0xffff, v12  }
0xaf: {  	v12 =	vand.u32 $0x7E00, v19;
	v19 =	vand.u32 $0x7F, v22;
	[tilespmem:v16+s24+$0x0] =	vst.idx.msk $0xffff, v11  }
0xb0: {  	s13 =	sadd.s32 $0x1B90, s3;
	v11 =	vor.u32 v19, v12;
	[tilespmem:v21+s23+$0x0] =	vst.idx.msk $0xffff, v15  }
0xb1: {  	v12 =	vor.u32 $0x80, v11;
	v15 =	vadd.s32 s13, v0;
	[tilespmem:v17+s24+$0x0] =	vst.idx.msk $0xffff, v10  }
0xb2: {  	v10 =	vor.u32 $0x100, v11;
	v16 =	vshll.u32 v15, $0x2;
	[tilespmem:v18+s24+$0x0] =	vst.idx.msk $0xffff, v9  }
0xb3: {  	v9 =	vand.u32 $0x7E00, v16;
	v16 =	vand.u32 $0x7F, v15;
	[tilespmem:v13+s24+$0x0] =	vst.idx.msk $0xffff, v14  }
0xb4: {  	v9 =	vor.u32 v16, v9;
	[tilespmem:v22+s23+$0x0] =	vst.idx.msk $0xffff, v8  }
0xb5: {  	v8 =	vor.u32 $0x80, v9;
	[tilespmem:v11+s24+$0x0] =	vst.idx.msk $0xffff, v7  }
0xb6: {  	v7 =	vor.u32 $0x100, v9;
	[tilespmem:v12+s24+$0x0] =	vst.idx.msk $0xffff, v6  }
0xb7: {  	[tilespmem:v10+s24+$0x0] =	vst.idx.msk $0xffff, v5  }
0xb8: {  	[tilespmem:v15+s23+$0x0] =	vst.idx.msk $0xffff, v4  }
0xb9: {  	s14 =	smul.u32 $0x3F0, s31;
	[tilespmem:v9+s24+$0x0] =	vst.idx.msk $0xffff, v3  }
0xba: {  	s30 =	sor.u32 s16, s30;
	p4 =	sge.u32 s0, s10;
	[tilespmem:v8+s24+$0x0] =	vst.idx.msk $0xffff, v2  }
0xbb: {  	s0 =	sshll.u32 @!p4 s30, $0x7;
	s31 =	smul.u32 $0xFC0, s31;
	s3 =	sadd.s32 s4, s14;
	[tilespmem:v7+s24+$0x0] =	vst.idx.msk $0xffff, v1  }
0xbc: {  	[hbm4b:s3+s6] =	stream.linear.scatter [tilespmem:s23], [sflag:$0x3], $0x1F80, $0x38;
	[tilespmem:$0x19D80] =	vst v63  }
0xbd: {  	s0 =	sadd.s32 @!p4 $0x1000, s0;
	s11 =	simm.s32 @!p4 $0x400;
	s12 =	sadd.s32 s5, s31  }
0xbe: {  	[hbm4b:s12+s6] =	stream.linear.scatter [tilespmem:s24], [sflag:$0x3], $0x7E00, $0x38;
	[tilespmem:$0x19D80] =	vst v63  }
0xbf: {  	s13 =	simm.s32 @!p4 $0x0;
	s3 =	sadd.s32 @!p4 s1, s0;
	s12 =	simm.s32 @!p4 $0x61C00  }
0xc0: {  	[tilespmem:s13], [sflag:$0x1] =	stream.strided.gather @!p4 [hbm4b:s3+s11], $0x2000, s12, s11, $0x38;
	[tilespmem:$0x19D80] =	vst v63  }
0xc1: {  	s0 =	sadd.s32 @!p4 s2, s0;
	s3 =	simm.s32 @!p4 $0x4000  }
0xc2: {  	[tilespmem:s3], [sflag:$0x1] =	stream.strided.gather @!p4 [hbm4b:s0+s11], $0x6000, s12, s11, $0x38;
	[tilespmem:$0x19D80] =	vst v63  }
0xc3: {  	_ =	swait.ge [sflag:s25], $0x1F80  }
0xc4: {  	[sflag:s25] =	ssyncset.done $0x0  }
0xc5: {  	[sflag:s25] =	ssyncadd.s32 $0xFFFFE080  }
0xc6: {  	_ =	swait.ge [sflag:s25], $0x7E00  }
0xc7: {  	[sflag:s25] =	ssyncset.done $0x0  }
0xc8: {  	[sflag:s25] =	ssyncadd.s32 $0xFFFF8200  }
0xc9: {  	_ =	swait.ge [sflag:s26], $0x2000  }
0xca: {  	[sflag:s26] =	ssyncset.done $0x0  }
0xcb: {  	[sflag:s26] =	ssyncadd.s32 $0xFFFFE000  }
0xcc: {  	_ =	swait.ge [sflag:s26], $0x6000  }
0xcd: {  	[sflag:s26] =	ssyncset.done $0x0  }
0xce: {  	s13 =	simm.s32 $0x0;
	[sflag:s26] =	ssyncadd.s32 $0xFFFFA000  }
0xcf: {  	v19 =	vld [tilespmem:s13+$0xA090]  }
0xd0: {  	v16 =	vld [tilespmem:s13+$0xC090]  }
0xd1: {  	v26 =	vld [tilespmem:s13+$0x2090]  }
0xd2: {  	v1 =	vld [tilespmem:s13+$0xE0F0]  }
0xd3: {  	v2 =	vld [tilespmem:s13+$0xC0F0]  }
0xd4: {  	v18 =	vld [tilespmem:s13+$0x20A0]  }
0xd5: {  	v23 =	vld [tilespmem:s13+$0xE090]  }
0xd6: {  	v3 =	vld [tilespmem:s13+$0xA0F0]  }
0xd7: {  	v4 =	vld [tilespmem:s13+$0x20F0]  }
0xd8: {  	v5 =	vld [tilespmem:s13+$0xE0E0]  }
0xd9: {  	v6 =	vld [tilespmem:s13+$0xC0E0]  }
0xda: {  	v7 =	vld [tilespmem:s13+$0xA0E0]  }
0xdb: {  	v8 =	vld [tilespmem:s13+$0x20E0]  }
0xdc: {  	v24 =	vld [tilespmem:s13+$0xC0A0]  }
0xdd: {  	v21 =	vld [tilespmem:s13+$0xE0A0]  }
0xde: {  	v9 =	vld [tilespmem:s13+$0xC0D0]  }
0xdf: {  	v20 =	vld [tilespmem:s13+$0x20B0]  }
0xe0: {  	v10 =	vld [tilespmem:s13+$0xA0D0]  }
0xe1: {  	v11 =	vld [tilespmem:s13+$0xE0C0]  }
0xe2: {  	v12 =	vld [tilespmem:s13+$0xC0C0]  }
0xe3: {  	v13 =	vld [tilespmem:s13+$0xA0C0]  }
0xe4: {  	v17 =	vld [tilespmem:s13+$0xE0B0]  }
0xe5: {  	v22 =	vld [tilespmem:s13+$0xC0B0]  }
0xe6: {  	s3 =	simm.s32 $0x0;
	v25 =	vld [tilespmem:s13+$0xA0B0]  }
0xe7: {  	v29 =	vadd.s32 s3, v0;
	v31 =	vld [tilespmem:s13+$0xE080]  }
0xe8: {  	v14 =	vshll.u32 v29, $0x2;
	v57 =	vld [tilespmem:s13+$0xC080]  }
0xe9: {  	v15 =	vand.u32 $0x7F, v29;
	v14 =	vand.u32 $0x1E00, v14;
	v59 =	vld [tilespmem:s13+$0x2080]  }
0xea: {  	v35 =	vor.u32 v15, v14;
	v58 =	vld [tilespmem:s13+$0xA080]  }
0xeb: {  	s14 =	simm.s32 $0x3F0;
	v36 =	vor.u32 $0x80, v35;
	v27 =	vld [tilespmem:s13+$0x20C0]  }
0xec: {  	v30 =	vadd.s32 s14, v0;
	v37 =	vor.u32 $0x100, v35;
	v15 =	vld [tilespmem:s13+$0x20D0]  }
0xed: {  	s31 =	simm.s32 $0x7E0;
	v38 =	vshll.u32 v30, $0x2;
	v28 =	vld [tilespmem:s13+$0xA0A0]  }
0xee: {  	v61 =	vand.u32 $0x7F, v30;
	v60 =	vand.u32 $0x3E00, v38;
	v14 =	vld [tilespmem:s13+$0xE0D0];
	[tilespmem:v29+s23+$0x0] =	vst.idx.msk $0xffff, v59;
	v29 =	vadd.s32 s31, v0  }
0xef: {  	v32 =	vor.u32 v61, v60;
	[tilespmem:v35+s24+$0x0] =	vst.idx.msk $0xffff, v58;
	v62 =	vshll.u32 v29, $0x2  }
0xf0: {  	v34 =	vor.u32 $0x80, v32;
	v63 =	vand.u32 $0x7F, v29;
	[tilespmem:v36+s24+$0x0] =	vst.idx.msk $0xffff, v57;
	v35 =	vand.u32 $0x7E00, v62  }
0xf1: {  	v33 =	vor.u32 $0x100, v32;
	s11 =	simm.s32 $0x1;
	s12 =	simm.s32 $0xBD0;
	s0 =	simm.s32 $0x0;
	[tilespmem:v37+s24+$0x0] =	vst.idx.msk $0xffff, v31;
	v31 =	vor.u32 v63, v35  }
.LBB2_5:
0xf2: {  	p4 =	sne.s32 s11, $0x3E  }
0xf3: {  	[tilespmem:v30+s23+$0x0] =	vst.idx.msk $0xffff, v26;
	v26 =	vor.u32 $0x80, v31;
	v30 =	vadd.s32 s12, v0;
	s3 =	sadd.s32 $0x200, s3;
	s12 =	smov.u32 s11;
	s11 =	sadd.s32 $0x1, s11  }
0xf4: {  	[tilespmem:v32+s24+$0x0] =	vst.idx.msk $0xffff, v19;
	v19 =	vor.u32 $0x100, v31;
	v32 =	vshll.u32 v30, $0x2  }
0xf5: {  	[tilespmem:v34+s24+$0x0] =	vst.idx.msk $0xffff, v16;
	v16 =	vand.u32 $0x7E00, v32;
	v32 =	vand.u32 $0x7F, v30  }
0xf6: {  	s13 =	sadd.s32 $0xFC0, s0;
	[tilespmem:v33+s24+$0x0] =	vst.idx.msk $0xffff, v23;
	v16 =	vor.u32 v32, v16  }
0xf7: {  	v23 =	vadd.s32 s13, v0;
	[tilespmem:v29+s23+$0x0] =	vst.idx.msk $0xffff, v18;
	v18 =	vor.u32 $0x80, v16  }
0xf8: {  	v29 =	vshll.u32 v23, $0x2;
	[tilespmem:v31+s24+$0x0] =	vst.idx.msk $0xffff, v28;
	v28 =	vor.u32 $0x100, v16  }
0xf9: {  	[tilespmem:v26+s24+$0x0] =	vst.idx.msk $0xffff, v24;
	v24 =	vand.u32 $0x7E00, v29;
	v26 =	vand.u32 $0x7F, v23  }
0xfa: {  	s13 =	sadd.s32 $0x13B0, s0;
	[tilespmem:v19+s24+$0x0] =	vst.idx.msk $0xffff, v21;
	v19 =	vor.u32 v26, v24  }
0xfb: {  	v21 =	vadd.s32 s13, v0;
	[tilespmem:v30+s23+$0x0] =	vst.idx.msk $0xffff, v20;
	v20 =	vor.u32 $0x80, v19  }
0xfc: {  	v24 =	vshll.u32 v21, $0x2;
	[tilespmem:v16+s24+$0x0] =	vst.idx.msk $0xffff, v25;
	v16 =	vor.u32 $0x100, v19  }
0xfd: {  	[tilespmem:v18+s24+$0x0] =	vst.idx.msk $0xffff, v22;
	v18 =	vand.u32 $0x5E00, v24;
	v22 =	vand.u32 $0x7F, v21  }
0xfe: {  	s13 =	sadd.s32 $0x17A0, s0;
	[tilespmem:v28+s24+$0x0] =	vst.idx.msk $0xffff, v17;
	v17 =	vor.u32 v22, v18  }
0xff: {  	v22 =	vadd.s32 s13, v0;
	[tilespmem:v23+s23+$0x0] =	vst.idx.msk $0xffff, v27;
	v18 =	vor.u32 $0x80, v17  }
0x100: {  	[tilespmem:v19+s24+$0x0] =	vst.idx.msk $0xffff, v13;
	v13 =	vor.u32 $0x100, v17;
	v19 =	vshll.u32 v22, $0x2  }
0x101: {  	[tilespmem:v20+s24+$0x0] =	vst.idx.msk $0xffff, v12;
	v12 =	vand.u32 $0x7E00, v19;
	v19 =	vand.u32 $0x7F, v22  }
0x102: {  	s13 =	sadd.s32 $0x1B90, s0;
	s0 =	smov.u32 s12;
	[tilespmem:v16+s24+$0x0] =	vst.idx.msk $0xffff, v11;
	v11 =	vor.u32 v19, v12  }
0x103: {  	[tilespmem:v21+s23+$0x0] =	vst.idx.msk $0xffff, v15;
	v12 =	vor.u32 $0x80, v11;
	v15 =	vadd.s32 s13, v0  }
0x104: {  	[tilespmem:v17+s24+$0x0] =	vst.idx.msk $0xffff, v10;
	v10 =	vor.u32 $0x100, v11;
	v16 =	vshll.u32 v15, $0x2  }
0x105: {  	[tilespmem:v18+s24+$0x0] =	vst.idx.msk $0xffff, v9;
	v9 =	vand.u32 $0x7E00, v16;
	v16 =	vand.u32 $0x7F, v15  }
0x106: {  	[tilespmem:v13+s24+$0x0] =	vst.idx.msk $0xffff, v14;
	v9 =	vor.u32 v16, v9  }
0x107: {  	[tilespmem:v22+s23+$0x0] =	vst.idx.msk $0xffff, v8;
	v8 =	vor.u32 $0x80, v9  }
0x108: {  	[tilespmem:v11+s24+$0x0] =	vst.idx.msk $0xffff, v7;
	v7 =	vor.u32 $0x100, v9  }
0x109: {  	[tilespmem:v12+s24+$0x0] =	vst.idx.msk $0xffff, v6  }
0x10a: {  	[tilespmem:v10+s24+$0x0] =	vst.idx.msk $0xffff, v5  }
0x10b: {  	[tilespmem:v15+s23+$0x0] =	vst.idx.msk $0xffff, v4  }
0x10c: {  	[tilespmem:v9+s24+$0x0] =	vst.idx.msk $0xffff, v3  }
0x10d: {  	v29 =	vadd.s32 s0, v0;
	[tilespmem:v8+s24+$0x0] =	vst.idx.msk $0xffff, v2  }
0x10e: {  	s12 =	sshra.s32 s3, $0x2;
	v2 =	vshll.u32 v29, $0x2;
	[tilespmem:v7+s24+$0x0] =	vst.idx.msk $0xffff, v1  }
0x10f: {  	v1 =	vand.u32 $0x1E00, v2;
	v2 =	vand.u32 $0x7F, v29;
	v19 =	vld [tilespmem:s12+$0xA090]  }
0x110: {  	v31 =	vor.u32 v2, v1;
	v16 =	vld [tilespmem:s12+$0xC090]  }
0x111: {  	v35 =	vor.u32 $0x80, v31;
	v26 =	vld [tilespmem:s12+$0x2090]  }
0x112: {  	v36 =	vor.u32 $0x100, v31;
	v1 =	vld [tilespmem:s12+$0xE0F0]  }
0x113: {  	v2 =	vld [tilespmem:s12+$0xC0F0]  }
0x114: {  	v18 =	vld [tilespmem:s12+$0x20A0]  }
0x115: {  	v23 =	vld [tilespmem:s12+$0xE090]  }
0x116: {  	v3 =	vld [tilespmem:s12+$0xA0F0]  }
0x117: {  	v4 =	vld [tilespmem:s12+$0x20F0]  }
0x118: {  	v5 =	vld [tilespmem:s12+$0xE0E0]  }
0x119: {  	v6 =	vld [tilespmem:s12+$0xC0E0]  }
0x11a: {  	v7 =	vld [tilespmem:s12+$0xA0E0]  }
0x11b: {  	v8 =	vld [tilespmem:s12+$0x20E0]  }
0x11c: {  	v24 =	vld [tilespmem:s12+$0xC0A0]  }
0x11d: {  	v21 =	vld [tilespmem:s12+$0xE0A0]  }
0x11e: {  	v9 =	vld [tilespmem:s12+$0xC0D0]  }
0x11f: {  	v20 =	vld [tilespmem:s12+$0x20B0]  }
0x120: {  	v10 =	vld [tilespmem:s12+$0xA0D0]  }
0x121: {  	v11 =	vld [tilespmem:s12+$0xE0C0]  }
0x122: {  	v12 =	vld [tilespmem:s12+$0xC0C0]  }
0x123: {  	v13 =	vld [tilespmem:s12+$0xA0C0]  }
0x124: {  	v17 =	vld [tilespmem:s12+$0xE0B0]  }
0x125: {  	v22 =	vld [tilespmem:s12+$0xC0B0]  }
0x126: {  	v25 =	vld [tilespmem:s12+$0xA0B0]  }
0x127: {  	v37 =	vld [tilespmem:s12+$0xE080]  }
0x128: {  	v38 =	vld [tilespmem:s12+$0xC080]  }
0x129: {  	v33 =	vld [tilespmem:s12+$0xA080]  }
0x12a: {  	s13 =	sadd.s32 $0x3F0, s0;
	v34 =	vld [tilespmem:s12+$0x2080]  }
0x12b: {  	v30 =	vadd.s32 s13, v0;
	v27 =	vld [tilespmem:s12+$0x20C0]  }
0x12c: {  	v14 =	vshll.u32 v30, $0x2;
	v15 =	vld [tilespmem:s12+$0x20D0]  }
0x12d: {  	v39 =	vand.u32 $0x7F, v30;
	v32 =	vand.u32 $0x3E00, v14;
	v28 =	vld [tilespmem:s12+$0xA0A0]  }
.Ltmp3:
0x12e: {  	v32 =	vor.u32 v39, v32;
	v14 =	vld [tilespmem:s12+$0xE0D0];
	s12 =	sadd.s32 $0x7E0, s0;
	(pc) =	sbr.rel @p4 .LBB2_5-.Ltmp3, $4  }
0x12f: {  	[tilespmem:v29+s23+$0x0] =	vst.idx.msk $0xffff, v34;
	v34 =	vor.u32 $0x80, v32;
	v29 =	vadd.s32 s12, v0  }
0x130: {  	[tilespmem:v31+s24+$0x0] =	vst.idx.msk $0xffff, v33;
	v33 =	vor.u32 $0x100, v32;
	v31 =	vshll.u32 v29, $0x2  }
0x131: {  	[tilespmem:v35+s24+$0x0] =	vst.idx.msk $0xffff, v38;
	v31 =	vand.u32 $0x7E00, v31;
	v35 =	vand.u32 $0x7F, v29  }
0x132: {  	s12 =	sadd.s32 $0xBD0, s0;
	[tilespmem:v36+s24+$0x0] =	vst.idx.msk $0xffff, v37;
	v31 =	vor.u32 v35, v31  }
0x133: {  	_ =	sdelay $0x3  }
0x134: {  	[tilespmem:v30+s23+$0x0] =	vst.idx.msk $0xffff, v26  }
0x135: {  	v59 =	vor.u32 $0x80, v31;
	v60 =	vadd.s32 s12, v0;
	[tilespmem:v32+s24+$0x0] =	vst.idx.msk $0xffff, v19  }
0x136: {  	v61 =	vor.u32 $0x100, v31;
	v62 =	vshll.u32 v60, $0x2;
	[tilespmem:v34+s24+$0x0] =	vst.idx.msk $0xffff, v16  }
0x137: {  	v36 =	vand.u32 $0x7F, v60;
	v63 =	vand.u32 $0x7E00, v62;
	[tilespmem:v33+s24+$0x0] =	vst.idx.msk $0xffff, v23  }
0x138: {  	s3 =	sadd.s32 $0xFC0, s0;
	v16 =	vor.u32 v36, v63;
	[tilespmem:v29+s23+$0x0] =	vst.idx.msk $0xffff, v18  }
0x139: {  	v38 =	vadd.s32 s3, v0;
	v37 =	vor.u32 $0x80, v16;
	[tilespmem:v31+s24+$0x0] =	vst.idx.msk $0xffff, v28  }
0x13a: {  	v40 =	vshll.u32 v38, $0x2;
	v39 =	vor.u32 $0x100, v16;
	[tilespmem:v59+s24+$0x0] =	vst.idx.msk $0xffff, v24  }
0x13b: {  	v42 =	vand.u32 $0x7F, v38;
	v41 =	vand.u32 $0x7E00, v40;
	[tilespmem:v61+s24+$0x0] =	vst.idx.msk $0xffff, v21  }
0x13c: {  	s11 =	sadd.s32 $0x13B0, s0;
	v43 =	vor.u32 v42, v41;
	[tilespmem:v60+s23+$0x0] =	vst.idx.msk $0xffff, v20  }
0x13d: {  	v45 =	vadd.s32 s11, v0;
	v44 =	vor.u32 $0x80, v43;
	[tilespmem:v16+s24+$0x0] =	vst.idx.msk $0xffff, v25  }
0x13e: {  	v47 =	vshll.u32 v45, $0x2;
	v46 =	vor.u32 $0x100, v43;
	[tilespmem:v37+s24+$0x0] =	vst.idx.msk $0xffff, v22  }
0x13f: {  	v49 =	vand.u32 $0x7F, v45;
	v48 =	vand.u32 $0x5E00, v47;
	[tilespmem:v39+s24+$0x0] =	vst.idx.msk $0xffff, v17  }
0x140: {  	s12 =	sadd.s32 $0x17A0, s0;
	v50 =	vor.u32 v49, v48;
	[tilespmem:v38+s23+$0x0] =	vst.idx.msk $0xffff, v27  }
0x141: {  	v51 =	vadd.s32 s12, v0;
	v18 =	vor.u32 $0x80, v50;
	[tilespmem:v43+s24+$0x0] =	vst.idx.msk $0xffff, v13  }
0x142: {  	v53 =	vshll.u32 v51, $0x2;
	v52 =	vor.u32 $0x100, v50;
	[tilespmem:v44+s24+$0x0] =	vst.idx.msk $0xffff, v12  }
0x143: {  	v55 =	vand.u32 $0x7F, v51;
	v54 =	vand.u32 $0x7E00, v53;
	[tilespmem:v46+s24+$0x0] =	vst.idx.msk $0xffff, v11  }
0x144: {  	s13 =	sadd.s32 $0x1B90, s0;
	v56 =	vor.u32 v55, v54;
	[tilespmem:v45+s23+$0x0] =	vst.idx.msk $0xffff, v15  }
0x145: {  	v57 =	vadd.s32 s13, v0;
	v12 =	vor.u32 $0x80, v56;
	[tilespmem:v50+s24+$0x0] =	vst.idx.msk $0xffff, v10  }
0x146: {  	v58 =	vor.u32 $0x100, v56;
	v59 =	vshll.u32 v57, $0x2;
	[tilespmem:v18+s24+$0x0] =	vst.idx.msk $0xffff, v9  }
0x147: {  	v61 =	vand.u32 $0x7F, v57;
	v60 =	vand.u32 $0x7E00, v59;
	[tilespmem:v52+s24+$0x0] =	vst.idx.msk $0xffff, v14  }
0x148: {  	v9 =	vor.u32 v61, v60;
	[tilespmem:v51+s23+$0x0] =	vst.idx.msk $0xffff, v8  }
0x149: {  	v62 =	vor.u32 $0x80, v9;
	[tilespmem:v56+s24+$0x0] =	vst.idx.msk $0xffff, v7  }
0x14a: {  	v63 =	vor.u32 $0x100, v9;
	[tilespmem:v12+s24+$0x0] =	vst.idx.msk $0xffff, v6  }
0x14b: {  	[tilespmem:v58+s24+$0x0] =	vst.idx.msk $0xffff, v5  }
0x14c: {  	s29 =	sadd.s32 $0x1, s29;
	[tilespmem:v57+s23+$0x0] =	vst.idx.msk $0xffff, v4  }
0x14d: {  	s14 =	smul.u32 $0x3F0, s30;
	p4 =	sne.s32 s29, $0x6;
	[tilespmem:v9+s24+$0x0] =	vst.idx.msk $0xffff, v3  }
.Ltmp4:
0x14e: {  	[tilespmem:v62+s24+$0x0] =	vst.idx.msk $0xffff, v2;
	(pc) =	sbr.rel @p4 .LBB2_2-.Ltmp4, $4  }
0x14f: {  	s30 =	smul.u32 $0xFC0, s30;
	s0 =	sadd.s32 s4, s14;
	[tilespmem:v63+s24+$0x0] =	vst.idx.msk $0xffff, v1  }
0x150: {  	[hbm4b:s0+s6] =	stream.linear.scatter [tilespmem:s23], [sflag:$0x3], $0x1F80, $0x38;
	[tilespmem:$0x19D80] =	vst v63  }
0x151: {  	s31 =	sadd.s32 s5, s30  }
0x152: {  	[hbm4b:s31+s6] =	stream.linear.scatter [tilespmem:s24], [sflag:$0x3], $0x7E00, $0x38;
	[tilespmem:$0x19D80] =	vst v63  }
.Ltmp5:
0x153: {  	(pc) =	sbr.rel @!p0 .LBB2_8-.Ltmp5, $1  }
0x154: {  	_ =	sdelay $0x3  }
.Ltmp6:
0x155: {  	(pc) =	sbr.rel @p2 .LBB2_16-.Ltmp6, $4  }
.Ltmp7:
0x156: {  	(pc) =	sbr.rel @!p2 .LBB2_15-.Ltmp7, $4  }
0x157: {  	_ = 	snop  }
0x158: {  	_ = 	snop  }
0x159: {  	_ = 	snop  }
0x15a: {  	_ = 	snop  }
.LBB2_8:
0x15b: {  	_ =	swait.ge [sflag:s25], $0x1F80  }
0x15c: {  	[sflag:s25] =	ssyncset.done $0x0  }
0x15d: {  	[sflag:s25] =	ssyncadd.s32 $0xFFFFE080  }
0x15e: {  	_ =	swait.ge [sflag:s25], $0x7E00  }
0x15f: {  	[sflag:s25] =	ssyncset.done $0x0  }
0x160: {  	[sflag:s25] =	ssyncadd.s32 $0xFFFF8200  }
0x161: {  	_ =	swait.ge [sflag:s22], $0x2000  }
0x162: {  	[sflag:s22] =	ssyncset.done $0x0  }
0x163: {  	[sflag:s22] =	ssyncadd.s32 $0xFFFFE000  }
0x164: {  	_ =	swait.ge [sflag:s22], $0x6000  }
0x165: {  	[sflag:s22] =	ssyncset.done $0x0  }
0x166: {  	s0 =	simm.s32 $0x0;
	[sflag:s22] =	ssyncadd.s32 $0xFFFFA000  }
0x167: {  	v19 =	vld [tilespmem:s0+$0x4090]  }
0x168: {  	v16 =	vld [tilespmem:s0+$0x6090]  }
0x169: {  	v26 =	vld [tilespmem:s0+$0x90]  }
0x16a: {  	v1 =	vld [tilespmem:s0+$0x80F0]  }
0x16b: {  	v2 =	vld [tilespmem:s0+$0x60F0]  }
0x16c: {  	v18 =	vld [tilespmem:s0+$0xA0]  }
0x16d: {  	v23 =	vld [tilespmem:s0+$0x8090]  }
0x16e: {  	v3 =	vld [tilespmem:s0+$0x40F0]  }
0x16f: {  	v4 =	vld [tilespmem:s0+$0xF0]  }
0x170: {  	v5 =	vld [tilespmem:s0+$0x80E0]  }
0x171: {  	v6 =	vld [tilespmem:s0+$0x60E0]  }
0x172: {  	v7 =	vld [tilespmem:s0+$0x40E0]  }
0x173: {  	v8 =	vld [tilespmem:s0+$0xE0]  }
0x174: {  	v24 =	vld [tilespmem:s0+$0x60A0]  }
0x175: {  	v21 =	vld [tilespmem:s0+$0x80A0]  }
0x176: {  	v9 =	vld [tilespmem:s0+$0x60D0]  }
0x177: {  	v20 =	vld [tilespmem:s0+$0xB0]  }
0x178: {  	v10 =	vld [tilespmem:s0+$0x40D0]  }
0x179: {  	v11 =	vld [tilespmem:s0+$0x80C0]  }
0x17a: {  	v12 =	vld [tilespmem:s0+$0x60C0]  }
0x17b: {  	v13 =	vld [tilespmem:s0+$0x40C0]  }
0x17c: {  	v17 =	vld [tilespmem:s0+$0x80B0]  }
0x17d: {  	v22 =	vld [tilespmem:s0+$0x60B0]  }
0x17e: {  	s3 =	simm.s32 $0x0;
	v25 =	vld [tilespmem:s0+$0x40B0]  }
0x17f: {  	v29 =	vadd.s32 s3, v0;
	v31 =	vld [tilespmem:s0+$0x8080]  }
0x180: {  	v14 =	vshll.u32 v29, $0x2;
	v33 =	vld [tilespmem:s0+$0x6080]  }
0x181: {  	v15 =	vand.u32 $0x7F, v29;
	v14 =	vand.u32 $0x1E00, v14;
	v34 =	vld [tilespmem:s0+$0x80]  }
0x182: {  	v35 =	vor.u32 v15, v14;
	v32 =	vld [tilespmem:s0+$0x4080]  }
0x183: {  	s11 =	simm.s32 $0x3F0;
	v36 =	vor.u32 $0x80, v35;
	v27 =	vld [tilespmem:s0+$0xC0]  }
0x184: {  	v30 =	vadd.s32 s11, v0;
	v37 =	vor.u32 $0x100, v35;
	v15 =	vld [tilespmem:s0+$0xD0]  }
0x185: {  	s31 =	simm.s32 $0x7E0;
	v38 =	vshll.u32 v30, $0x2;
	v28 =	vld [tilespmem:s0+$0x40A0]  }
0x186: {  	v61 =	vand.u32 $0x7F, v30;
	v60 =	vand.u32 $0x3E00, v38;
	v14 =	vld [tilespmem:s0+$0x80D0];
	[tilespmem:v29+s23+$0x0] =	vst.idx.msk $0xffff, v34;
	v29 =	vadd.s32 s31, v0  }
0x187: {  	[tilespmem:v35+s24+$0x0] =	vst.idx.msk $0xffff, v32;
	v62 =	vshll.u32 v29, $0x2;
	v32 =	vor.u32 v61, v60  }
0x188: {  	v63 =	vand.u32 $0x7F, v29;
	[tilespmem:v36+s24+$0x0] =	vst.idx.msk $0xffff, v33;
	v35 =	vand.u32 $0x7E00, v62;
	v34 =	vor.u32 $0x80, v32  }
0x189: {  	s12 =	simm.s32 $0xBD0;
	s11 =	simm.s32 $0x1;
	s0 =	simm.s32 $0x0;
	v33 =	vor.u32 $0x100, v32;
	[tilespmem:v37+s24+$0x0] =	vst.idx.msk $0xffff, v31;
	v31 =	vor.u32 v63, v35  }
.LBB2_9:
0x18a: {  	p4 =	sne.s32 s11, $0x3E  }
0x18b: {  	[tilespmem:v30+s23+$0x0] =	vst.idx.msk $0xffff, v26;
	v26 =	vor.u32 $0x80, v31;
	v30 =	vadd.s32 s12, v0;
	s3 =	sadd.s32 $0x200, s3;
	s12 =	smov.u32 s11;
	s11 =	sadd.s32 $0x1, s11  }
0x18c: {  	[tilespmem:v32+s24+$0x0] =	vst.idx.msk $0xffff, v19;
	v19 =	vor.u32 $0x100, v31;
	v32 =	vshll.u32 v30, $0x2  }
0x18d: {  	[tilespmem:v34+s24+$0x0] =	vst.idx.msk $0xffff, v16;
	v16 =	vand.u32 $0x7E00, v32;
	v32 =	vand.u32 $0x7F, v30  }
0x18e: {  	s13 =	sadd.s32 $0xFC0, s0;
	[tilespmem:v33+s24+$0x0] =	vst.idx.msk $0xffff, v23;
	v16 =	vor.u32 v32, v16  }
0x18f: {  	v23 =	vadd.s32 s13, v0;
	[tilespmem:v29+s23+$0x0] =	vst.idx.msk $0xffff, v18;
	v18 =	vor.u32 $0x80, v16  }
0x190: {  	v29 =	vshll.u32 v23, $0x2;
	[tilespmem:v31+s24+$0x0] =	vst.idx.msk $0xffff, v28;
	v28 =	vor.u32 $0x100, v16  }
0x191: {  	[tilespmem:v26+s24+$0x0] =	vst.idx.msk $0xffff, v24;
	v24 =	vand.u32 $0x7E00, v29;
	v26 =	vand.u32 $0x7F, v23  }
0x192: {  	s13 =	sadd.s32 $0x13B0, s0;
	[tilespmem:v19+s24+$0x0] =	vst.idx.msk $0xffff, v21;
	v19 =	vor.u32 v26, v24  }
0x193: {  	v21 =	vadd.s32 s13, v0;
	[tilespmem:v30+s23+$0x0] =	vst.idx.msk $0xffff, v20;
	v20 =	vor.u32 $0x80, v19  }
0x194: {  	v24 =	vshll.u32 v21, $0x2;
	[tilespmem:v16+s24+$0x0] =	vst.idx.msk $0xffff, v25;
	v16 =	vor.u32 $0x100, v19  }
0x195: {  	[tilespmem:v18+s24+$0x0] =	vst.idx.msk $0xffff, v22;
	v18 =	vand.u32 $0x5E00, v24;
	v22 =	vand.u32 $0x7F, v21  }
0x196: {  	s13 =	sadd.s32 $0x17A0, s0;
	[tilespmem:v28+s24+$0x0] =	vst.idx.msk $0xffff, v17;
	v17 =	vor.u32 v22, v18  }
0x197: {  	v22 =	vadd.s32 s13, v0;
	[tilespmem:v23+s23+$0x0] =	vst.idx.msk $0xffff, v27;
	v18 =	vor.u32 $0x80, v17  }
0x198: {  	[tilespmem:v19+s24+$0x0] =	vst.idx.msk $0xffff, v13;
	v13 =	vor.u32 $0x100, v17;
	v19 =	vshll.u32 v22, $0x2  }
0x199: {  	[tilespmem:v20+s24+$0x0] =	vst.idx.msk $0xffff, v12;
	v12 =	vand.u32 $0x7E00, v19;
	v19 =	vand.u32 $0x7F, v22  }
0x19a: {  	s13 =	sadd.s32 $0x1B90, s0;
	s0 =	smov.u32 s12;
	[tilespmem:v16+s24+$0x0] =	vst.idx.msk $0xffff, v11;
	v11 =	vor.u32 v19, v12  }
0x19b: {  	[tilespmem:v21+s23+$0x0] =	vst.idx.msk $0xffff, v15;
	v12 =	vor.u32 $0x80, v11;
	v15 =	vadd.s32 s13, v0  }
0x19c: {  	[tilespmem:v17+s24+$0x0] =	vst.idx.msk $0xffff, v10;
	v10 =	vor.u32 $0x100, v11;
	v16 =	vshll.u32 v15, $0x2  }
0x19d: {  	[tilespmem:v18+s24+$0x0] =	vst.idx.msk $0xffff, v9;
	v9 =	vand.u32 $0x7E00, v16;
	v16 =	vand.u32 $0x7F, v15  }
0x19e: {  	[tilespmem:v13+s24+$0x0] =	vst.idx.msk $0xffff, v14;
	v9 =	vor.u32 v16, v9  }
0x19f: {  	[tilespmem:v22+s23+$0x0] =	vst.idx.msk $0xffff, v8;
	v8 =	vor.u32 $0x80, v9  }
0x1a0: {  	[tilespmem:v11+s24+$0x0] =	vst.idx.msk $0xffff, v7;
	v7 =	vor.u32 $0x100, v9  }
0x1a1: {  	[tilespmem:v12+s24+$0x0] =	vst.idx.msk $0xffff, v6  }
0x1a2: {  	[tilespmem:v10+s24+$0x0] =	vst.idx.msk $0xffff, v5  }
0x1a3: {  	[tilespmem:v15+s23+$0x0] =	vst.idx.msk $0xffff, v4  }
0x1a4: {  	[tilespmem:v9+s24+$0x0] =	vst.idx.msk $0xffff, v3  }
0x1a5: {  	v29 =	vadd.s32 s0, v0;
	[tilespmem:v8+s24+$0x0] =	vst.idx.msk $0xffff, v2  }
0x1a6: {  	s12 =	sshra.s32 s3, $0x2;
	v2 =	vshll.u32 v29, $0x2;
	[tilespmem:v7+s24+$0x0] =	vst.idx.msk $0xffff, v1  }
0x1a7: {  	v1 =	vand.u32 $0x1E00, v2;
	v2 =	vand.u32 $0x7F, v29;
	v19 =	vld [tilespmem:s12+$0x4090]  }
0x1a8: {  	v31 =	vor.u32 v2, v1;
	v16 =	vld [tilespmem:s12+$0x6090]  }
0x1a9: {  	v35 =	vor.u32 $0x80, v31;
	v26 =	vld [tilespmem:s12+$0x90]  }
0x1aa: {  	v36 =	vor.u32 $0x100, v31;
	v1 =	vld [tilespmem:s12+$0x80F0]  }
0x1ab: {  	v2 =	vld [tilespmem:s12+$0x60F0]  }
0x1ac: {  	v18 =	vld [tilespmem:s12+$0xA0]  }
0x1ad: {  	v23 =	vld [tilespmem:s12+$0x8090]  }
0x1ae: {  	v3 =	vld [tilespmem:s12+$0x40F0]  }
0x1af: {  	v4 =	vld [tilespmem:s12+$0xF0]  }
0x1b0: {  	v5 =	vld [tilespmem:s12+$0x80E0]  }
0x1b1: {  	v6 =	vld [tilespmem:s12+$0x60E0]  }
0x1b2: {  	v7 =	vld [tilespmem:s12+$0x40E0]  }
0x1b3: {  	v8 =	vld [tilespmem:s12+$0xE0]  }
0x1b4: {  	v24 =	vld [tilespmem:s12+$0x60A0]  }
0x1b5: {  	v21 =	vld [tilespmem:s12+$0x80A0]  }
0x1b6: {  	v9 =	vld [tilespmem:s12+$0x60D0]  }
0x1b7: {  	v20 =	vld [tilespmem:s12+$0xB0]  }
0x1b8: {  	v10 =	vld [tilespmem:s12+$0x40D0]  }
0x1b9: {  	v11 =	vld [tilespmem:s12+$0x80C0]  }
0x1ba: {  	v12 =	vld [tilespmem:s12+$0x60C0]  }
0x1bb: {  	v13 =	vld [tilespmem:s12+$0x40C0]  }
0x1bc: {  	v17 =	vld [tilespmem:s12+$0x80B0]  }
0x1bd: {  	v22 =	vld [tilespmem:s12+$0x60B0]  }
0x1be: {  	v25 =	vld [tilespmem:s12+$0x40B0]  }
0x1bf: {  	v37 =	vld [tilespmem:s12+$0x8080]  }
0x1c0: {  	v38 =	vld [tilespmem:s12+$0x6080]  }
0x1c1: {  	v33 =	vld [tilespmem:s12+$0x4080]  }
0x1c2: {  	s13 =	sadd.s32 $0x3F0, s0;
	v34 =	vld [tilespmem:s12+$0x80]  }
0x1c3: {  	v30 =	vadd.s32 s13, v0;
	v27 =	vld [tilespmem:s12+$0xC0]  }
0x1c4: {  	v14 =	vshll.u32 v30, $0x2;
	v15 =	vld [tilespmem:s12+$0xD0]  }
0x1c5: {  	v39 =	vand.u32 $0x7F, v30;
	v32 =	vand.u32 $0x3E00, v14;
	v28 =	vld [tilespmem:s12+$0x40A0]  }
.Ltmp8:
0x1c6: {  	v32 =	vor.u32 v39, v32;
	v14 =	vld [tilespmem:s12+$0x80D0];
	s12 =	sadd.s32 $0x7E0, s0;
	(pc) =	sbr.rel @p4 .LBB2_9-.Ltmp8, $4  }
0x1c7: {  	[tilespmem:v29+s23+$0x0] =	vst.idx.msk $0xffff, v34;
	v34 =	vor.u32 $0x80, v32;
	v29 =	vadd.s32 s12, v0  }
0x1c8: {  	[tilespmem:v31+s24+$0x0] =	vst.idx.msk $0xffff, v33;
	v33 =	vor.u32 $0x100, v32;
	v31 =	vshll.u32 v29, $0x2  }
0x1c9: {  	[tilespmem:v35+s24+$0x0] =	vst.idx.msk $0xffff, v38;
	v31 =	vand.u32 $0x7E00, v31;
	v35 =	vand.u32 $0x7F, v29  }
0x1ca: {  	s12 =	sadd.s32 $0xBD0, s0;
	[tilespmem:v36+s24+$0x0] =	vst.idx.msk $0xffff, v37;
	v31 =	vor.u32 v35, v31  }
0x1cb: {  	_ =	sdelay $0x3  }
0x1cc: {  	[tilespmem:v30+s23+$0x0] =	vst.idx.msk $0xffff, v26  }
0x1cd: {  	v59 =	vor.u32 $0x80, v31;
	v60 =	vadd.s32 s12, v0;
	[tilespmem:v32+s24+$0x0] =	vst.idx.msk $0xffff, v19  }
0x1ce: {  	v61 =	vor.u32 $0x100, v31;
	v62 =	vshll.u32 v60, $0x2;
	[tilespmem:v34+s24+$0x0] =	vst.idx.msk $0xffff, v16  }
0x1cf: {  	v36 =	vand.u32 $0x7F, v60;
	v63 =	vand.u32 $0x7E00, v62;
	[tilespmem:v33+s24+$0x0] =	vst.idx.msk $0xffff, v23  }
0x1d0: {  	s3 =	sadd.s32 $0xFC0, s0;
	v16 =	vor.u32 v36, v63;
	[tilespmem:v29+s23+$0x0] =	vst.idx.msk $0xffff, v18  }
0x1d1: {  	v38 =	vadd.s32 s3, v0;
	v37 =	vor.u32 $0x80, v16;
	[tilespmem:v31+s24+$0x0] =	vst.idx.msk $0xffff, v28  }
0x1d2: {  	v40 =	vshll.u32 v38, $0x2;
	v39 =	vor.u32 $0x100, v16;
	[tilespmem:v59+s24+$0x0] =	vst.idx.msk $0xffff, v24  }
0x1d3: {  	v42 =	vand.u32 $0x7F, v38;
	v41 =	vand.u32 $0x7E00, v40;
	[tilespmem:v61+s24+$0x0] =	vst.idx.msk $0xffff, v21  }
0x1d4: {  	s29 =	sadd.s32 $0x13B0, s0;
	v43 =	vor.u32 v42, v41;
	[tilespmem:v60+s23+$0x0] =	vst.idx.msk $0xffff, v20  }
0x1d5: {  	v45 =	vadd.s32 s29, v0;
	v44 =	vor.u32 $0x80, v43;
	[tilespmem:v16+s24+$0x0] =	vst.idx.msk $0xffff, v25  }
0x1d6: {  	v47 =	vshll.u32 v45, $0x2;
	v46 =	vor.u32 $0x100, v43;
	[tilespmem:v37+s24+$0x0] =	vst.idx.msk $0xffff, v22  }
0x1d7: {  	v49 =	vand.u32 $0x7F, v45;
	v48 =	vand.u32 $0x5E00, v47;
	[tilespmem:v39+s24+$0x0] =	vst.idx.msk $0xffff, v17  }
0x1d8: {  	s30 =	sadd.s32 $0x17A0, s0;
	v50 =	vor.u32 v49, v48;
	[tilespmem:v38+s23+$0x0] =	vst.idx.msk $0xffff, v27  }
0x1d9: {  	v51 =	vadd.s32 s30, v0;
	v18 =	vor.u32 $0x80, v50;
	[tilespmem:v43+s24+$0x0] =	vst.idx.msk $0xffff, v13  }
0x1da: {  	v53 =	vshll.u32 v51, $0x2;
	v52 =	vor.u32 $0x100, v50;
	[tilespmem:v44+s24+$0x0] =	vst.idx.msk $0xffff, v12  }
0x1db: {  	v55 =	vand.u32 $0x7F, v51;
	v54 =	vand.u32 $0x7E00, v53;
	[tilespmem:v46+s24+$0x0] =	vst.idx.msk $0xffff, v11  }
0x1dc: {  	s31 =	sadd.s32 $0x1B90, s0;
	v56 =	vor.u32 v55, v54;
	[tilespmem:v45+s23+$0x0] =	vst.idx.msk $0xffff, v15  }
0x1dd: {  	v57 =	vadd.s32 s31, v0;
	v12 =	vor.u32 $0x80, v56;
	[tilespmem:v50+s24+$0x0] =	vst.idx.msk $0xffff, v10  }
0x1de: {  	v58 =	vor.u32 $0x100, v56;
	v59 =	vshll.u32 v57, $0x2;
	[tilespmem:v18+s24+$0x0] =	vst.idx.msk $0xffff, v9  }
0x1df: {  	v61 =	vand.u32 $0x7F, v57;
	v60 =	vand.u32 $0x7E00, v59;
	[tilespmem:v52+s24+$0x0] =	vst.idx.msk $0xffff, v14  }
0x1e0: {  	v9 =	vor.u32 v61, v60;
	[tilespmem:v51+s23+$0x0] =	vst.idx.msk $0xffff, v8  }
0x1e1: {  	v62 =	vor.u32 $0x80, v9;
	[tilespmem:v56+s24+$0x0] =	vst.idx.msk $0xffff, v7  }
0x1e2: {  	v63 =	vor.u32 $0x100, v9;
	[tilespmem:v12+s24+$0x0] =	vst.idx.msk $0xffff, v6  }
.Ltmp9:
0x1e3: {  	[tilespmem:v58+s24+$0x0] =	vst.idx.msk $0xffff, v5;
	(pc) =	sbr.rel @!p1 .LBB2_11-.Ltmp9, $4  }
0x1e4: {  	[tilespmem:v57+s23+$0x0] =	vst.idx.msk $0xffff, v4  }
0x1e5: {  	[tilespmem:v9+s24+$0x0] =	vst.idx.msk $0xffff, v3  }
0x1e6: {  	[tilespmem:v62+s24+$0x0] =	vst.idx.msk $0xffff, v2  }
0x1e7: {  	[tilespmem:v63+s24+$0x0] =	vst.idx.msk $0xffff, v1  }
.Ltmp10:
0x1e8: {  	(pc) =	sbr.rel @p3 .LBB2_15-.Ltmp10, $1  }
0x1e9: {  	_ =	sdelay $0x3  }
0x1ea: {  	s0 =	rddreg [dreg:$0x5]  }
0x1eb: {  	[hbm4b:s0+s6] =	stream.linear.scatter [tilespmem:s23], [sflag:$0x3], $0x13B0, $0x38;
	[tilespmem:$0x19D80] =	vst v63  }
0x1ec: {  	_ =	swait.ge [sflag:s25], $0x13B0  }
0x1ed: {  	[sflag:s25] =	ssyncset.done $0x0  }
.Ltmp11:
0x1ee: {  	s31 =	rddreg [dreg:$0x6];
	[sflag:s25] =	ssyncadd.s32 $0xFFFFEC50;
	(pc) =	sbr.rel .LBB2_16-.Ltmp11, $4  }
0x1ef: {  	[hbm4b:s31+s6] =	stream.linear.scatter [tilespmem:s24], [sflag:$0x3], $0x5000, $0x38;
	[tilespmem:$0x19D80] =	vst v63  }
0x1f0: {  	_ =	swait.ge [sflag:s25], $0x5000  }
0x1f1: {  	[sflag:s25] =	ssyncset.done $0x0  }
0x1f2: {  	[sflag:s25] =	ssyncadd.s32 $0xFFFFB000  }
.LBB2_17:
0x1f3: {  	_ =	sfence.sel $0x180000  }
0x1f4: {  	[bflag:$0x0] =	sbarrier.arrive $0xFFFF  }
0x1f5: {  	_ =	strace $0x90000047  }
0x1f6: {  	s0 =	stileid.u32;
	[bflag:$0x2] =	sbarrier.arrive $0xFFFF  }
0x1f7: {  	p0 =	sne.s32 s0, $0x0;
	s0 =	rddreg [dreg:$0x4]  }
0x1f8: {  	s0 =	sadd.s32 @!p0 $0x100000, s0  }
0x1f9: {  	[sflag:s0] =	ssyncadd.tile.s32 @!p0 $0x1;
	_ =	shalt  }
.Lfunc_end2:
_tile_overlayer_lowered:
.L_overlay_start_2:
0x1fa: {  	(tag) =	ssettag $0x2  }
0x1fb: {  	s0 =	rddreg [dreg:$0x0];
	s2 =	stileid.u32  }
0x1fc: {  	s1 =	rddreg [dreg:$0x1];
	p0 =	sne.s32 s2, $0x0  }
0x1fd: {  	s3 =	rddreg [dreg:$0x2];
	[bflag:$0x3] =	sbarrier.arrive $0xFFFF;
	s2 =	simm.s32 @!p0 $0x1C04  }
0x1fe: {  	[timem:s3], [sflag:s2] =	dma.local @!p0 [hbm:s0], s1  }
0x1ff: {  	s0 =	simm.s32 @!p0 $0x4  }
0x200: {  	_ =	swait.ge @!p0 [sflag:s0], s1  }
0x201: {  	s1 =	ssub.s32 @!p0 $0x0, s1;
	[sflag:s0] =	ssyncset.done @!p0 $0x0  }
0x202: {  	[sflag:s0] =	ssyncadd.s32 @!p0 s1  }
0x203: {  	[bflag:$0x3] =	sbarrier.arrive $0xFFFF  }
0x204: {  	_ =	shalt  }

</sc_bundles>
